<compile_context>
chip_gen: v7x
topology: tpu7x:2x2x1
jax: 0.10.2.dev20260603
libtpu: 0.0.44.dev20260713+nightly
codegen_flags: <defaults>
</compile_context>

<pallas_src>
import functools

import jax
import jax.numpy as jnp
from jax import lax
from jax.experimental import pallas as pl
from jax.experimental.pallas import tpu as pltpu
from jax.experimental.pallas import tpu_sc as plsc

_N_F = 7
_N_P = 16
_COLS = _N_F + _N_P
_D = 64
_CHUNK = 128
_LANES = 16
_N_TILES = 32


def _table_body(f_ref, p_ref, wf_ref, wp_ref, b_ref, t_ref):
    wf = jnp.dot(f_ref[...], wf_ref[...], preferred_element_type=jnp.float32)
    wp = jnp.dot(p_ref[...], wp_ref[...], preferred_element_type=jnp.float32)
    t_ref[...] = wf[:, None, :] + wp[None, :, :] + b_ref[...]


def _build_table(f_table, p_table, fc_w, fc_b):
    t3 = pl.pallas_call(
        _table_body,
        out_shape=jax.ShapeDtypeStruct((_N_F, _N_P, _D), jnp.float32),
    )(
        f_table,
        p_table,
        fc_w[:, :_N_P].T,
        fc_w[:, _N_P:].T,
        fc_b.reshape(1, 1, _D),
    )
    return t3.reshape(_N_F * _N_P * _D)


def _edge_embed(edge, t_flat, n):
    assert n % _CHUNK == 0
    n_chunks = n // _CHUNK
    mesh = plsc.VectorSubcoreMesh(core_axis_name="c", subcore_axis_name="s")

    @functools.partial(
        pl.kernel,
        mesh=mesh,
        compiler_params=pltpu.CompilerParams(
            needs_layout_passes=False, use_tc_tiling_on_sc=True),
        out_type=jax.ShapeDtypeStruct((n, _D), jnp.float32),
        scratch_types=[
            pltpu.VMEM((_CHUNK, _COLS), jnp.float32),
            pltpu.VMEM((_CHUNK, _COLS), jnp.float32),
            pltpu.VMEM((_CHUNK, _COLS), jnp.float32),
            pltpu.VMEM((_CHUNK, _D), jnp.float32),
            pltpu.VMEM((_CHUNK, _D), jnp.float32),
            pltpu.VMEM((_CHUNK, _D), jnp.float32),
            pltpu.VMEM((_N_F * _N_P * _D,), jnp.float32),
            pltpu.SemaphoreType.DMA,
            pltpu.SemaphoreType.DMA,
            pltpu.SemaphoreType.DMA,
            pltpu.SemaphoreType.DMA,
            pltpu.SemaphoreType.DMA,
            pltpu.SemaphoreType.DMA,
        ],
    )
    def run(edge_hbm, t_hbm, out_hbm, ev0, ev1, ev2, ov0, ov1, ov2, t_v,
            si0, si1, si2, so0, so1, so2):
        cid = lax.axis_index("c")
        sid = lax.axis_index("s")
        wid = sid * 2 + cid
        pltpu.sync_copy(t_hbm, t_v)
        my_n = (n_chunks - wid + _N_TILES - 1) // _N_TILES
        edge_bufs = (ev0, ev1, ev2)
        out_bufs = (ov0, ov1, ov2)
        sin = (si0, si1, si2)
        sout = (so0, so1, so2)

        lane = lax.iota(jnp.int32, _LANES)
        fmask = lane < _N_F
        ninf = jnp.full((_LANES,), -jnp.inf, jnp.float32)

        def in_slice(i):
            return edge_hbm.at[pl.ds((wid + i * _N_TILES) * _CHUNK, _CHUNK)]

        def out_slice(i):
            return out_hbm.at[pl.ds((wid + i * _N_TILES) * _CHUNK, _CHUNK)]

        def compute(edge_v, out_v):
            @plsc.parallel_loop(0, _CHUNK, unroll=8)
            def row_body(r):
                va = edge_v[r, pl.ds(0, _LANES)]
                vb = edge_v[r, pl.ds(_N_F, _LANES)]
                va_f = jnp.where(fmask, va, ninf)
                feq = va_f == jnp.max(va_f)
                fidx = plsc.all_reduce_ffs(feq)
                peq = vb == jnp.max(vb)
                pidx = plsc.all_reduce_ffs(peq)
                tb = ((fidx * _N_P + pidx) * _D)[0]
                for q in range(0, _D, _LANES):
                    out_v[r, pl.ds(q, _LANES)] = t_v[pl.ds(tb + q, _LANES)]

        for b in range(3):
            @pl.when(b < my_n)
            def _():
                pltpu.async_copy(in_slice(b), edge_bufs[b], sin[b])

        def outer(j, carry):
            for b in range(3):
                i = 3 * j + b

                @pl.when(i < my_n)
                def _():
                    pltpu.make_async_copy(in_slice(i), edge_bufs[b], sin[b]).wait()

                    @pl.when(i >= 3)
                    def _():
                        pltpu.make_async_copy(
                            out_bufs[b], out_slice(i - 3), sout[b]).wait()

                    compute(edge_bufs[b], out_bufs[b])
                    pltpu.async_copy(out_bufs[b], out_slice(i), sout[b])

                    @pl.when(i + 3 < my_n)
                    def _():
                        pltpu.async_copy(in_slice(i + 3), edge_bufs[b], sin[b])
            return carry

        lax.fori_loop(0, (my_n + 2) // 3, outer, 0)

        for b in range(3):
            @pl.when(b < my_n)
            def _():
                pltpu.make_async_copy(out_bufs[b], out_slice(b), sout[b]).wait()

    return run(edge, t_flat)


def kernel(edge, p_table, f_table, fc_w, fc_b):
    n = edge.shape[0]
    t = _build_table(f_table, p_table, fc_w, fc_b)
    return _edge_embed(edge, t, n)

# --- scband reference (transcript-rebuilt; emitter-appended) ---
"""Pipeline reference for scband-edge-embedding-71829033058510 (READ-ONLY COPY).

The authoritative reference and input builder live on the scoring server;
editing this copy changes nothing except your own understanding.
"""

import jax, jax.numpy as jnp
import numpy as np

EDGE_P_SIZE = 16
EDGE_F_SIZE = 7
P_DIM = 16
F_DIM = 16
D = 64
N_EDGES = 1600000


def setup_inputs(seed: int = 0) -> dict:
    key = jax.random.key(seed)
    k1, k2, k3, k4 = jax.random.split(key, 4)
    # edge: first 7 cols are f scores (one-hot-ish), remaining 16 cols are p scores
    edge = jax.random.uniform(k1, (N_EDGES, EDGE_F_SIZE + EDGE_P_SIZE), dtype=jnp.float32)
    # learned parameters
    p_table = jax.random.normal(k2, (EDGE_P_SIZE, P_DIM), dtype=jnp.float32) * 0.02
    f_table = jax.random.normal(k3, (EDGE_F_SIZE, F_DIM), dtype=jnp.float32) * 0.02
    fc_w = jax.random.normal(k4, (D, P_DIM + F_DIM), dtype=jnp.float32) * 0.05
    fc_b = jnp.zeros((D,), dtype=jnp.float32)
    return {"edge": edge, "p_table": p_table, "f_table": f_table, "fc_w": fc_w, "fc_b": fc_b}


def reference(edge, p_table, f_table, fc_w, fc_b):
    f = edge[:, :7]
    p = edge[:, 7:]
    p_idx = jnp.argmax(p, axis=1)
    f_idx = jnp.argmax(f, axis=1)
    p_e = jnp.take(p_table, p_idx, axis=0)
    f_e = jnp.take(f_table, f_idx, axis=0)
    cat = jnp.concatenate((f_e, p_e), axis=1).astype(jnp.float32)
    out_embed = cat @ fc_w.T + fc_b
    return out_embed

if __name__ == "__main__":
    import jax
    _d = setup_inputs()
    print(jax.jit(kernel)(*tuple(_d.values())))

</pallas_src>

<mosaic_0001>
#map = affine_map<(d0, d1) -> (0, 0)>
#map1 = affine_map<(d0, d1) -> (0)>
module attributes {stable_mosaic.version = 14 : i64} {
  func.func @run(%arg0: i32, %arg1: i32, %arg2: memref<1600000x23xf32, #tpu.memory_space<hbm>>, %arg3: memref<7168xf32, #tpu.memory_space<hbm>>, %arg4: memref<1600000x64xf32, #tpu.memory_space<hbm>>, %arg5: memref<128x23xf32, #tpu.memory_space<vmem>>, %arg6: memref<128x23xf32, #tpu.memory_space<vmem>>, %arg7: memref<128x23xf32, #tpu.memory_space<vmem>>, %arg8: memref<128x64xf32, #tpu.memory_space<vmem>>, %arg9: memref<128x64xf32, #tpu.memory_space<vmem>>, %arg10: memref<128x64xf32, #tpu.memory_space<vmem>>, %arg11: memref<7168xf32, #tpu.memory_space<vmem>>, %arg12: memref<!tpu.dma_semaphore, #tpu.memory_space<semaphore_mem>>, %arg13: memref<!tpu.dma_semaphore, #tpu.memory_space<semaphore_mem>>, %arg14: memref<!tpu.dma_semaphore, #tpu.memory_space<semaphore_mem>>, %arg15: memref<!tpu.dma_semaphore, #tpu.memory_space<semaphore_mem>>, %arg16: memref<!tpu.dma_semaphore, #tpu.memory_space<semaphore_mem>>, %arg17: memref<!tpu.dma_semaphore, #tpu.memory_space<semaphore_mem>>) attributes {dimension_semantics = [#tpu.dimension_semantics<core_parallel>, #tpu.dimension_semantics<subcore_parallel>], iteration_bounds = array<i64: 2, 16>, scalar_prefetch = 0 : i64, scratch_operands = 13 : i64, tpu.core_type = #tpu.core_type<sc_vector_subcore>, window_params = [{transform_indices = #map}, {transform_indices = #map1}, {transform_indices = #map}]} {
    %mul3A = arith.constant 2 : i32
    %mul3A_0 = arith.muli %arg1, %mul3A : i32
    %add3A = arith.addi %mul3A_0, %arg0 : i32
    "tpu.region"() ({
      %run_scoped3A = tpu.sem_alloc : memref<!tpu.dma_semaphore, #tpu.memory_space<semaphore_mem>>
      tpu.enqueue_dma source(%arg3 : memref<7168xf32, #tpu.memory_space<hbm>>) target(%arg11 : memref<7168xf32, #tpu.memory_space<vmem>>) target_semaphore(%run_scoped3A : memref<!tpu.dma_semaphore, #tpu.memory_space<semaphore_mem>>)
      tpu.wait_dma2 semaphore(%run_scoped3A : memref<!tpu.dma_semaphore, #tpu.memory_space<semaphore_mem>>) src(%arg3 : memref<7168xf32, #tpu.memory_space<hbm>>) dst(%arg11 : memref<7168xf32, #tpu.memory_space<vmem>>)
      tpu.yield
    }) : () -> ()
    %sub3A = arith.constant 12500 : i32
    %sub3A_1 = arith.subi %sub3A, %add3A : i32
    %add3A_2 = arith.constant 32 : i32
    %add3A_3 = arith.addi %sub3A_1, %add3A_2 : i32
    %sub3A_4 = arith.constant 1 : i32
    %sub3A_5 = arith.subi %add3A_3, %sub3A_4 : i32
    %jit3A = arith.constant 32 : i32
    %div3A = arith.divsi %sub3A_5, %jit3A : i32
    %sign3A = arith.constant 0 : i32
    %sign3A_6 = arith.cmpi sgt, %sub3A_5, %sign3A : i32
    %sign3A_7 = arith.extui %sign3A_6 : i1 to i32
    %sign3A_8 = arith.constant 0 : i32
    %sign3A_9 = arith.cmpi slt, %sub3A_5, %sign3A_8 : i32
    %sign3A_10 = arith.extui %sign3A_9 : i1 to i32
    %sign3A_11 = arith.subi %sign3A_7, %sign3A_10 : i32
    %sign3A_12 = arith.constant 0 : i32
    %sign3A_13 = arith.cmpi sgt, %jit3A, %sign3A_12 : i32
    %sign3A_14 = arith.extui %sign3A_13 : i1 to i32
    %sign3A_15 = arith.constant 0 : i32
    %sign3A_16 = arith.cmpi slt, %jit3A, %sign3A_15 : i32
    %sign3A_17 = arith.extui %sign3A_16 : i1 to i32
    %sign3A_18 = arith.subi %sign3A_14, %sign3A_17 : i32
    %ne3A = arith.cmpi ne, %sign3A_11, %sign3A_18 : i32
    %rem3A = arith.remsi %sub3A_5, %jit3A : i32
    %ne3A_19 = arith.constant 0 : i32
    %ne3A_20 = arith.cmpi ne, %rem3A, %ne3A_19 : i32
    %and3A = arith.andi %ne3A, %ne3A_20 : i1
    %sub3A_21 = arith.constant 1 : i32
    %sub3A_22 = arith.subi %div3A, %sub3A_21 : i32
    %select_n3A = arith.select %and3A, %sub3A_22, %div3A : i32
    %iota3A = tpu.iota {dimensions = array<i32: 0>} : vector<16xi32>
    %lt3A = arith.constant 7 : i32
    %lt3A_23 = vector.broadcast %lt3A : i32 to vector<16xi32>
    %lt3A_24 = arith.cmpi slt, %iota3A, %lt3A_23 : vector<16xi32>
    %broadcast_in_dim3A = arith.constant 0xFF800000 : f32
    %broadcast_in_dim3A_25 = vector.broadcast %broadcast_in_dim3A : f32 to vector<16xf32>
    %gt3A = arith.constant 0 : i32
    %gt3A_26 = arith.cmpi sgt, %select_n3A, %gt3A : i32
    %convert_element_type3A = arith.extui %gt3A_26 : i1 to i32
    %cond3A = arith.constant 0 : i32
    %cond3A_27 = arith.cmpi ne, %convert_element_type3A, %cond3A : i32
    scf.if %cond3A_27 {
      %add3A_88 = arith.constant 0 : i32
      %add3A_89 = arith.addi %add3A, %add3A_88 : i32
      %mul3A_90 = arith.constant 128 : i32
      %mul3A_91 = arith.muli %add3A_89, %mul3A_90 : i32
      %dma_start3A = arith.constant 0 : i32
      %dma_start3A_92 = tpu.memref_slice %arg2[%mul3A_91, %dma_start3A] : memref<1600000x23xf32, #tpu.memory_space<hbm>> -> memref<128x23xf32, #tpu.memory_space<hbm>>
      %dma_start3A_93 = arith.constant 0 : i32
      %dma_start3A_94 = tpu.memref_slice %arg2[%mul3A_91, %dma_start3A_93] : memref<1600000x23xf32, #tpu.memory_space<hbm>> -> memref<128x23xf32, #tpu.memory_space<hbm>>
      tpu.enqueue_dma source(%dma_start3A_94 : memref<128x23xf32, #tpu.memory_space<hbm>>) target(%arg5 : memref<128x23xf32, #tpu.memory_space<vmem>>) target_semaphore(%arg12 : memref<!tpu.dma_semaphore, #tpu.memory_space<semaphore_mem>>)
    } else {
    }
    %gt3A_28 = arith.constant 1 : i32
    %gt3A_29 = arith.cmpi sgt, %select_n3A, %gt3A_28 : i32
    %convert_element_type3A_30 = arith.extui %gt3A_29 : i1 to i32
    %cond3A_31 = arith.constant 0 : i32
    %cond3A_32 = arith.cmpi ne, %convert_element_type3A_30, %cond3A_31 : i32
    scf.if %cond3A_32 {
      %add3A_88 = arith.constant 32 : i32
      %add3A_89 = arith.addi %add3A, %add3A_88 : i32
      %mul3A_90 = arith.constant 128 : i32
      %mul3A_91 = arith.muli %add3A_89, %mul3A_90 : i32
      %dma_start3A = arith.constant 0 : i32
      %dma_start3A_92 = tpu.memref_slice %arg2[%mul3A_91, %dma_start3A] : memref<1600000x23xf32, #tpu.memory_space<hbm>> -> memref<128x23xf32, #tpu.memory_space<hbm>>
      %dma_start3A_93 = arith.constant 0 : i32
      %dma_start3A_94 = tpu.memref_slice %arg2[%mul3A_91, %dma_start3A_93] : memref<1600000x23xf32, #tpu.memory_space<hbm>> -> memref<128x23xf32, #tpu.memory_space<hbm>>
      tpu.enqueue_dma source(%dma_start3A_94 : memref<128x23xf32, #tpu.memory_space<hbm>>) target(%arg6 : memref<128x23xf32, #tpu.memory_space<vmem>>) target_semaphore(%arg13 : memref<!tpu.dma_semaphore, #tpu.memory_space<semaphore_mem>>)
    } else {
    }
    %gt3A_33 = arith.constant 2 : i32
    %gt3A_34 = arith.cmpi sgt, %select_n3A, %gt3A_33 : i32
    %convert_element_type3A_35 = arith.extui %gt3A_34 : i1 to i32
    %cond3A_36 = arith.constant 0 : i32
    %cond3A_37 = arith.cmpi ne, %convert_element_type3A_35, %cond3A_36 : i32
    scf.if %cond3A_37 {
      %add3A_88 = arith.constant 64 : i32
      %add3A_89 = arith.addi %add3A, %add3A_88 : i32
      %mul3A_90 = arith.constant 128 : i32
      %mul3A_91 = arith.muli %add3A_89, %mul3A_90 : i32
      %dma_start3A = arith.constant 0 : i32
      %dma_start3A_92 = tpu.memref_slice %arg2[%mul3A_91, %dma_start3A] : memref<1600000x23xf32, #tpu.memory_space<hbm>> -> memref<128x23xf32, #tpu.memory_space<hbm>>
      %dma_start3A_93 = arith.constant 0 : i32
      %dma_start3A_94 = tpu.memref_slice %arg2[%mul3A_91, %dma_start3A_93] : memref<1600000x23xf32, #tpu.memory_space<hbm>> -> memref<128x23xf32, #tpu.memory_space<hbm>>
      tpu.enqueue_dma source(%dma_start3A_94 : memref<128x23xf32, #tpu.memory_space<hbm>>) target(%arg7 : memref<128x23xf32, #tpu.memory_space<vmem>>) target_semaphore(%arg14 : memref<!tpu.dma_semaphore, #tpu.memory_space<semaphore_mem>>)
    } else {
    }
    %add3A_38 = arith.constant 2 : i32
    %add3A_39 = arith.addi %select_n3A, %add3A_38 : i32
    %jit3A_40 = arith.constant 3 : i32
    %div3A_41 = arith.divsi %add3A_39, %jit3A_40 : i32
    %sign3A_42 = arith.constant 0 : i32
    %sign3A_43 = arith.cmpi sgt, %add3A_39, %sign3A_42 : i32
    %sign3A_44 = arith.extui %sign3A_43 : i1 to i32
    %sign3A_45 = arith.constant 0 : i32
    %sign3A_46 = arith.cmpi slt, %add3A_39, %sign3A_45 : i32
    %sign3A_47 = arith.extui %sign3A_46 : i1 to i32
    %sign3A_48 = arith.subi %sign3A_44, %sign3A_47 : i32
    %sign3A_49 = arith.constant 0 : i32
    %sign3A_50 = arith.cmpi sgt, %jit3A_40, %sign3A_49 : i32
    %sign3A_51 = arith.extui %sign3A_50 : i1 to i32
    %sign3A_52 = arith.constant 0 : i32
    %sign3A_53 = arith.cmpi slt, %jit3A_40, %sign3A_52 : i32
    %sign3A_54 = arith.extui %sign3A_53 : i1 to i32
    %sign3A_55 = arith.subi %sign3A_51, %sign3A_54 : i32
    %ne3A_56 = arith.cmpi ne, %sign3A_48, %sign3A_55 : i32
    %rem3A_57 = arith.remsi %add3A_39, %jit3A_40 : i32
    %ne3A_58 = arith.constant 0 : i32
    %ne3A_59 = arith.cmpi ne, %rem3A_57, %ne3A_58 : i32
    %and3A_60 = arith.andi %ne3A_56, %ne3A_59 : i1
    %sub3A_61 = arith.constant 1 : i32
    %sub3A_62 = arith.subi %div3A_41, %sub3A_61 : i32
    %select_n3A_63 = arith.select %and3A_60, %sub3A_62, %div3A_41 : i32
    %while3A = arith.constant 0 : i32
    %while3A_64 = arith.constant 0 : i32
    %while3A_65 = arith.subi %select_n3A_63, %while3A_64 : i32
    %while3A_66 = arith.addi %while3A_64, %while3A_65 : i32
    %while3A_67 = arith.constant 1 : i32
    %while3A_68 = arith.divsi %while3A_65, %while3A_67 : i32
    %while3A_69 = arith.muli %while3A_68, %while3A_67 : i32
    %while3A_70 = arith.addi %while3A_64, %while3A_69 : i32
    %while3A_71 = arith.constant 1 : i32
    scf.for %while3A_88 = %while3A_64 to %while3A_70 step %while3A_71  : i32 {
      %mul3A_89 = arith.constant 3 : i32
      %mul3A_90 = arith.muli %mul3A_89, %while3A_88 : i32
      %add3A_91 = arith.constant 0 : i32
      %add3A_92 = arith.addi %mul3A_90, %add3A_91 : i32
      %lt3A_93 = arith.cmpi slt, %add3A_92, %select_n3A : i32
      %convert_element_type3A_94 = arith.extui %lt3A_93 : i1 to i32
      %cond3A_95 = arith.constant 0 : i32
      %cond3A_96 = arith.cmpi ne, %convert_element_type3A_94, %cond3A_95 : i32
      scf.if %cond3A_96 {
        %mul3A_113 = arith.constant 32 : i32
        %mul3A_114 = arith.muli %add3A_92, %mul3A_113 : i32
        %add3A_115 = arith.addi %add3A, %mul3A_114 : i32
        %mul3A_116 = arith.constant 128 : i32
        %mul3A_117 = arith.muli %add3A_115, %mul3A_116 : i32
        %dma_wait3A = arith.constant 0 : i32
        %dma_wait3A_118 = tpu.memref_slice %arg2[%mul3A_117, %dma_wait3A] : memref<1600000x23xf32, #tpu.memory_space<hbm>> -> memref<128x23xf32, #tpu.memory_space<hbm>>
        %dma_wait3A_119 = arith.constant 0 : i32
        %dma_wait3A_120 = tpu.memref_slice %arg2[%mul3A_117, %dma_wait3A_119] : memref<1600000x23xf32, #tpu.memory_space<hbm>> -> memref<128x23xf32, #tpu.memory_space<hbm>>
        tpu.wait_dma2 semaphore(%arg12 : memref<!tpu.dma_semaphore, #tpu.memory_space<semaphore_mem>>) src(%dma_wait3A_120 : memref<128x23xf32, #tpu.memory_space<hbm>>) dst(%arg5 : memref<128x23xf32, #tpu.memory_space<vmem>>)
        %ge3A = arith.constant 3 : i32
        %ge3A_121 = arith.cmpi sge, %add3A_92, %ge3A : i32
        %convert_element_type3A_122 = arith.extui %ge3A_121 : i1 to i32
        %cond3A_123 = arith.constant 0 : i32
        %cond3A_124 = arith.cmpi ne, %convert_element_type3A_122, %cond3A_123 : i32
        scf.if %cond3A_124 {
          %sub3A_141 = arith.constant 3 : i32
          %sub3A_142 = arith.subi %add3A_92, %sub3A_141 : i32
          %mul3A_143 = arith.constant 32 : i32
          %mul3A_144 = arith.muli %sub3A_142, %mul3A_143 : i32
          %add3A_145 = arith.addi %add3A, %mul3A_144 : i32
          %mul3A_146 = arith.constant 128 : i32
          %mul3A_147 = arith.muli %add3A_145, %mul3A_146 : i32
          %dma_wait3A_148 = arith.constant 0 : i32
          %dma_wait3A_149 = tpu.memref_slice %arg4[%mul3A_147, %dma_wait3A_148] : memref<1600000x64xf32, #tpu.memory_space<hbm>> -> memref<128x64xf32, #tpu.memory_space<hbm>>
          %dma_wait3A_150 = arith.constant 0 : i32
          %dma_wait3A_151 = tpu.memref_slice %arg4[%mul3A_147, %dma_wait3A_150] : memref<1600000x64xf32, #tpu.memory_space<hbm>> -> memref<128x64xf32, #tpu.memory_space<hbm>>
          tpu.wait_dma2 semaphore(%arg15 : memref<!tpu.dma_semaphore, #tpu.memory_space<semaphore_mem>>) src(%arg8 : memref<128x64xf32, #tpu.memory_space<vmem>>) dst(%dma_wait3A_151 : memref<128x64xf32, #tpu.memory_space<hbm>>)
        } else {
        }
        %parallel_loop3A = arith.constant 0 : i32
        %parallel_loop3A_125 = arith.constant 128 : i32
        %parallel_loop3A_126 = arith.constant 1 : i32
        scf.for %parallel_loop3A_141 = %parallel_loop3A to %parallel_loop3A_125 step %parallel_loop3A_126  : i32 {
          %parallel_loop3A_142 = arith.index_cast %parallel_loop3A_141 : i32 to index
          %parallel_loop3A_143 = arith.constant 0 : index
          %parallel_loop3A_144 = tpu.vector_load %arg5[%parallel_loop3A_142, %parallel_loop3A_143] {strides = array<i32>} : memref<128x23xf32, #tpu.memory_space<vmem>>, vector<16xf32>,
          %parallel_loop3A_145 = arith.index_cast %parallel_loop3A_141 : i32 to index
          %parallel_loop3A_146 = arith.constant 7 : index
          %parallel_loop3A_147 = tpu.vector_load %arg5[%parallel_loop3A_145, %parallel_loop3A_146] {strides = array<i32>} : memref<128x23xf32, #tpu.memory_space<vmem>>, vector<16xf32>,
          %parallel_loop3A_148 = arith.select %lt3A_24, %parallel_loop3A_144, %broadcast_in_dim3A_25 : vector<16xi1>, vector<16xf32>
          %parallel_loop3A_149 = arith.constant true
          %parallel_loop3A_150 = vector.broadcast %parallel_loop3A_149 : i1 to vector<16xi1>
          %parallel_loop3A_151 = tpu.scan <max>, %parallel_loop3A_148 masked %parallel_loop3A_150 : vector<16xf32>, vector<16xi1> -> vector<16xf32>
          %parallel_loop3A_152 = vector.extract %parallel_loop3A_151[15] : f32 from vector<16xf32>
          %parallel_loop3A_153 = vector.broadcast %parallel_loop3A_152 : f32 to vector<16xf32>
          %parallel_loop3A_154 = arith.cmpf oeq, %parallel_loop3A_148, %parallel_loop3A_153 : vector<16xf32>
          %parallel_loop3A_155 = tpu.all_reduce %parallel_loop3A_154 {dim = 0 : i64, kind = #tpu.reduction_kind<find_first_set>} : vector<16xi1> -> vector<16xi32>
          %parallel_loop3A_156 = arith.constant true
          %parallel_loop3A_157 = vector.broadcast %parallel_loop3A_156 : i1 to vector<16xi1>
          %parallel_loop3A_158 = tpu.scan <max>, %parallel_loop3A_147 masked %parallel_loop3A_157 : vector<16xf32>, vector<16xi1> -> vector<16xf32>
          %parallel_loop3A_159 = vector.extract %parallel_loop3A_158[15] : f32 from vector<16xf32>
          %parallel_loop3A_160 = vector.broadcast %parallel_loop3A_159 : f32 to vector<16xf32>
          %parallel_loop3A_161 = arith.cmpf oeq, %parallel_loop3A_147, %parallel_loop3A_160 : vector<16xf32>
          %parallel_loop3A_162 = tpu.all_reduce %parallel_loop3A_161 {dim = 0 : i64, kind = #tpu.reduction_kind<find_first_set>} : vector<16xi1> -> vector<16xi32>
          %parallel_loop3A_163 = arith.constant 16 : i32
          %parallel_loop3A_164 = vector.broadcast %parallel_loop3A_163 : i32 to vector<16xi32>
          %parallel_loop3A_165 = arith.muli %parallel_loop3A_155, %parallel_loop3A_164 : vector<16xi32>
          %parallel_loop3A_166 = arith.addi %parallel_loop3A_165, %parallel_loop3A_162 : vector<16xi32>
          %parallel_loop3A_167 = arith.constant 64 : i32
          %parallel_loop3A_168 = vector.broadcast %parallel_loop3A_167 : i32 to vector<16xi32>
          %parallel_loop3A_169 = arith.muli %parallel_loop3A_166, %parallel_loop3A_168 : vector<16xi32>
          %parallel_loop3A_170 = vector.extract_strided_slice %parallel_loop3A_169 {offsets = [0], sizes = [1], strides = [1]} : vector<16xi32> to vector<1xi32>
          %parallel_loop3A_171 = vector.extract %parallel_loop3A_170[0] : i32 from vector<1xi32>
          %parallel_loop3A_172 = arith.constant 0 : i32
          %parallel_loop3A_173 = arith.addi %parallel_loop3A_171, %parallel_loop3A_172 : i32
          %parallel_loop3A_174 = arith.index_cast %parallel_loop3A_173 : i32 to index
          %parallel_loop3A_175 = tpu.vector_load %arg11[%parallel_loop3A_174] {strides = array<i32>} : memref<7168xf32, #tpu.memory_space<vmem>>, vector<16xf32>,
          %parallel_loop3A_176 = arith.index_cast %parallel_loop3A_141 : i32 to index
          %parallel_loop3A_177 = arith.constant 0 : index
          %parallel_loop3A_178 = tpu.vector_load %arg8[%parallel_loop3A_176, %parallel_loop3A_177] {strides = array<i32>} : memref<128x64xf32, #tpu.memory_space<vmem>>, vector<16xf32>,
          tpu.vector_store %arg8[%parallel_loop3A_176, %parallel_loop3A_177], %parallel_loop3A_175 {strides = array<i32>} : memref<128x64xf32, #tpu.memory_space<vmem>>, vector<16xf32>,
          %parallel_loop3A_179 = arith.constant 16 : i32
          %parallel_loop3A_180 = arith.addi %parallel_loop3A_171, %parallel_loop3A_179 : i32
          %parallel_loop3A_181 = arith.index_cast %parallel_loop3A_180 : i32 to index
          %parallel_loop3A_182 = tpu.vector_load %arg11[%parallel_loop3A_181] {strides = array<i32>} : memref<7168xf32, #tpu.memory_space<vmem>>, vector<16xf32>,
          %parallel_loop3A_183 = arith.index_cast %parallel_loop3A_141 : i32 to index
          %parallel_loop3A_184 = arith.constant 16 : index
          %parallel_loop3A_185 = tpu.vector_load %arg8[%parallel_loop3A_183, %parallel_loop3A_184] {strides = array<i32>} : memref<128x64xf32, #tpu.memory_space<vmem>>, vector<16xf32>,
          tpu.vector_store %arg8[%parallel_loop3A_183, %parallel_loop3A_184], %parallel_loop3A_182 {strides = array<i32>} : memref<128x64xf32, #tpu.memory_space<vmem>>, vector<16xf32>,
          %parallel_loop3A_186 = arith.constant 32 : i32
          %parallel_loop3A_187 = arith.addi %parallel_loop3A_171, %parallel_loop3A_186 : i32
          %parallel_loop3A_188 = arith.index_cast %parallel_loop3A_187 : i32 to index
          %parallel_loop3A_189 = tpu.vector_load %arg11[%parallel_loop3A_188] {strides = array<i32>} : memref<7168xf32, #tpu.memory_space<vmem>>, vector<16xf32>,
          %parallel_loop3A_190 = arith.index_cast %parallel_loop3A_141 : i32 to index
          %parallel_loop3A_191 = arith.constant 32 : index
          %parallel_loop3A_192 = tpu.vector_load %arg8[%parallel_loop3A_190, %parallel_loop3A_191] {strides = array<i32>} : memref<128x64xf32, #tpu.memory_space<vmem>>, vector<16xf32>,
          tpu.vector_store %arg8[%parallel_loop3A_190, %parallel_loop3A_191], %parallel_loop3A_189 {strides = array<i32>} : memref<128x64xf32, #tpu.memory_space<vmem>>, vector<16xf32>,
          %parallel_loop3A_193 = arith.constant 48 : i32
          %parallel_loop3A_194 = arith.addi %parallel_loop3A_171, %parallel_loop3A_193 : i32
          %parallel_loop3A_195 = arith.index_cast %parallel_loop3A_194 : i32 to index
          %parallel_loop3A_196 = tpu.vector_load %arg11[%parallel_loop3A_195] {strides = array<i32>} : memref<7168xf32, #tpu.memory_space<vmem>>, vector<16xf32>,
          %parallel_loop3A_197 = arith.index_cast %parallel_loop3A_141 : i32 to index
          %parallel_loop3A_198 = arith.constant 48 : index
          %parallel_loop3A_199 = tpu.vector_load %arg8[%parallel_loop3A_197, %parallel_loop3A_198] {strides = array<i32>} : memref<128x64xf32, #tpu.memory_space<vmem>>, vector<16xf32>,
          tpu.vector_store %arg8[%parallel_loop3A_197, %parallel_loop3A_198], %parallel_loop3A_196 {strides = array<i32>} : memref<128x64xf32, #tpu.memory_space<vmem>>, vector<16xf32>,
        } {sc.loop_unroll_factor = 8 : i64, sc.parallel_access}
        %mul3A_127 = arith.constant 32 : i32
        %mul3A_128 = arith.muli %add3A_92, %mul3A_127 : i32
        %add3A_129 = arith.addi %add3A, %mul3A_128 : i32
        %mul3A_130 = arith.constant 128 : i32
        %mul3A_131 = arith.muli %add3A_129, %mul3A_130 : i32
        %dma_start3A = arith.constant 0 : i32
        %dma_start3A_132 = tpu.memref_slice %arg4[%mul3A_131, %dma_start3A] : memref<1600000x64xf32, #tpu.memory_space<hbm>> -> memref<128x64xf32, #tpu.memory_space<hbm>>
        %dma_start3A_133 = arith.constant 0 : i32
        %dma_start3A_134 = tpu.memref_slice %arg4[%mul3A_131, %dma_start3A_133] : memref<1600000x64xf32, #tpu.memory_space<hbm>> -> memref<128x64xf32, #tpu.memory_space<hbm>>
        tpu.enqueue_dma source(%arg8 : memref<128x64xf32, #tpu.memory_space<vmem>>) target(%dma_start3A_134 : memref<128x64xf32, #tpu.memory_space<hbm>>) target_semaphore(%arg15 : memref<!tpu.dma_semaphore, #tpu.memory_space<semaphore_mem>>)
        %add3A_135 = arith.constant 3 : i32
        %add3A_136 = arith.addi %add3A_92, %add3A_135 : i32
        %lt3A_137 = arith.cmpi slt, %add3A_136, %select_n3A : i32
        %convert_element_type3A_138 = arith.extui %lt3A_137 : i1 to i32
        %cond3A_139 = arith.constant 0 : i32
        %cond3A_140 = arith.cmpi ne, %convert_element_type3A_138, %cond3A_139 : i32
        scf.if %cond3A_140 {
          %add3A_141 = arith.constant 3 : i32
          %add3A_142 = arith.addi %add3A_92, %add3A_141 : i32
          %mul3A_143 = arith.constant 32 : i32
          %mul3A_144 = arith.muli %add3A_142, %mul3A_143 : i32
          %add3A_145 = arith.addi %add3A, %mul3A_144 : i32
          %mul3A_146 = arith.constant 128 : i32
          %mul3A_147 = arith.muli %add3A_145, %mul3A_146 : i32
          %dma_start3A_148 = arith.constant 0 : i32
          %dma_start3A_149 = tpu.memref_slice %arg2[%mul3A_147, %dma_start3A_148] : memref<1600000x23xf32, #tpu.memory_space<hbm>> -> memref<128x23xf32, #tpu.memory_space<hbm>>
          %dma_start3A_150 = arith.constant 0 : i32
          %dma_start3A_151 = tpu.memref_slice %arg2[%mul3A_147, %dma_start3A_150] : memref<1600000x23xf32, #tpu.memory_space<hbm>> -> memref<128x23xf32, #tpu.memory_space<hbm>>
          tpu.enqueue_dma source(%dma_start3A_151 : memref<128x23xf32, #tpu.memory_space<hbm>>) target(%arg5 : memref<128x23xf32, #tpu.memory_space<vmem>>) target_semaphore(%arg12 : memref<!tpu.dma_semaphore, #tpu.memory_space<semaphore_mem>>)
        } else {
        }
      } else {
      }
      %mul3A_97 = arith.constant 3 : i32
      %mul3A_98 = arith.muli %mul3A_97, %while3A_88 : i32
      %add3A_99 = arith.constant 1 : i32
      %add3A_100 = arith.addi %mul3A_98, %add3A_99 : i32
      %lt3A_101 = arith.cmpi slt, %add3A_100, %select_n3A : i32
      %convert_element_type3A_102 = arith.extui %lt3A_101 : i1 to i32
      %cond3A_103 = arith.constant 0 : i32
      %cond3A_104 = arith.cmpi ne, %convert_element_type3A_102, %cond3A_103 : i32
      scf.if %cond3A_104 {
        %mul3A_113 = arith.constant 32 : i32
        %mul3A_114 = arith.muli %add3A_100, %mul3A_113 : i32
        %add3A_115 = arith.addi %add3A, %mul3A_114 : i32
        %mul3A_116 = arith.constant 128 : i32
        %mul3A_117 = arith.muli %add3A_115, %mul3A_116 : i32
        %dma_wait3A = arith.constant 0 : i32
        %dma_wait3A_118 = tpu.memref_slice %arg2[%mul3A_117, %dma_wait3A] : memref<1600000x23xf32, #tpu.memory_space<hbm>> -> memref<128x23xf32, #tpu.memory_space<hbm>>
        %dma_wait3A_119 = arith.constant 0 : i32
        %dma_wait3A_120 = tpu.memref_slice %arg2[%mul3A_117, %dma_wait3A_119] : memref<1600000x23xf32, #tpu.memory_space<hbm>> -> memref<128x23xf32, #tpu.memory_space<hbm>>
        tpu.wait_dma2 semaphore(%arg13 : memref<!tpu.dma_semaphore, #tpu.memory_space<semaphore_mem>>) src(%dma_wait3A_120 : memref<128x23xf32, #tpu.memory_space<hbm>>) dst(%arg6 : memref<128x23xf32, #tpu.memory_space<vmem>>)
        %ge3A = arith.constant 3 : i32
        %ge3A_121 = arith.cmpi sge, %add3A_100, %ge3A : i32
        %convert_element_type3A_122 = arith.extui %ge3A_121 : i1 to i32
        %cond3A_123 = arith.constant 0 : i32
        %cond3A_124 = arith.cmpi ne, %convert_element_type3A_122, %cond3A_123 : i32
        scf.if %cond3A_124 {
          %sub3A_141 = arith.constant 3 : i32
          %sub3A_142 = arith.subi %add3A_100, %sub3A_141 : i32
          %mul3A_143 = arith.constant 32 : i32
          %mul3A_144 = arith.muli %sub3A_142, %mul3A_143 : i32
          %add3A_145 = arith.addi %add3A, %mul3A_144 : i32
          %mul3A_146 = arith.constant 128 : i32
          %mul3A_147 = arith.muli %add3A_145, %mul3A_146 : i32
          %dma_wait3A_148 = arith.constant 0 : i32
          %dma_wait3A_149 = tpu.memref_slice %arg4[%mul3A_147, %dma_wait3A_148] : memref<1600000x64xf32, #tpu.memory_space<hbm>> -> memref<128x64xf32, #tpu.memory_space<hbm>>
          %dma_wait3A_150 = arith.constant 0 : i32
          %dma_wait3A_151 = tpu.memref_slice %arg4[%mul3A_147, %dma_wait3A_150] : memref<1600000x64xf32, #tpu.memory_space<hbm>> -> memref<128x64xf32, #tpu.memory_space<hbm>>
          tpu.wait_dma2 semaphore(%arg16 : memref<!tpu.dma_semaphore, #tpu.memory_space<semaphore_mem>>) src(%arg9 : memref<128x64xf32, #tpu.memory_space<vmem>>) dst(%dma_wait3A_151 : memref<128x64xf32, #tpu.memory_space<hbm>>)
        } else {
        }
        %parallel_loop3A = arith.constant 0 : i32
        %parallel_loop3A_125 = arith.constant 128 : i32
        %parallel_loop3A_126 = arith.constant 1 : i32
        scf.for %parallel_loop3A_141 = %parallel_loop3A to %parallel_loop3A_125 step %parallel_loop3A_126  : i32 {
          %parallel_loop3A_142 = arith.index_cast %parallel_loop3A_141 : i32 to index
          %parallel_loop3A_143 = arith.constant 0 : index
          %parallel_loop3A_144 = tpu.vector_load %arg6[%parallel_loop3A_142, %parallel_loop3A_143] {strides = array<i32>} : memref<128x23xf32, #tpu.memory_space<vmem>>, vector<16xf32>,
          %parallel_loop3A_145 = arith.index_cast %parallel_loop3A_141 : i32 to index
          %parallel_loop3A_146 = arith.constant 7 : index
          %parallel_loop3A_147 = tpu.vector_load %arg6[%parallel_loop3A_145, %parallel_loop3A_146] {strides = array<i32>} : memref<128x23xf32, #tpu.memory_space<vmem>>, vector<16xf32>,
          %parallel_loop3A_148 = arith.select %lt3A_24, %parallel_loop3A_144, %broadcast_in_dim3A_25 : vector<16xi1>, vector<16xf32>
          %parallel_loop3A_149 = arith.constant true
          %parallel_loop3A_150 = vector.broadcast %parallel_loop3A_149 : i1 to vector<16xi1>
          %parallel_loop3A_151 = tpu.scan <max>, %parallel_loop3A_148 masked %parallel_loop3A_150 : vector<16xf32>, vector<16xi1> -> vector<16xf32>
          %parallel_loop3A_152 = vector.extract %parallel_loop3A_151[15] : f32 from vector<16xf32>
          %parallel_loop3A_153 = vector.broadcast %parallel_loop3A_152 : f32 to vector<16xf32>
          %parallel_loop3A_154 = arith.cmpf oeq, %parallel_loop3A_148, %parallel_loop3A_153 : vector<16xf32>
          %parallel_loop3A_155 = tpu.all_reduce %parallel_loop3A_154 {dim = 0 : i64, kind = #tpu.reduction_kind<find_first_set>} : vector<16xi1> -> vector<16xi32>
          %parallel_loop3A_156 = arith.constant true
          %parallel_loop3A_157 = vector.broadcast %parallel_loop3A_156 : i1 to vector<16xi1>
          %parallel_loop3A_158 = tpu.scan <max>, %parallel_loop3A_147 masked %parallel_loop3A_157 : vector<16xf32>, vector<16xi1> -> vector<16xf32>
          %parallel_loop3A_159 = vector.extract %parallel_loop3A_158[15] : f32 from vector<16xf32>
          %parallel_loop3A_160 = vector.broadcast %parallel_loop3A_159 : f32 to vector<16xf32>
          %parallel_loop3A_161 = arith.cmpf oeq, %parallel_loop3A_147, %parallel_loop3A_160 : vector<16xf32>
          %parallel_loop3A_162 = tpu.all_reduce %parallel_loop3A_161 {dim = 0 : i64, kind = #tpu.reduction_kind<find_first_set>} : vector<16xi1> -> vector<16xi32>
          %parallel_loop3A_163 = arith.constant 16 : i32
          %parallel_loop3A_164 = vector.broadcast %parallel_loop3A_163 : i32 to vector<16xi32>
          %parallel_loop3A_165 = arith.muli %parallel_loop3A_155, %parallel_loop3A_164 : vector<16xi32>
          %parallel_loop3A_166 = arith.addi %parallel_loop3A_165, %parallel_loop3A_162 : vector<16xi32>
          %parallel_loop3A_167 = arith.constant 64 : i32
          %parallel_loop3A_168 = vector.broadcast %parallel_loop3A_167 : i32 to vector<16xi32>
          %parallel_loop3A_169 = arith.muli %parallel_loop3A_166, %parallel_loop3A_168 : vector<16xi32>
          %parallel_loop3A_170 = vector.extract_strided_slice %parallel_loop3A_169 {offsets = [0], sizes = [1], strides = [1]} : vector<16xi32> to vector<1xi32>
          %parallel_loop3A_171 = vector.extract %parallel_loop3A_170[0] : i32 from vector<1xi32>
          %parallel_loop3A_172 = arith.constant 0 : i32
          %parallel_loop3A_173 = arith.addi %parallel_loop3A_171, %parallel_loop3A_172 : i32
          %parallel_loop3A_174 = arith.index_cast %parallel_loop3A_173 : i32 to index
          %parallel_loop3A_175 = tpu.vector_load %arg11[%parallel_loop3A_174] {strides = array<i32>} : memref<7168xf32, #tpu.memory_space<vmem>>, vector<16xf32>,
          %parallel_loop3A_176 = arith.index_cast %parallel_loop3A_141 : i32 to index
          %parallel_loop3A_177 = arith.constant 0 : index
          %parallel_loop3A_178 = tpu.vector_load %arg9[%parallel_loop3A_176, %parallel_loop3A_177] {strides = array<i32>} : memref<128x64xf32, #tpu.memory_space<vmem>>, vector<16xf32>,
          tpu.vector_store %arg9[%parallel_loop3A_176, %parallel_loop3A_177], %parallel_loop3A_175 {strides = array<i32>} : memref<128x64xf32, #tpu.memory_space<vmem>>, vector<16xf32>,
          %parallel_loop3A_179 = arith.constant 16 : i32
          %parallel_loop3A_180 = arith.addi %parallel_loop3A_171, %parallel_loop3A_179 : i32
          %parallel_loop3A_181 = arith.index_cast %parallel_loop3A_180 : i32 to index
          %parallel_loop3A_182 = tpu.vector_load %arg11[%parallel_loop3A_181] {strides = array<i32>} : memref<7168xf32, #tpu.memory_space<vmem>>, vector<16xf32>,
          %parallel_loop3A_183 = arith.index_cast %parallel_loop3A_141 : i32 to index
          %parallel_loop3A_184 = arith.constant 16 : index
          %parallel_loop3A_185 = tpu.vector_load %arg9[%parallel_loop3A_183, %parallel_loop3A_184] {strides = array<i32>} : memref<128x64xf32, #tpu.memory_space<vmem>>, vector<16xf32>,
          tpu.vector_store %arg9[%parallel_loop3A_183, %parallel_loop3A_184], %parallel_loop3A_182 {strides = array<i32>} : memref<128x64xf32, #tpu.memory_space<vmem>>, vector<16xf32>,
          %parallel_loop3A_186 = arith.constant 32 : i32
          %parallel_loop3A_187 = arith.addi %parallel_loop3A_171, %parallel_loop3A_186 : i32
          %parallel_loop3A_188 = arith.index_cast %parallel_loop3A_187 : i32 to index
          %parallel_loop3A_189 = tpu.vector_load %arg11[%parallel_loop3A_188] {strides = array<i32>} : memref<7168xf32, #tpu.memory_space<vmem>>, vector<16xf32>,
          %parallel_loop3A_190 = arith.index_cast %parallel_loop3A_141 : i32 to index
          %parallel_loop3A_191 = arith.constant 32 : index
          %parallel_loop3A_192 = tpu.vector_load %arg9[%parallel_loop3A_190, %parallel_loop3A_191] {strides = array<i32>} : memref<128x64xf32, #tpu.memory_space<vmem>>, vector<16xf32>,
          tpu.vector_store %arg9[%parallel_loop3A_190, %parallel_loop3A_191], %parallel_loop3A_189 {strides = array<i32>} : memref<128x64xf32, #tpu.memory_space<vmem>>, vector<16xf32>,
          %parallel_loop3A_193 = arith.constant 48 : i32
          %parallel_loop3A_194 = arith.addi %parallel_loop3A_171, %parallel_loop3A_193 : i32
          %parallel_loop3A_195 = arith.index_cast %parallel_loop3A_194 : i32 to index
          %parallel_loop3A_196 = tpu.vector_load %arg11[%parallel_loop3A_195] {strides = array<i32>} : memref<7168xf32, #tpu.memory_space<vmem>>, vector<16xf32>,
          %parallel_loop3A_197 = arith.index_cast %parallel_loop3A_141 : i32 to index
          %parallel_loop3A_198 = arith.constant 48 : index
          %parallel_loop3A_199 = tpu.vector_load %arg9[%parallel_loop3A_197, %parallel_loop3A_198] {strides = array<i32>} : memref<128x64xf32, #tpu.memory_space<vmem>>, vector<16xf32>,
          tpu.vector_store %arg9[%parallel_loop3A_197, %parallel_loop3A_198], %parallel_loop3A_196 {strides = array<i32>} : memref<128x64xf32, #tpu.memory_space<vmem>>, vector<16xf32>,
        } {sc.loop_unroll_factor = 8 : i64, sc.parallel_access}
        %mul3A_127 = arith.constant 32 : i32
        %mul3A_128 = arith.muli %add3A_100, %mul3A_127 : i32
        %add3A_129 = arith.addi %add3A, %mul3A_128 : i32
        %mul3A_130 = arith.constant 128 : i32
        %mul3A_131 = arith.muli %add3A_129, %mul3A_130 : i32
        %dma_start3A = arith.constant 0 : i32
        %dma_start3A_132 = tpu.memref_slice %arg4[%mul3A_131, %dma_start3A] : memref<1600000x64xf32, #tpu.memory_space<hbm>> -> memref<128x64xf32, #tpu.memory_space<hbm>>
        %dma_start3A_133 = arith.constant 0 : i32
        %dma_start3A_134 = tpu.memref_slice %arg4[%mul3A_131, %dma_start3A_133] : memref<1600000x64xf32, #tpu.memory_space<hbm>> -> memref<128x64xf32, #tpu.memory_space<hbm>>
        tpu.enqueue_dma source(%arg9 : memref<128x64xf32, #tpu.memory_space<vmem>>) target(%dma_start3A_134 : memref<128x64xf32, #tpu.memory_space<hbm>>) target_semaphore(%arg16 : memref<!tpu.dma_semaphore, #tpu.memory_space<semaphore_mem>>)
        %add3A_135 = arith.constant 3 : i32
        %add3A_136 = arith.addi %add3A_100, %add3A_135 : i32
        %lt3A_137 = arith.cmpi slt, %add3A_136, %select_n3A : i32
        %convert_element_type3A_138 = arith.extui %lt3A_137 : i1 to i32
        %cond3A_139 = arith.constant 0 : i32
        %cond3A_140 = arith.cmpi ne, %convert_element_type3A_138, %cond3A_139 : i32
        scf.if %cond3A_140 {
          %add3A_141 = arith.constant 3 : i32
          %add3A_142 = arith.addi %add3A_100, %add3A_141 : i32
          %mul3A_143 = arith.constant 32 : i32
          %mul3A_144 = arith.muli %add3A_142, %mul3A_143 : i32
          %add3A_145 = arith.addi %add3A, %mul3A_144 : i32
          %mul3A_146 = arith.constant 128 : i32
          %mul3A_147 = arith.muli %add3A_145, %mul3A_146 : i32
          %dma_start3A_148 = arith.constant 0 : i32
          %dma_start3A_149 = tpu.memref_slice %arg2[%mul3A_147, %dma_start3A_148] : memref<1600000x23xf32, #tpu.memory_space<hbm>> -> memref<128x23xf32, #tpu.memory_space<hbm>>
          %dma_start3A_150 = arith.constant 0 : i32
          %dma_start3A_151 = tpu.memref_slice %arg2[%mul3A_147, %dma_start3A_150] : memref<1600000x23xf32, #tpu.memory_space<hbm>> -> memref<128x23xf32, #tpu.memory_space<hbm>>
          tpu.enqueue_dma source(%dma_start3A_151 : memref<128x23xf32, #tpu.memory_space<hbm>>) target(%arg6 : memref<128x23xf32, #tpu.memory_space<vmem>>) target_semaphore(%arg13 : memref<!tpu.dma_semaphore, #tpu.memory_space<semaphore_mem>>)
        } else {
        }
      } else {
      }
      %mul3A_105 = arith.constant 3 : i32
      %mul3A_106 = arith.muli %mul3A_105, %while3A_88 : i32
      %add3A_107 = arith.constant 2 : i32
      %add3A_108 = arith.addi %mul3A_106, %add3A_107 : i32
      %lt3A_109 = arith.cmpi slt, %add3A_108, %select_n3A : i32
      %convert_element_type3A_110 = arith.extui %lt3A_109 : i1 to i32
      %cond3A_111 = arith.constant 0 : i32
      %cond3A_112 = arith.cmpi ne, %convert_element_type3A_110, %cond3A_111 : i32
      scf.if %cond3A_112 {
        %mul3A_113 = arith.constant 32 : i32
        %mul3A_114 = arith.muli %add3A_108, %mul3A_113 : i32
        %add3A_115 = arith.addi %add3A, %mul3A_114 : i32
        %mul3A_116 = arith.constant 128 : i32
        %mul3A_117 = arith.muli %add3A_115, %mul3A_116 : i32
        %dma_wait3A = arith.constant 0 : i32
        %dma_wait3A_118 = tpu.memref_slice %arg2[%mul3A_117, %dma_wait3A] : memref<1600000x23xf32, #tpu.memory_space<hbm>> -> memref<128x23xf32, #tpu.memory_space<hbm>>
        %dma_wait3A_119 = arith.constant 0 : i32
        %dma_wait3A_120 = tpu.memref_slice %arg2[%mul3A_117, %dma_wait3A_119] : memref<1600000x23xf32, #tpu.memory_space<hbm>> -> memref<128x23xf32, #tpu.memory_space<hbm>>
        tpu.wait_dma2 semaphore(%arg14 : memref<!tpu.dma_semaphore, #tpu.memory_space<semaphore_mem>>) src(%dma_wait3A_120 : memref<128x23xf32, #tpu.memory_space<hbm>>) dst(%arg7 : memref<128x23xf32, #tpu.memory_space<vmem>>)
        %ge3A = arith.constant 3 : i32
        %ge3A_121 = arith.cmpi sge, %add3A_108, %ge3A : i32
        %convert_element_type3A_122 = arith.extui %ge3A_121 : i1 to i32
        %cond3A_123 = arith.constant 0 : i32
        %cond3A_124 = arith.cmpi ne, %convert_element_type3A_122, %cond3A_123 : i32
        scf.if %cond3A_124 {
          %sub3A_141 = arith.constant 3 : i32
          %sub3A_142 = arith.subi %add3A_108, %sub3A_141 : i32
          %mul3A_143 = arith.constant 32 : i32
          %mul3A_144 = arith.muli %sub3A_142, %mul3A_143 : i32
          %add3A_145 = arith.addi %add3A, %mul3A_144 : i32
          %mul3A_146 = arith.constant 128 : i32
          %mul3A_147 = arith.muli %add3A_145, %mul3A_146 : i32
          %dma_wait3A_148 = arith.constant 0 : i32
          %dma_wait3A_149 = tpu.memref_slice %arg4[%mul3A_147, %dma_wait3A_148] : memref<1600000x64xf32, #tpu.memory_space<hbm>> -> memref<128x64xf32, #tpu.memory_space<hbm>>
          %dma_wait3A_150 = arith.constant 0 : i32
          %dma_wait3A_151 = tpu.memref_slice %arg4[%mul3A_147, %dma_wait3A_150] : memref<1600000x64xf32, #tpu.memory_space<hbm>> -> memref<128x64xf32, #tpu.memory_space<hbm>>
          tpu.wait_dma2 semaphore(%arg17 : memref<!tpu.dma_semaphore, #tpu.memory_space<semaphore_mem>>) src(%arg10 : memref<128x64xf32, #tpu.memory_space<vmem>>) dst(%dma_wait3A_151 : memref<128x64xf32, #tpu.memory_space<hbm>>)
        } else {
        }
        %parallel_loop3A = arith.constant 0 : i32
        %parallel_loop3A_125 = arith.constant 128 : i32
        %parallel_loop3A_126 = arith.constant 1 : i32
        scf.for %parallel_loop3A_141 = %parallel_loop3A to %parallel_loop3A_125 step %parallel_loop3A_126  : i32 {
          %parallel_loop3A_142 = arith.index_cast %parallel_loop3A_141 : i32 to index
          %parallel_loop3A_143 = arith.constant 0 : index
          %parallel_loop3A_144 = tpu.vector_load %arg7[%parallel_loop3A_142, %parallel_loop3A_143] {strides = array<i32>} : memref<128x23xf32, #tpu.memory_space<vmem>>, vector<16xf32>,
          %parallel_loop3A_145 = arith.index_cast %parallel_loop3A_141 : i32 to index
          %parallel_loop3A_146 = arith.constant 7 : index
          %parallel_loop3A_147 = tpu.vector_load %arg7[%parallel_loop3A_145, %parallel_loop3A_146] {strides = array<i32>} : memref<128x23xf32, #tpu.memory_space<vmem>>, vector<16xf32>,
          %parallel_loop3A_148 = arith.select %lt3A_24, %parallel_loop3A_144, %broadcast_in_dim3A_25 : vector<16xi1>, vector<16xf32>
          %parallel_loop3A_149 = arith.constant true
          %parallel_loop3A_150 = vector.broadcast %parallel_loop3A_149 : i1 to vector<16xi1>
          %parallel_loop3A_151 = tpu.scan <max>, %parallel_loop3A_148 masked %parallel_loop3A_150 : vector<16xf32>, vector<16xi1> -> vector<16xf32>
          %parallel_loop3A_152 = vector.extract %parallel_loop3A_151[15] : f32 from vector<16xf32>
          %parallel_loop3A_153 = vector.broadcast %parallel_loop3A_152 : f32 to vector<16xf32>
          %parallel_loop3A_154 = arith.cmpf oeq, %parallel_loop3A_148, %parallel_loop3A_153 : vector<16xf32>
          %parallel_loop3A_155 = tpu.all_reduce %parallel_loop3A_154 {dim = 0 : i64, kind = #tpu.reduction_kind<find_first_set>} : vector<16xi1> -> vector<16xi32>
          %parallel_loop3A_156 = arith.constant true
          %parallel_loop3A_157 = vector.broadcast %parallel_loop3A_156 : i1 to vector<16xi1>
          %parallel_loop3A_158 = tpu.scan <max>, %parallel_loop3A_147 masked %parallel_loop3A_157 : vector<16xf32>, vector<16xi1> -> vector<16xf32>
          %parallel_loop3A_159 = vector.extract %parallel_loop3A_158[15] : f32 from vector<16xf32>
          %parallel_loop3A_160 = vector.broadcast %parallel_loop3A_159 : f32 to vector<16xf32>
          %parallel_loop3A_161 = arith.cmpf oeq, %parallel_loop3A_147, %parallel_loop3A_160 : vector<16xf32>
          %parallel_loop3A_162 = tpu.all_reduce %parallel_loop3A_161 {dim = 0 : i64, kind = #tpu.reduction_kind<find_first_set>} : vector<16xi1> -> vector<16xi32>
          %parallel_loop3A_163 = arith.constant 16 : i32
          %parallel_loop3A_164 = vector.broadcast %parallel_loop3A_163 : i32 to vector<16xi32>
          %parallel_loop3A_165 = arith.muli %parallel_loop3A_155, %parallel_loop3A_164 : vector<16xi32>
          %parallel_loop3A_166 = arith.addi %parallel_loop3A_165, %parallel_loop3A_162 : vector<16xi32>
          %parallel_loop3A_167 = arith.constant 64 : i32
          %parallel_loop3A_168 = vector.broadcast %parallel_loop3A_167 : i32 to vector<16xi32>
          %parallel_loop3A_169 = arith.muli %parallel_loop3A_166, %parallel_loop3A_168 : vector<16xi32>
          %parallel_loop3A_170 = vector.extract_strided_slice %parallel_loop3A_169 {offsets = [0], sizes = [1], strides = [1]} : vector<16xi32> to vector<1xi32>
          %parallel_loop3A_171 = vector.extract %parallel_loop3A_170[0] : i32 from vector<1xi32>
          %parallel_loop3A_172 = arith.constant 0 : i32
          %parallel_loop3A_173 = arith.addi %parallel_loop3A_171, %parallel_loop3A_172 : i32
          %parallel_loop3A_174 = arith.index_cast %parallel_loop3A_173 : i32 to index
          %parallel_loop3A_175 = tpu.vector_load %arg11[%parallel_loop3A_174] {strides = array<i32>} : memref<7168xf32, #tpu.memory_space<vmem>>, vector<16xf32>,
          %parallel_loop3A_176 = arith.index_cast %parallel_loop3A_141 : i32 to index
          %parallel_loop3A_177 = arith.constant 0 : index
          %parallel_loop3A_178 = tpu.vector_load %arg10[%parallel_loop3A_176, %parallel_loop3A_177] {strides = array<i32>} : memref<128x64xf32, #tpu.memory_space<vmem>>, vector<16xf32>,
          tpu.vector_store %arg10[%parallel_loop3A_176, %parallel_loop3A_177], %parallel_loop3A_175 {strides = array<i32>} : memref<128x64xf32, #tpu.memory_space<vmem>>, vector<16xf32>,
          %parallel_loop3A_179 = arith.constant 16 : i32
          %parallel_loop3A_180 = arith.addi %parallel_loop3A_171, %parallel_loop3A_179 : i32
          %parallel_loop3A_181 = arith.index_cast %parallel_loop3A_180 : i32 to index
          %parallel_loop3A_182 = tpu.vector_load %arg11[%parallel_loop3A_181] {strides = array<i32>} : memref<7168xf32, #tpu.memory_space<vmem>>, vector<16xf32>,
          %parallel_loop3A_183 = arith.index_cast %parallel_loop3A_141 : i32 to index
          %parallel_loop3A_184 = arith.constant 16 : index
          %parallel_loop3A_185 = tpu.vector_load %arg10[%parallel_loop3A_183, %parallel_loop3A_184] {strides = array<i32>} : memref<128x64xf32, #tpu.memory_space<vmem>>, vector<16xf32>,
          tpu.vector_store %arg10[%parallel_loop3A_183, %parallel_loop3A_184], %parallel_loop3A_182 {strides = array<i32>} : memref<128x64xf32, #tpu.memory_space<vmem>>, vector<16xf32>,
          %parallel_loop3A_186 = arith.constant 32 : i32
          %parallel_loop3A_187 = arith.addi %parallel_loop3A_171, %parallel_loop3A_186 : i32
          %parallel_loop3A_188 = arith.index_cast %parallel_loop3A_187 : i32 to index
          %parallel_loop3A_189 = tpu.vector_load %arg11[%parallel_loop3A_188] {strides = array<i32>} : memref<7168xf32, #tpu.memory_space<vmem>>, vector<16xf32>,
          %parallel_loop3A_190 = arith.index_cast %parallel_loop3A_141 : i32 to index
          %parallel_loop3A_191 = arith.constant 32 : index
          %parallel_loop3A_192 = tpu.vector_load %arg10[%parallel_loop3A_190, %parallel_loop3A_191] {strides = array<i32>} : memref<128x64xf32, #tpu.memory_space<vmem>>, vector<16xf32>,
          tpu.vector_store %arg10[%parallel_loop3A_190, %parallel_loop3A_191], %parallel_loop3A_189 {strides = array<i32>} : memref<128x64xf32, #tpu.memory_space<vmem>>, vector<16xf32>,
          %parallel_loop3A_193 = arith.constant 48 : i32
          %parallel_loop3A_194 = arith.addi %parallel_loop3A_171, %parallel_loop3A_193 : i32
          %parallel_loop3A_195 = arith.index_cast %parallel_loop3A_194 : i32 to index
          %parallel_loop3A_196 = tpu.vector_load %arg11[%parallel_loop3A_195] {strides = array<i32>} : memref<7168xf32, #tpu.memory_space<vmem>>, vector<16xf32>,
          %parallel_loop3A_197 = arith.index_cast %parallel_loop3A_141 : i32 to index
          %parallel_loop3A_198 = arith.constant 48 : index
          %parallel_loop3A_199 = tpu.vector_load %arg10[%parallel_loop3A_197, %parallel_loop3A_198] {strides = array<i32>} : memref<128x64xf32, #tpu.memory_space<vmem>>, vector<16xf32>,
          tpu.vector_store %arg10[%parallel_loop3A_197, %parallel_loop3A_198], %parallel_loop3A_196 {strides = array<i32>} : memref<128x64xf32, #tpu.memory_space<vmem>>, vector<16xf32>,
        } {sc.loop_unroll_factor = 8 : i64, sc.parallel_access}
        %mul3A_127 = arith.constant 32 : i32
        %mul3A_128 = arith.muli %add3A_108, %mul3A_127 : i32
        %add3A_129 = arith.addi %add3A, %mul3A_128 : i32
        %mul3A_130 = arith.constant 128 : i32
        %mul3A_131 = arith.muli %add3A_129, %mul3A_130 : i32
        %dma_start3A = arith.constant 0 : i32
        %dma_start3A_132 = tpu.memref_slice %arg4[%mul3A_131, %dma_start3A] : memref<1600000x64xf32, #tpu.memory_space<hbm>> -> memref<128x64xf32, #tpu.memory_space<hbm>>
        %dma_start3A_133 = arith.constant 0 : i32
        %dma_start3A_134 = tpu.memref_slice %arg4[%mul3A_131, %dma_start3A_133] : memref<1600000x64xf32, #tpu.memory_space<hbm>> -> memref<128x64xf32, #tpu.memory_space<hbm>>
        tpu.enqueue_dma source(%arg10 : memref<128x64xf32, #tpu.memory_space<vmem>>) target(%dma_start3A_134 : memref<128x64xf32, #tpu.memory_space<hbm>>) target_semaphore(%arg17 : memref<!tpu.dma_semaphore, #tpu.memory_space<semaphore_mem>>)
        %add3A_135 = arith.constant 3 : i32
        %add3A_136 = arith.addi %add3A_108, %add3A_135 : i32
        %lt3A_137 = arith.cmpi slt, %add3A_136, %select_n3A : i32
        %convert_element_type3A_138 = arith.extui %lt3A_137 : i1 to i32
        %cond3A_139 = arith.constant 0 : i32
        %cond3A_140 = arith.cmpi ne, %convert_element_type3A_138, %cond3A_139 : i32
        scf.if %cond3A_140 {
          %add3A_141 = arith.constant 3 : i32
          %add3A_142 = arith.addi %add3A_108, %add3A_141 : i32
          %mul3A_143 = arith.constant 32 : i32
          %mul3A_144 = arith.muli %add3A_142, %mul3A_143 : i32
          %add3A_145 = arith.addi %add3A, %mul3A_144 : i32
          %mul3A_146 = arith.constant 128 : i32
          %mul3A_147 = arith.muli %add3A_145, %mul3A_146 : i32
          %dma_start3A_148 = arith.constant 0 : i32
          %dma_start3A_149 = tpu.memref_slice %arg2[%mul3A_147, %dma_start3A_148] : memref<1600000x23xf32, #tpu.memory_space<hbm>> -> memref<128x23xf32, #tpu.memory_space<hbm>>
          %dma_start3A_150 = arith.constant 0 : i32
          %dma_start3A_151 = tpu.memref_slice %arg2[%mul3A_147, %dma_start3A_150] : memref<1600000x23xf32, #tpu.memory_space<hbm>> -> memref<128x23xf32, #tpu.memory_space<hbm>>
          tpu.enqueue_dma source(%dma_start3A_151 : memref<128x23xf32, #tpu.memory_space<hbm>>) target(%arg7 : memref<128x23xf32, #tpu.memory_space<vmem>>) target_semaphore(%arg14 : memref<!tpu.dma_semaphore, #tpu.memory_space<semaphore_mem>>)
        } else {
        }
      } else {
      }
    }
    %while3A_72 = arith.constant 1 : i32
    scf.for %while3A_88 = %while3A_70 to %while3A_66 step %while3A_72  : i32 {
      %mul3A_89 = arith.constant 3 : i32
      %mul3A_90 = arith.muli %mul3A_89, %while3A_88 : i32
      %add3A_91 = arith.constant 0 : i32
      %add3A_92 = arith.addi %mul3A_90, %add3A_91 : i32
      %lt3A_93 = arith.cmpi slt, %add3A_92, %select_n3A : i32
      %convert_element_type3A_94 = arith.extui %lt3A_93 : i1 to i32
      %cond3A_95 = arith.constant 0 : i32
      %cond3A_96 = arith.cmpi ne, %convert_element_type3A_94, %cond3A_95 : i32
      scf.if %cond3A_96 {
        %mul3A_113 = arith.constant 32 : i32
        %mul3A_114 = arith.muli %add3A_92, %mul3A_113 : i32
        %add3A_115 = arith.addi %add3A, %mul3A_114 : i32
        %mul3A_116 = arith.constant 128 : i32
        %mul3A_117 = arith.muli %add3A_115, %mul3A_116 : i32
        %dma_wait3A = arith.constant 0 : i32
        %dma_wait3A_118 = tpu.memref_slice %arg2[%mul3A_117, %dma_wait3A] : memref<1600000x23xf32, #tpu.memory_space<hbm>> -> memref<128x23xf32, #tpu.memory_space<hbm>>
        %dma_wait3A_119 = arith.constant 0 : i32
        %dma_wait3A_120 = tpu.memref_slice %arg2[%mul3A_117, %dma_wait3A_119] : memref<1600000x23xf32, #tpu.memory_space<hbm>> -> memref<128x23xf32, #tpu.memory_space<hbm>>
        tpu.wait_dma2 semaphore(%arg12 : memref<!tpu.dma_semaphore, #tpu.memory_space<semaphore_mem>>) src(%dma_wait3A_120 : memref<128x23xf32, #tpu.memory_space<hbm>>) dst(%arg5 : memref<128x23xf32, #tpu.memory_space<vmem>>)
        %ge3A = arith.constant 3 : i32
        %ge3A_121 = arith.cmpi sge, %add3A_92, %ge3A : i32
        %convert_element_type3A_122 = arith.extui %ge3A_121 : i1 to i32
        %cond3A_123 = arith.constant 0 : i32
        %cond3A_124 = arith.cmpi ne, %convert_element_type3A_122, %cond3A_123 : i32
        scf.if %cond3A_124 {
          %sub3A_141 = arith.constant 3 : i32
          %sub3A_142 = arith.subi %add3A_92, %sub3A_141 : i32
          %mul3A_143 = arith.constant 32 : i32
          %mul3A_144 = arith.muli %sub3A_142, %mul3A_143 : i32
          %add3A_145 = arith.addi %add3A, %mul3A_144 : i32
          %mul3A_146 = arith.constant 128 : i32
          %mul3A_147 = arith.muli %add3A_145, %mul3A_146 : i32
          %dma_wait3A_148 = arith.constant 0 : i32
          %dma_wait3A_149 = tpu.memref_slice %arg4[%mul3A_147, %dma_wait3A_148] : memref<1600000x64xf32, #tpu.memory_space<hbm>> -> memref<128x64xf32, #tpu.memory_space<hbm>>
          %dma_wait3A_150 = arith.constant 0 : i32
          %dma_wait3A_151 = tpu.memref_slice %arg4[%mul3A_147, %dma_wait3A_150] : memref<1600000x64xf32, #tpu.memory_space<hbm>> -> memref<128x64xf32, #tpu.memory_space<hbm>>
          tpu.wait_dma2 semaphore(%arg15 : memref<!tpu.dma_semaphore, #tpu.memory_space<semaphore_mem>>) src(%arg8 : memref<128x64xf32, #tpu.memory_space<vmem>>) dst(%dma_wait3A_151 : memref<128x64xf32, #tpu.memory_space<hbm>>)
        } else {
        }
        %parallel_loop3A = arith.constant 0 : i32
        %parallel_loop3A_125 = arith.constant 128 : i32
        %parallel_loop3A_126 = arith.constant 1 : i32
        scf.for %parallel_loop3A_141 = %parallel_loop3A to %parallel_loop3A_125 step %parallel_loop3A_126  : i32 {
          %parallel_loop3A_142 = arith.index_cast %parallel_loop3A_141 : i32 to index
          %parallel_loop3A_143 = arith.constant 0 : index
          %parallel_loop3A_144 = tpu.vector_load %arg5[%parallel_loop3A_142, %parallel_loop3A_143] {strides = array<i32>} : memref<128x23xf32, #tpu.memory_space<vmem>>, vector<16xf32>,
          %parallel_loop3A_145 = arith.index_cast %parallel_loop3A_141 : i32 to index
          %parallel_loop3A_146 = arith.constant 7 : index
          %parallel_loop3A_147 = tpu.vector_load %arg5[%parallel_loop3A_145, %parallel_loop3A_146] {strides = array<i32>} : memref<128x23xf32, #tpu.memory_space<vmem>>, vector<16xf32>,
          %parallel_loop3A_148 = arith.select %lt3A_24, %parallel_loop3A_144, %broadcast_in_dim3A_25 : vector<16xi1>, vector<16xf32>
          %parallel_loop3A_149 = arith.constant true
          %parallel_loop3A_150 = vector.broadcast %parallel_loop3A_149 : i1 to vector<16xi1>
          %parallel_loop3A_151 = tpu.scan <max>, %parallel_loop3A_148 masked %parallel_loop3A_150 : vector<16xf32>, vector<16xi1> -> vector<16xf32>
          %parallel_loop3A_152 = vector.extract %parallel_loop3A_151[15] : f32 from vector<16xf32>
          %parallel_loop3A_153 = vector.broadcast %parallel_loop3A_152 : f32 to vector<16xf32>
          %parallel_loop3A_154 = arith.cmpf oeq, %parallel_loop3A_148, %parallel_loop3A_153 : vector<16xf32>
          %parallel_loop3A_155 = tpu.all_reduce %parallel_loop3A_154 {dim = 0 : i64, kind = #tpu.reduction_kind<find_first_set>} : vector<16xi1> -> vector<16xi32>
          %parallel_loop3A_156 = arith.constant true
          %parallel_loop3A_157 = vector.broadcast %parallel_loop3A_156 : i1 to vector<16xi1>
          %parallel_loop3A_158 = tpu.scan <max>, %parallel_loop3A_147 masked %parallel_loop3A_157 : vector<16xf32>, vector<16xi1> -> vector<16xf32>
          %parallel_loop3A_159 = vector.extract %parallel_loop3A_158[15] : f32 from vector<16xf32>
          %parallel_loop3A_160 = vector.broadcast %parallel_loop3A_159 : f32 to vector<16xf32>
          %parallel_loop3A_161 = arith.cmpf oeq, %parallel_loop3A_147, %parallel_loop3A_160 : vector<16xf32>
          %parallel_loop3A_162 = tpu.all_reduce %parallel_loop3A_161 {dim = 0 : i64, kind = #tpu.reduction_kind<find_first_set>} : vector<16xi1> -> vector<16xi32>
          %parallel_loop3A_163 = arith.constant 16 : i32
          %parallel_loop3A_164 = vector.broadcast %parallel_loop3A_163 : i32 to vector<16xi32>
          %parallel_loop3A_165 = arith.muli %parallel_loop3A_155, %parallel_loop3A_164 : vector<16xi32>
          %parallel_loop3A_166 = arith.addi %parallel_loop3A_165, %parallel_loop3A_162 : vector<16xi32>
          %parallel_loop3A_167 = arith.constant 64 : i32
          %parallel_loop3A_168 = vector.broadcast %parallel_loop3A_167 : i32 to vector<16xi32>
          %parallel_loop3A_169 = arith.muli %parallel_loop3A_166, %parallel_loop3A_168 : vector<16xi32>
          %parallel_loop3A_170 = vector.extract_strided_slice %parallel_loop3A_169 {offsets = [0], sizes = [1], strides = [1]} : vector<16xi32> to vector<1xi32>
          %parallel_loop3A_171 = vector.extract %parallel_loop3A_170[0] : i32 from vector<1xi32>
          %parallel_loop3A_172 = arith.constant 0 : i32
          %parallel_loop3A_173 = arith.addi %parallel_loop3A_171, %parallel_loop3A_172 : i32
          %parallel_loop3A_174 = arith.index_cast %parallel_loop3A_173 : i32 to index
          %parallel_loop3A_175 = tpu.vector_load %arg11[%parallel_loop3A_174] {strides = array<i32>} : memref<7168xf32, #tpu.memory_space<vmem>>, vector<16xf32>,
          %parallel_loop3A_176 = arith.index_cast %parallel_loop3A_141 : i32 to index
          %parallel_loop3A_177 = arith.constant 0 : index
          %parallel_loop3A_178 = tpu.vector_load %arg8[%parallel_loop3A_176, %parallel_loop3A_177] {strides = array<i32>} : memref<128x64xf32, #tpu.memory_space<vmem>>, vector<16xf32>,
          tpu.vector_store %arg8[%parallel_loop3A_176, %parallel_loop3A_177], %parallel_loop3A_175 {strides = array<i32>} : memref<128x64xf32, #tpu.memory_space<vmem>>, vector<16xf32>,
          %parallel_loop3A_179 = arith.constant 16 : i32
          %parallel_loop3A_180 = arith.addi %parallel_loop3A_171, %parallel_loop3A_179 : i32
          %parallel_loop3A_181 = arith.index_cast %parallel_loop3A_180 : i32 to index
          %parallel_loop3A_182 = tpu.vector_load %arg11[%parallel_loop3A_181] {strides = array<i32>} : memref<7168xf32, #tpu.memory_space<vmem>>, vector<16xf32>,
          %parallel_loop3A_183 = arith.index_cast %parallel_loop3A_141 : i32 to index
          %parallel_loop3A_184 = arith.constant 16 : index
          %parallel_loop3A_185 = tpu.vector_load %arg8[%parallel_loop3A_183, %parallel_loop3A_184] {strides = array<i32>} : memref<128x64xf32, #tpu.memory_space<vmem>>, vector<16xf32>,
          tpu.vector_store %arg8[%parallel_loop3A_183, %parallel_loop3A_184], %parallel_loop3A_182 {strides = array<i32>} : memref<128x64xf32, #tpu.memory_space<vmem>>, vector<16xf32>,
          %parallel_loop3A_186 = arith.constant 32 : i32
          %parallel_loop3A_187 = arith.addi %parallel_loop3A_171, %parallel_loop3A_186 : i32
          %parallel_loop3A_188 = arith.index_cast %parallel_loop3A_187 : i32 to index
          %parallel_loop3A_189 = tpu.vector_load %arg11[%parallel_loop3A_188] {strides = array<i32>} : memref<7168xf32, #tpu.memory_space<vmem>>, vector<16xf32>,
          %parallel_loop3A_190 = arith.index_cast %parallel_loop3A_141 : i32 to index
          %parallel_loop3A_191 = arith.constant 32 : index
          %parallel_loop3A_192 = tpu.vector_load %arg8[%parallel_loop3A_190, %parallel_loop3A_191] {strides = array<i32>} : memref<128x64xf32, #tpu.memory_space<vmem>>, vector<16xf32>,
          tpu.vector_store %arg8[%parallel_loop3A_190, %parallel_loop3A_191], %parallel_loop3A_189 {strides = array<i32>} : memref<128x64xf32, #tpu.memory_space<vmem>>, vector<16xf32>,
          %parallel_loop3A_193 = arith.constant 48 : i32
          %parallel_loop3A_194 = arith.addi %parallel_loop3A_171, %parallel_loop3A_193 : i32
          %parallel_loop3A_195 = arith.index_cast %parallel_loop3A_194 : i32 to index
          %parallel_loop3A_196 = tpu.vector_load %arg11[%parallel_loop3A_195] {strides = array<i32>} : memref<7168xf32, #tpu.memory_space<vmem>>, vector<16xf32>,
          %parallel_loop3A_197 = arith.index_cast %parallel_loop3A_141 : i32 to index
          %parallel_loop3A_198 = arith.constant 48 : index
          %parallel_loop3A_199 = tpu.vector_load %arg8[%parallel_loop3A_197, %parallel_loop3A_198] {strides = array<i32>} : memref<128x64xf32, #tpu.memory_space<vmem>>, vector<16xf32>,
          tpu.vector_store %arg8[%parallel_loop3A_197, %parallel_loop3A_198], %parallel_loop3A_196 {strides = array<i32>} : memref<128x64xf32, #tpu.memory_space<vmem>>, vector<16xf32>,
        } {sc.loop_unroll_factor = 8 : i64, sc.parallel_access}
        %mul3A_127 = arith.constant 32 : i32
        %mul3A_128 = arith.muli %add3A_92, %mul3A_127 : i32
        %add3A_129 = arith.addi %add3A, %mul3A_128 : i32
        %mul3A_130 = arith.constant 128 : i32
        %mul3A_131 = arith.muli %add3A_129, %mul3A_130 : i32
        %dma_start3A = arith.constant 0 : i32
        %dma_start3A_132 = tpu.memref_slice %arg4[%mul3A_131, %dma_start3A] : memref<1600000x64xf32, #tpu.memory_space<hbm>> -> memref<128x64xf32, #tpu.memory_space<hbm>>
        %dma_start3A_133 = arith.constant 0 : i32
        %dma_start3A_134 = tpu.memref_slice %arg4[%mul3A_131, %dma_start3A_133] : memref<1600000x64xf32, #tpu.memory_space<hbm>> -> memref<128x64xf32, #tpu.memory_space<hbm>>
        tpu.enqueue_dma source(%arg8 : memref<128x64xf32, #tpu.memory_space<vmem>>) target(%dma_start3A_134 : memref<128x64xf32, #tpu.memory_space<hbm>>) target_semaphore(%arg15 : memref<!tpu.dma_semaphore, #tpu.memory_space<semaphore_mem>>)
        %add3A_135 = arith.constant 3 : i32
        %add3A_136 = arith.addi %add3A_92, %add3A_135 : i32
        %lt3A_137 = arith.cmpi slt, %add3A_136, %select_n3A : i32
        %convert_element_type3A_138 = arith.extui %lt3A_137 : i1 to i32
        %cond3A_139 = arith.constant 0 : i32
        %cond3A_140 = arith.cmpi ne, %convert_element_type3A_138, %cond3A_139 : i32
        scf.if %cond3A_140 {
          %add3A_141 = arith.constant 3 : i32
          %add3A_142 = arith.addi %add3A_92, %add3A_141 : i32
          %mul3A_143 = arith.constant 32 : i32
          %mul3A_144 = arith.muli %add3A_142, %mul3A_143 : i32
          %add3A_145 = arith.addi %add3A, %mul3A_144 : i32
          %mul3A_146 = arith.constant 128 : i32
          %mul3A_147 = arith.muli %add3A_145, %mul3A_146 : i32
          %dma_start3A_148 = arith.constant 0 : i32
          %dma_start3A_149 = tpu.memref_slice %arg2[%mul3A_147, %dma_start3A_148] : memref<1600000x23xf32, #tpu.memory_space<hbm>> -> memref<128x23xf32, #tpu.memory_space<hbm>>
          %dma_start3A_150 = arith.constant 0 : i32
          %dma_start3A_151 = tpu.memref_slice %arg2[%mul3A_147, %dma_start3A_150] : memref<1600000x23xf32, #tpu.memory_space<hbm>> -> memref<128x23xf32, #tpu.memory_space<hbm>>
          tpu.enqueue_dma source(%dma_start3A_151 : memref<128x23xf32, #tpu.memory_space<hbm>>) target(%arg5 : memref<128x23xf32, #tpu.memory_space<vmem>>) target_semaphore(%arg12 : memref<!tpu.dma_semaphore, #tpu.memory_space<semaphore_mem>>)
        } else {
        }
      } else {
      }
      %mul3A_97 = arith.constant 3 : i32
      %mul3A_98 = arith.muli %mul3A_97, %while3A_88 : i32
      %add3A_99 = arith.constant 1 : i32
      %add3A_100 = arith.addi %mul3A_98, %add3A_99 : i32
      %lt3A_101 = arith.cmpi slt, %add3A_100, %select_n3A : i32
      %convert_element_type3A_102 = arith.extui %lt3A_101 : i1 to i32
      %cond3A_103 = arith.constant 0 : i32
      %cond3A_104 = arith.cmpi ne, %convert_element_type3A_102, %cond3A_103 : i32
      scf.if %cond3A_104 {
        %mul3A_113 = arith.constant 32 : i32
        %mul3A_114 = arith.muli %add3A_100, %mul3A_113 : i32
        %add3A_115 = arith.addi %add3A, %mul3A_114 : i32
        %mul3A_116 = arith.constant 128 : i32
        %mul3A_117 = arith.muli %add3A_115, %mul3A_116 : i32
        %dma_wait3A = arith.constant 0 : i32
        %dma_wait3A_118 = tpu.memref_slice %arg2[%mul3A_117, %dma_wait3A] : memref<1600000x23xf32, #tpu.memory_space<hbm>> -> memref<128x23xf32, #tpu.memory_space<hbm>>
        %dma_wait3A_119 = arith.constant 0 : i32
        %dma_wait3A_120 = tpu.memref_slice %arg2[%mul3A_117, %dma_wait3A_119] : memref<1600000x23xf32, #tpu.memory_space<hbm>> -> memref<128x23xf32, #tpu.memory_space<hbm>>
        tpu.wait_dma2 semaphore(%arg13 : memref<!tpu.dma_semaphore, #tpu.memory_space<semaphore_mem>>) src(%dma_wait3A_120 : memref<128x23xf32, #tpu.memory_space<hbm>>) dst(%arg6 : memref<128x23xf32, #tpu.memory_space<vmem>>)
        %ge3A = arith.constant 3 : i32
        %ge3A_121 = arith.cmpi sge, %add3A_100, %ge3A : i32
        %convert_element_type3A_122 = arith.extui %ge3A_121 : i1 to i32
        %cond3A_123 = arith.constant 0 : i32
        %cond3A_124 = arith.cmpi ne, %convert_element_type3A_122, %cond3A_123 : i32
        scf.if %cond3A_124 {
          %sub3A_141 = arith.constant 3 : i32
          %sub3A_142 = arith.subi %add3A_100, %sub3A_141 : i32
          %mul3A_143 = arith.constant 32 : i32
          %mul3A_144 = arith.muli %sub3A_142, %mul3A_143 : i32
          %add3A_145 = arith.addi %add3A, %mul3A_144 : i32
          %mul3A_146 = arith.constant 128 : i32
          %mul3A_147 = arith.muli %add3A_145, %mul3A_146 : i32
          %dma_wait3A_148 = arith.constant 0 : i32
          %dma_wait3A_149 = tpu.memref_slice %arg4[%mul3A_147, %dma_wait3A_148] : memref<1600000x64xf32, #tpu.memory_space<hbm>> -> memref<128x64xf32, #tpu.memory_space<hbm>>
          %dma_wait3A_150 = arith.constant 0 : i32
          %dma_wait3A_151 = tpu.memref_slice %arg4[%mul3A_147, %dma_wait3A_150] : memref<1600000x64xf32, #tpu.memory_space<hbm>> -> memref<128x64xf32, #tpu.memory_space<hbm>>
          tpu.wait_dma2 semaphore(%arg16 : memref<!tpu.dma_semaphore, #tpu.memory_space<semaphore_mem>>) src(%arg9 : memref<128x64xf32, #tpu.memory_space<vmem>>) dst(%dma_wait3A_151 : memref<128x64xf32, #tpu.memory_space<hbm>>)
        } else {
        }
        %parallel_loop3A = arith.constant 0 : i32
        %parallel_loop3A_125 = arith.constant 128 : i32
        %parallel_loop3A_126 = arith.constant 1 : i32
        scf.for %parallel_loop3A_141 = %parallel_loop3A to %parallel_loop3A_125 step %parallel_loop3A_126  : i32 {
          %parallel_loop3A_142 = arith.index_cast %parallel_loop3A_141 : i32 to index
          %parallel_loop3A_143 = arith.constant 0 : index
          %parallel_loop3A_144 = tpu.vector_load %arg6[%parallel_loop3A_142, %parallel_loop3A_143] {strides = array<i32>} : memref<128x23xf32, #tpu.memory_space<vmem>>, vector<16xf32>,
          %parallel_loop3A_145 = arith.index_cast %parallel_loop3A_141 : i32 to index
          %parallel_loop3A_146 = arith.constant 7 : index
          %parallel_loop3A_147 = tpu.vector_load %arg6[%parallel_loop3A_145, %parallel_loop3A_146] {strides = array<i32>} : memref<128x23xf32, #tpu.memory_space<vmem>>, vector<16xf32>,
          %parallel_loop3A_148 = arith.select %lt3A_24, %parallel_loop3A_144, %broadcast_in_dim3A_25 : vector<16xi1>, vector<16xf32>
          %parallel_loop3A_149 = arith.constant true
          %parallel_loop3A_150 = vector.broadcast %parallel_loop3A_149 : i1 to vector<16xi1>
          %parallel_loop3A_151 = tpu.scan <max>, %parallel_loop3A_148 masked %parallel_loop3A_150 : vector<16xf32>, vector<16xi1> -> vector<16xf32>
          %parallel_loop3A_152 = vector.extract %parallel_loop3A_151[15] : f32 from vector<16xf32>
          %parallel_loop3A_153 = vector.broadcast %parallel_loop3A_152 : f32 to vector<16xf32>
          %parallel_loop3A_154 = arith.cmpf oeq, %parallel_loop3A_148, %parallel_loop3A_153 : vector<16xf32>
          %parallel_loop3A_155 = tpu.all_reduce %parallel_loop3A_154 {dim = 0 : i64, kind = #tpu.reduction_kind<find_first_set>} : vector<16xi1> -> vector<16xi32>
          %parallel_loop3A_156 = arith.constant true
          %parallel_loop3A_157 = vector.broadcast %parallel_loop3A_156 : i1 to vector<16xi1>
          %parallel_loop3A_158 = tpu.scan <max>, %parallel_loop3A_147 masked %parallel_loop3A_157 : vector<16xf32>, vector<16xi1> -> vector<16xf32>
          %parallel_loop3A_159 = vector.extract %parallel_loop3A_158[15] : f32 from vector<16xf32>
          %parallel_loop3A_160 = vector.broadcast %parallel_loop3A_159 : f32 to vector<16xf32>
          %parallel_loop3A_161 = arith.cmpf oeq, %parallel_loop3A_147, %parallel_loop3A_160 : vector<16xf32>
          %parallel_loop3A_162 = tpu.all_reduce %parallel_loop3A_161 {dim = 0 : i64, kind = #tpu.reduction_kind<find_first_set>} : vector<16xi1> -> vector<16xi32>
          %parallel_loop3A_163 = arith.constant 16 : i32
          %parallel_loop3A_164 = vector.broadcast %parallel_loop3A_163 : i32 to vector<16xi32>
          %parallel_loop3A_165 = arith.muli %parallel_loop3A_155, %parallel_loop3A_164 : vector<16xi32>
          %parallel_loop3A_166 = arith.addi %parallel_loop3A_165, %parallel_loop3A_162 : vector<16xi32>
          %parallel_loop3A_167 = arith.constant 64 : i32
          %parallel_loop3A_168 = vector.broadcast %parallel_loop3A_167 : i32 to vector<16xi32>
          %parallel_loop3A_169 = arith.muli %parallel_loop3A_166, %parallel_loop3A_168 : vector<16xi32>
          %parallel_loop3A_170 = vector.extract_strided_slice %parallel_loop3A_169 {offsets = [0], sizes = [1], strides = [1]} : vector<16xi32> to vector<1xi32>
          %parallel_loop3A_171 = vector.extract %parallel_loop3A_170[0] : i32 from vector<1xi32>
          %parallel_loop3A_172 = arith.constant 0 : i32
          %parallel_loop3A_173 = arith.addi %parallel_loop3A_171, %parallel_loop3A_172 : i32
          %parallel_loop3A_174 = arith.index_cast %parallel_loop3A_173 : i32 to index
          %parallel_loop3A_175 = tpu.vector_load %arg11[%parallel_loop3A_174] {strides = array<i32>} : memref<7168xf32, #tpu.memory_space<vmem>>, vector<16xf32>,
          %parallel_loop3A_176 = arith.index_cast %parallel_loop3A_141 : i32 to index
          %parallel_loop3A_177 = arith.constant 0 : index
          %parallel_loop3A_178 = tpu.vector_load %arg9[%parallel_loop3A_176, %parallel_loop3A_177] {strides = array<i32>} : memref<128x64xf32, #tpu.memory_space<vmem>>, vector<16xf32>,
          tpu.vector_store %arg9[%parallel_loop3A_176, %parallel_loop3A_177], %parallel_loop3A_175 {strides = array<i32>} : memref<128x64xf32, #tpu.memory_space<vmem>>, vector<16xf32>,
          %parallel_loop3A_179 = arith.constant 16 : i32
          %parallel_loop3A_180 = arith.addi %parallel_loop3A_171, %parallel_loop3A_179 : i32
          %parallel_loop3A_181 = arith.index_cast %parallel_loop3A_180 : i32 to index
          %parallel_loop3A_182 = tpu.vector_load %arg11[%parallel_loop3A_181] {strides = array<i32>} : memref<7168xf32, #tpu.memory_space<vmem>>, vector<16xf32>,
          %parallel_loop3A_183 = arith.index_cast %parallel_loop3A_141 : i32 to index
          %parallel_loop3A_184 = arith.constant 16 : index
          %parallel_loop3A_185 = tpu.vector_load %arg9[%parallel_loop3A_183, %parallel_loop3A_184] {strides = array<i32>} : memref<128x64xf32, #tpu.memory_space<vmem>>, vector<16xf32>,
          tpu.vector_store %arg9[%parallel_loop3A_183, %parallel_loop3A_184], %parallel_loop3A_182 {strides = array<i32>} : memref<128x64xf32, #tpu.memory_space<vmem>>, vector<16xf32>,
          %parallel_loop3A_186 = arith.constant 32 : i32
          %parallel_loop3A_187 = arith.addi %parallel_loop3A_171, %parallel_loop3A_186 : i32
          %parallel_loop3A_188 = arith.index_cast %parallel_loop3A_187 : i32 to index
          %parallel_loop3A_189 = tpu.vector_load %arg11[%parallel_loop3A_188] {strides = array<i32>} : memref<7168xf32, #tpu.memory_space<vmem>>, vector<16xf32>,
          %parallel_loop3A_190 = arith.index_cast %parallel_loop3A_141 : i32 to index
          %parallel_loop3A_191 = arith.constant 32 : index
          %parallel_loop3A_192 = tpu.vector_load %arg9[%parallel_loop3A_190, %parallel_loop3A_191] {strides = array<i32>} : memref<128x64xf32, #tpu.memory_space<vmem>>, vector<16xf32>,
          tpu.vector_store %arg9[%parallel_loop3A_190, %parallel_loop3A_191], %parallel_loop3A_189 {strides = array<i32>} : memref<128x64xf32, #tpu.memory_space<vmem>>, vector<16xf32>,
          %parallel_loop3A_193 = arith.constant 48 : i32
          %parallel_loop3A_194 = arith.addi %parallel_loop3A_171, %parallel_loop3A_193 : i32
          %parallel_loop3A_195 = arith.index_cast %parallel_loop3A_194 : i32 to index
          %parallel_loop3A_196 = tpu.vector_load %arg11[%parallel_loop3A_195] {strides = array<i32>} : memref<7168xf32, #tpu.memory_space<vmem>>, vector<16xf32>,
          %parallel_loop3A_197 = arith.index_cast %parallel_loop3A_141 : i32 to index
          %parallel_loop3A_198 = arith.constant 48 : index
          %parallel_loop3A_199 = tpu.vector_load %arg9[%parallel_loop3A_197, %parallel_loop3A_198] {strides = array<i32>} : memref<128x64xf32, #tpu.memory_space<vmem>>, vector<16xf32>,
          tpu.vector_store %arg9[%parallel_loop3A_197, %parallel_loop3A_198], %parallel_loop3A_196 {strides = array<i32>} : memref<128x64xf32, #tpu.memory_space<vmem>>, vector<16xf32>,
        } {sc.loop_unroll_factor = 8 : i64, sc.parallel_access}
        %mul3A_127 = arith.constant 32 : i32
        %mul3A_128 = arith.muli %add3A_100, %mul3A_127 : i32
        %add3A_129 = arith.addi %add3A, %mul3A_128 : i32
        %mul3A_130 = arith.constant 128 : i32
        %mul3A_131 = arith.muli %add3A_129, %mul3A_130 : i32
        %dma_start3A = arith.constant 0 : i32
        %dma_start3A_132 = tpu.memref_slice %arg4[%mul3A_131, %dma_start3A] : memref<1600000x64xf32, #tpu.memory_space<hbm>> -> memref<128x64xf32, #tpu.memory_space<hbm>>
        %dma_start3A_133 = arith.constant 0 : i32
        %dma_start3A_134 = tpu.memref_slice %arg4[%mul3A_131, %dma_start3A_133] : memref<1600000x64xf32, #tpu.memory_space<hbm>> -> memref<128x64xf32, #tpu.memory_space<hbm>>
        tpu.enqueue_dma source(%arg9 : memref<128x64xf32, #tpu.memory_space<vmem>>) target(%dma_start3A_134 : memref<128x64xf32, #tpu.memory_space<hbm>>) target_semaphore(%arg16 : memref<!tpu.dma_semaphore, #tpu.memory_space<semaphore_mem>>)
        %add3A_135 = arith.constant 3 : i32
        %add3A_136 = arith.addi %add3A_100, %add3A_135 : i32
        %lt3A_137 = arith.cmpi slt, %add3A_136, %select_n3A : i32
        %convert_element_type3A_138 = arith.extui %lt3A_137 : i1 to i32
        %cond3A_139 = arith.constant 0 : i32
        %cond3A_140 = arith.cmpi ne, %convert_element_type3A_138, %cond3A_139 : i32
        scf.if %cond3A_140 {
          %add3A_141 = arith.constant 3 : i32
          %add3A_142 = arith.addi %add3A_100, %add3A_141 : i32
          %mul3A_143 = arith.constant 32 : i32
          %mul3A_144 = arith.muli %add3A_142, %mul3A_143 : i32
          %add3A_145 = arith.addi %add3A, %mul3A_144 : i32
          %mul3A_146 = arith.constant 128 : i32
          %mul3A_147 = arith.muli %add3A_145, %mul3A_146 : i32
          %dma_start3A_148 = arith.constant 0 : i32
          %dma_start3A_149 = tpu.memref_slice %arg2[%mul3A_147, %dma_start3A_148] : memref<1600000x23xf32, #tpu.memory_space<hbm>> -> memref<128x23xf32, #tpu.memory_space<hbm>>
          %dma_start3A_150 = arith.constant 0 : i32
          %dma_start3A_151 = tpu.memref_slice %arg2[%mul3A_147, %dma_start3A_150] : memref<1600000x23xf32, #tpu.memory_space<hbm>> -> memref<128x23xf32, #tpu.memory_space<hbm>>
          tpu.enqueue_dma source(%dma_start3A_151 : memref<128x23xf32, #tpu.memory_space<hbm>>) target(%arg6 : memref<128x23xf32, #tpu.memory_space<vmem>>) target_semaphore(%arg13 : memref<!tpu.dma_semaphore, #tpu.memory_space<semaphore_mem>>)
        } else {
        }
      } else {
      }
      %mul3A_105 = arith.constant 3 : i32
      %mul3A_106 = arith.muli %mul3A_105, %while3A_88 : i32
      %add3A_107 = arith.constant 2 : i32
      %add3A_108 = arith.addi %mul3A_106, %add3A_107 : i32
      %lt3A_109 = arith.cmpi slt, %add3A_108, %select_n3A : i32
      %convert_element_type3A_110 = arith.extui %lt3A_109 : i1 to i32
      %cond3A_111 = arith.constant 0 : i32
      %cond3A_112 = arith.cmpi ne, %convert_element_type3A_110, %cond3A_111 : i32
      scf.if %cond3A_112 {
        %mul3A_113 = arith.constant 32 : i32
        %mul3A_114 = arith.muli %add3A_108, %mul3A_113 : i32
        %add3A_115 = arith.addi %add3A, %mul3A_114 : i32
        %mul3A_116 = arith.constant 128 : i32
        %mul3A_117 = arith.muli %add3A_115, %mul3A_116 : i32
        %dma_wait3A = arith.constant 0 : i32
        %dma_wait3A_118 = tpu.memref_slice %arg2[%mul3A_117, %dma_wait3A] : memref<1600000x23xf32, #tpu.memory_space<hbm>> -> memref<128x23xf32, #tpu.memory_space<hbm>>
        %dma_wait3A_119 = arith.constant 0 : i32
        %dma_wait3A_120 = tpu.memref_slice %arg2[%mul3A_117, %dma_wait3A_119] : memref<1600000x23xf32, #tpu.memory_space<hbm>> -> memref<128x23xf32, #tpu.memory_space<hbm>>
        tpu.wait_dma2 semaphore(%arg14 : memref<!tpu.dma_semaphore, #tpu.memory_space<semaphore_mem>>) src(%dma_wait3A_120 : memref<128x23xf32, #tpu.memory_space<hbm>>) dst(%arg7 : memref<128x23xf32, #tpu.memory_space<vmem>>)
        %ge3A = arith.constant 3 : i32
        %ge3A_121 = arith.cmpi sge, %add3A_108, %ge3A : i32
        %convert_element_type3A_122 = arith.extui %ge3A_121 : i1 to i32
        %cond3A_123 = arith.constant 0 : i32
        %cond3A_124 = arith.cmpi ne, %convert_element_type3A_122, %cond3A_123 : i32
        scf.if %cond3A_124 {
          %sub3A_141 = arith.constant 3 : i32
          %sub3A_142 = arith.subi %add3A_108, %sub3A_141 : i32
          %mul3A_143 = arith.constant 32 : i32
          %mul3A_144 = arith.muli %sub3A_142, %mul3A_143 : i32
          %add3A_145 = arith.addi %add3A, %mul3A_144 : i32
          %mul3A_146 = arith.constant 128 : i32
          %mul3A_147 = arith.muli %add3A_145, %mul3A_146 : i32
          %dma_wait3A_148 = arith.constant 0 : i32
          %dma_wait3A_149 = tpu.memref_slice %arg4[%mul3A_147, %dma_wait3A_148] : memref<1600000x64xf32, #tpu.memory_space<hbm>> -> memref<128x64xf32, #tpu.memory_space<hbm>>
          %dma_wait3A_150 = arith.constant 0 : i32
          %dma_wait3A_151 = tpu.memref_slice %arg4[%mul3A_147, %dma_wait3A_150] : memref<1600000x64xf32, #tpu.memory_space<hbm>> -> memref<128x64xf32, #tpu.memory_space<hbm>>
          tpu.wait_dma2 semaphore(%arg17 : memref<!tpu.dma_semaphore, #tpu.memory_space<semaphore_mem>>) src(%arg10 : memref<128x64xf32, #tpu.memory_space<vmem>>) dst(%dma_wait3A_151 : memref<128x64xf32, #tpu.memory_space<hbm>>)
        } else {
        }
        %parallel_loop3A = arith.constant 0 : i32
        %parallel_loop3A_125 = arith.constant 128 : i32
        %parallel_loop3A_126 = arith.constant 1 : i32
        scf.for %parallel_loop3A_141 = %parallel_loop3A to %parallel_loop3A_125 step %parallel_loop3A_126  : i32 {
          %parallel_loop3A_142 = arith.index_cast %parallel_loop3A_141 : i32 to index
          %parallel_loop3A_143 = arith.constant 0 : index
          %parallel_loop3A_144 = tpu.vector_load %arg7[%parallel_loop3A_142, %parallel_loop3A_143] {strides = array<i32>} : memref<128x23xf32, #tpu.memory_space<vmem>>, vector<16xf32>,
          %parallel_loop3A_145 = arith.index_cast %parallel_loop3A_141 : i32 to index
          %parallel_loop3A_146 = arith.constant 7 : index
          %parallel_loop3A_147 = tpu.vector_load %arg7[%parallel_loop3A_145, %parallel_loop3A_146] {strides = array<i32>} : memref<128x23xf32, #tpu.memory_space<vmem>>, vector<16xf32>,
          %parallel_loop3A_148 = arith.select %lt3A_24, %parallel_loop3A_144, %broadcast_in_dim3A_25 : vector<16xi1>, vector<16xf32>
          %parallel_loop3A_149 = arith.constant true
          %parallel_loop3A_150 = vector.broadcast %parallel_loop3A_149 : i1 to vector<16xi1>
          %parallel_loop3A_151 = tpu.scan <max>, %parallel_loop3A_148 masked %parallel_loop3A_150 : vector<16xf32>, vector<16xi1> -> vector<16xf32>
          %parallel_loop3A_152 = vector.extract %parallel_loop3A_151[15] : f32 from vector<16xf32>
          %parallel_loop3A_153 = vector.broadcast %parallel_loop3A_152 : f32 to vector<16xf32>
          %parallel_loop3A_154 = arith.cmpf oeq, %parallel_loop3A_148, %parallel_loop3A_153 : vector<16xf32>
          %parallel_loop3A_155 = tpu.all_reduce %parallel_loop3A_154 {dim = 0 : i64, kind = #tpu.reduction_kind<find_first_set>} : vector<16xi1> -> vector<16xi32>
          %parallel_loop3A_156 = arith.constant true
          %parallel_loop3A_157 = vector.broadcast %parallel_loop3A_156 : i1 to vector<16xi1>
          %parallel_loop3A_158 = tpu.scan <max>, %parallel_loop3A_147 masked %parallel_loop3A_157 : vector<16xf32>, vector<16xi1> -> vector<16xf32>
          %parallel_loop3A_159 = vector.extract %parallel_loop3A_158[15] : f32 from vector<16xf32>
          %parallel_loop3A_160 = vector.broadcast %parallel_loop3A_159 : f32 to vector<16xf32>
          %parallel_loop3A_161 = arith.cmpf oeq, %parallel_loop3A_147, %parallel_loop3A_160 : vector<16xf32>
          %parallel_loop3A_162 = tpu.all_reduce %parallel_loop3A_161 {dim = 0 : i64, kind = #tpu.reduction_kind<find_first_set>} : vector<16xi1> -> vector<16xi32>
          %parallel_loop3A_163 = arith.constant 16 : i32
          %parallel_loop3A_164 = vector.broadcast %parallel_loop3A_163 : i32 to vector<16xi32>
          %parallel_loop3A_165 = arith.muli %parallel_loop3A_155, %parallel_loop3A_164 : vector<16xi32>
          %parallel_loop3A_166 = arith.addi %parallel_loop3A_165, %parallel_loop3A_162 : vector<16xi32>
          %parallel_loop3A_167 = arith.constant 64 : i32
          %parallel_loop3A_168 = vector.broadcast %parallel_loop3A_167 : i32 to vector<16xi32>
          %parallel_loop3A_169 = arith.muli %parallel_loop3A_166, %parallel_loop3A_168 : vector<16xi32>
          %parallel_loop3A_170 = vector.extract_strided_slice %parallel_loop3A_169 {offsets = [0], sizes = [1], strides = [1]} : vector<16xi32> to vector<1xi32>
          %parallel_loop3A_171 = vector.extract %parallel_loop3A_170[0] : i32 from vector<1xi32>
          %parallel_loop3A_172 = arith.constant 0 : i32
          %parallel_loop3A_173 = arith.addi %parallel_loop3A_171, %parallel_loop3A_172 : i32
          %parallel_loop3A_174 = arith.index_cast %parallel_loop3A_173 : i32 to index
          %parallel_loop3A_175 = tpu.vector_load %arg11[%parallel_loop3A_174] {strides = array<i32>} : memref<7168xf32, #tpu.memory_space<vmem>>, vector<16xf32>,
          %parallel_loop3A_176 = arith.index_cast %parallel_loop3A_141 : i32 to index
          %parallel_loop3A_177 = arith.constant 0 : index
          %parallel_loop3A_178 = tpu.vector_load %arg10[%parallel_loop3A_176, %parallel_loop3A_177] {strides = array<i32>} : memref<128x64xf32, #tpu.memory_space<vmem>>, vector<16xf32>,
          tpu.vector_store %arg10[%parallel_loop3A_176, %parallel_loop3A_177], %parallel_loop3A_175 {strides = array<i32>} : memref<128x64xf32, #tpu.memory_space<vmem>>, vector<16xf32>,
          %parallel_loop3A_179 = arith.constant 16 : i32
          %parallel_loop3A_180 = arith.addi %parallel_loop3A_171, %parallel_loop3A_179 : i32
          %parallel_loop3A_181 = arith.index_cast %parallel_loop3A_180 : i32 to index
          %parallel_loop3A_182 = tpu.vector_load %arg11[%parallel_loop3A_181] {strides = array<i32>} : memref<7168xf32, #tpu.memory_space<vmem>>, vector<16xf32>,
          %parallel_loop3A_183 = arith.index_cast %parallel_loop3A_141 : i32 to index
          %parallel_loop3A_184 = arith.constant 16 : index
          %parallel_loop3A_185 = tpu.vector_load %arg10[%parallel_loop3A_183, %parallel_loop3A_184] {strides = array<i32>} : memref<128x64xf32, #tpu.memory_space<vmem>>, vector<16xf32>,
          tpu.vector_store %arg10[%parallel_loop3A_183, %parallel_loop3A_184], %parallel_loop3A_182 {strides = array<i32>} : memref<128x64xf32, #tpu.memory_space<vmem>>, vector<16xf32>,
          %parallel_loop3A_186 = arith.constant 32 : i32
          %parallel_loop3A_187 = arith.addi %parallel_loop3A_171, %parallel_loop3A_186 : i32
          %parallel_loop3A_188 = arith.index_cast %parallel_loop3A_187 : i32 to index
          %parallel_loop3A_189 = tpu.vector_load %arg11[%parallel_loop3A_188] {strides = array<i32>} : memref<7168xf32, #tpu.memory_space<vmem>>, vector<16xf32>,
          %parallel_loop3A_190 = arith.index_cast %parallel_loop3A_141 : i32 to index
          %parallel_loop3A_191 = arith.constant 32 : index
          %parallel_loop3A_192 = tpu.vector_load %arg10[%parallel_loop3A_190, %parallel_loop3A_191] {strides = array<i32>} : memref<128x64xf32, #tpu.memory_space<vmem>>, vector<16xf32>,
          tpu.vector_store %arg10[%parallel_loop3A_190, %parallel_loop3A_191], %parallel_loop3A_189 {strides = array<i32>} : memref<128x64xf32, #tpu.memory_space<vmem>>, vector<16xf32>,
          %parallel_loop3A_193 = arith.constant 48 : i32
          %parallel_loop3A_194 = arith.addi %parallel_loop3A_171, %parallel_loop3A_193 : i32
          %parallel_loop3A_195 = arith.index_cast %parallel_loop3A_194 : i32 to index
          %parallel_loop3A_196 = tpu.vector_load %arg11[%parallel_loop3A_195] {strides = array<i32>} : memref<7168xf32, #tpu.memory_space<vmem>>, vector<16xf32>,
          %parallel_loop3A_197 = arith.index_cast %parallel_loop3A_141 : i32 to index
          %parallel_loop3A_198 = arith.constant 48 : index
          %parallel_loop3A_199 = tpu.vector_load %arg10[%parallel_loop3A_197, %parallel_loop3A_198] {strides = array<i32>} : memref<128x64xf32, #tpu.memory_space<vmem>>, vector<16xf32>,
          tpu.vector_store %arg10[%parallel_loop3A_197, %parallel_loop3A_198], %parallel_loop3A_196 {strides = array<i32>} : memref<128x64xf32, #tpu.memory_space<vmem>>, vector<16xf32>,
        } {sc.loop_unroll_factor = 8 : i64, sc.parallel_access}
        %mul3A_127 = arith.constant 32 : i32
        %mul3A_128 = arith.muli %add3A_108, %mul3A_127 : i32
        %add3A_129 = arith.addi %add3A, %mul3A_128 : i32
        %mul3A_130 = arith.constant 128 : i32
        %mul3A_131 = arith.muli %add3A_129, %mul3A_130 : i32
        %dma_start3A = arith.constant 0 : i32
        %dma_start3A_132 = tpu.memref_slice %arg4[%mul3A_131, %dma_start3A] : memref<1600000x64xf32, #tpu.memory_space<hbm>> -> memref<128x64xf32, #tpu.memory_space<hbm>>
        %dma_start3A_133 = arith.constant 0 : i32
        %dma_start3A_134 = tpu.memref_slice %arg4[%mul3A_131, %dma_start3A_133] : memref<1600000x64xf32, #tpu.memory_space<hbm>> -> memref<128x64xf32, #tpu.memory_space<hbm>>
        tpu.enqueue_dma source(%arg10 : memref<128x64xf32, #tpu.memory_space<vmem>>) target(%dma_start3A_134 : memref<128x64xf32, #tpu.memory_space<hbm>>) target_semaphore(%arg17 : memref<!tpu.dma_semaphore, #tpu.memory_space<semaphore_mem>>)
        %add3A_135 = arith.constant 3 : i32
        %add3A_136 = arith.addi %add3A_108, %add3A_135 : i32
        %lt3A_137 = arith.cmpi slt, %add3A_136, %select_n3A : i32
        %convert_element_type3A_138 = arith.extui %lt3A_137 : i1 to i32
        %cond3A_139 = arith.constant 0 : i32
        %cond3A_140 = arith.cmpi ne, %convert_element_type3A_138, %cond3A_139 : i32
        scf.if %cond3A_140 {
          %add3A_141 = arith.constant 3 : i32
          %add3A_142 = arith.addi %add3A_108, %add3A_141 : i32
          %mul3A_143 = arith.constant 32 : i32
          %mul3A_144 = arith.muli %add3A_142, %mul3A_143 : i32
          %add3A_145 = arith.addi %add3A, %mul3A_144 : i32
          %mul3A_146 = arith.constant 128 : i32
          %mul3A_147 = arith.muli %add3A_145, %mul3A_146 : i32
          %dma_start3A_148 = arith.constant 0 : i32
          %dma_start3A_149 = tpu.memref_slice %arg2[%mul3A_147, %dma_start3A_148] : memref<1600000x23xf32, #tpu.memory_space<hbm>> -> memref<128x23xf32, #tpu.memory_space<hbm>>
          %dma_start3A_150 = arith.constant 0 : i32
          %dma_start3A_151 = tpu.memref_slice %arg2[%mul3A_147, %dma_start3A_150] : memref<1600000x23xf32, #tpu.memory_space<hbm>> -> memref<128x23xf32, #tpu.memory_space<hbm>>
          tpu.enqueue_dma source(%dma_start3A_151 : memref<128x23xf32, #tpu.memory_space<hbm>>) target(%arg7 : memref<128x23xf32, #tpu.memory_space<vmem>>) target_semaphore(%arg14 : memref<!tpu.dma_semaphore, #tpu.memory_space<semaphore_mem>>)
        } else {
        }
      } else {
      }
    }
    %gt3A_73 = arith.constant 0 : i32
    %gt3A_74 = arith.cmpi sgt, %select_n3A, %gt3A_73 : i32
    %convert_element_type3A_75 = arith.extui %gt3A_74 : i1 to i32
    %cond3A_76 = arith.constant 0 : i32
    %cond3A_77 = arith.cmpi ne, %convert_element_type3A_75, %cond3A_76 : i32
    scf.if %cond3A_77 {
      %add3A_88 = arith.constant 0 : i32
      %add3A_89 = arith.addi %add3A, %add3A_88 : i32
      %mul3A_90 = arith.constant 128 : i32
      %mul3A_91 = arith.muli %add3A_89, %mul3A_90 : i32
      %dma_wait3A = arith.constant 0 : i32
      %dma_wait3A_92 = tpu.memref_slice %arg4[%mul3A_91, %dma_wait3A] : memref<1600000x64xf32, #tpu.memory_space<hbm>> -> memref<128x64xf32, #tpu.memory_space<hbm>>
      %dma_wait3A_93 = arith.constant 0 : i32
      %dma_wait3A_94 = tpu.memref_slice %arg4[%mul3A_91, %dma_wait3A_93] : memref<1600000x64xf32, #tpu.memory_space<hbm>> -> memref<128x64xf32, #tpu.memory_space<hbm>>
      tpu.wait_dma2 semaphore(%arg15 : memref<!tpu.dma_semaphore, #tpu.memory_space<semaphore_mem>>) src(%arg8 : memref<128x64xf32, #tpu.memory_space<vmem>>) dst(%dma_wait3A_94 : memref<128x64xf32, #tpu.memory_space<hbm>>)
    } else {
    }
    %gt3A_78 = arith.constant 1 : i32
    %gt3A_79 = arith.cmpi sgt, %select_n3A, %gt3A_78 : i32
    %convert_element_type3A_80 = arith.extui %gt3A_79 : i1 to i32
    %cond3A_81 = arith.constant 0 : i32
    %cond3A_82 = arith.cmpi ne, %convert_element_type3A_80, %cond3A_81 : i32
    scf.if %cond3A_82 {
      %add3A_88 = arith.constant 32 : i32
      %add3A_89 = arith.addi %add3A, %add3A_88 : i32
      %mul3A_90 = arith.constant 128 : i32
      %mul3A_91 = arith.muli %add3A_89, %mul3A_90 : i32
      %dma_wait3A = arith.constant 0 : i32
      %dma_wait3A_92 = tpu.memref_slice %arg4[%mul3A_91, %dma_wait3A] : memref<1600000x64xf32, #tpu.memory_space<hbm>> -> memref<128x64xf32, #tpu.memory_space<hbm>>
      %dma_wait3A_93 = arith.constant 0 : i32
      %dma_wait3A_94 = tpu.memref_slice %arg4[%mul3A_91, %dma_wait3A_93] : memref<1600000x64xf32, #tpu.memory_space<hbm>> -> memref<128x64xf32, #tpu.memory_space<hbm>>
      tpu.wait_dma2 semaphore(%arg16 : memref<!tpu.dma_semaphore, #tpu.memory_space<semaphore_mem>>) src(%arg9 : memref<128x64xf32, #tpu.memory_space<vmem>>) dst(%dma_wait3A_94 : memref<128x64xf32, #tpu.memory_space<hbm>>)
    } else {
    }
    %gt3A_83 = arith.constant 2 : i32
    %gt3A_84 = arith.cmpi sgt, %select_n3A, %gt3A_83 : i32
    %convert_element_type3A_85 = arith.extui %gt3A_84 : i1 to i32
    %cond3A_86 = arith.constant 0 : i32
    %cond3A_87 = arith.cmpi ne, %convert_element_type3A_85, %cond3A_86 : i32
    scf.if %cond3A_87 {
      %add3A_88 = arith.constant 64 : i32
      %add3A_89 = arith.addi %add3A, %add3A_88 : i32
      %mul3A_90 = arith.constant 128 : i32
      %mul3A_91 = arith.muli %add3A_89, %mul3A_90 : i32
      %dma_wait3A = arith.constant 0 : i32
      %dma_wait3A_92 = tpu.memref_slice %arg4[%mul3A_91, %dma_wait3A] : memref<1600000x64xf32, #tpu.memory_space<hbm>> -> memref<128x64xf32, #tpu.memory_space<hbm>>
      %dma_wait3A_93 = arith.constant 0 : i32
      %dma_wait3A_94 = tpu.memref_slice %arg4[%mul3A_91, %dma_wait3A_93] : memref<1600000x64xf32, #tpu.memory_space<hbm>> -> memref<128x64xf32, #tpu.memory_space<hbm>>
      tpu.wait_dma2 semaphore(%arg17 : memref<!tpu.dma_semaphore, #tpu.memory_space<semaphore_mem>>) src(%arg10 : memref<128x64xf32, #tpu.memory_space<vmem>>) dst(%dma_wait3A_94 : memref<128x64xf32, #tpu.memory_space<hbm>>)
    } else {
    }
    return
  }
}

module attributes {stable_mosaic.version = 14 : i64} {
  func.func @_table_body(%arg0: memref<7x16xf32, #tpu.memory_space<vmem>>, %arg1: memref<16x16xf32, #tpu.memory_space<vmem>>, %arg2: memref<16x64xf32, #tpu.memory_space<vmem>>, %arg3: memref<16x64xf32, #tpu.memory_space<vmem>>, %arg4: memref<1x1x64xf32, #tpu.memory_space<vmem>>, %arg5: memref<7x16x64xf32, #tpu.memory_space<vmem>>) attributes {dimension_semantics = [], scalar_prefetch = 0 : i64, scratch_operands = 0 : i64, tpu.core_type = #tpu.core_type<tc>} {
    %get3A = arith.constant 0 : index
    %get3A_0 = arith.constant 0 : index
    %get3A_1 = vector.load %arg0[%get3A, %get3A_0] : memref<7x16xf32, #tpu.memory_space<vmem>>, vector<7x16xf32>
    %get3A_2 = arith.constant 0 : index
    %get3A_3 = arith.constant 0 : index
    %get3A_4 = vector.load %arg2[%get3A_2, %get3A_3] : memref<16x64xf32, #tpu.memory_space<vmem>>, vector<16x64xf32>
    %dot_general3A = arith.constant dense<0.000000e+00> : vector<7x64xf32>
    %dot_general3A_5 = tpu.matmul %get3A_1, %get3A_4, %dot_general3A {dimension_numbers = #tpu.dot_dimension_numbers<[1], [0], [0], [1], [0, 0, 1, 1], [], []>, transpose_lhs_hint = false} : vector<7x16xf32>, vector<16x64xf32>, vector<7x64xf32> -> vector<7x64xf32>
    %get3A_6 = arith.constant 0 : index
    %get3A_7 = arith.constant 0 : index
    %get3A_8 = vector.load %arg1[%get3A_6, %get3A_7] : memref<16x16xf32, #tpu.memory_space<vmem>>, vector<16x16xf32>
    %get3A_9 = arith.constant 0 : index
    %get3A_10 = arith.constant 0 : index
    %get3A_11 = vector.load %arg3[%get3A_9, %get3A_10] : memref<16x64xf32, #tpu.memory_space<vmem>>, vector<16x64xf32>
    %dot_general3A_12 = arith.constant dense<0.000000e+00> : vector<16x64xf32>
    %dot_general3A_13 = tpu.matmul %get3A_8, %get3A_11, %dot_general3A_12 {dimension_numbers = #tpu.dot_dimension_numbers<[1], [0], [0], [1], [0, 0, 1, 1], [], []>, transpose_lhs_hint = false} : vector<16x16xf32>, vector<16x64xf32>, vector<16x64xf32> -> vector<16x64xf32>
    %broadcast_in_dim3A = vector.shape_cast %dot_general3A_5 : vector<7x64xf32> to vector<7x1x64xf32>
    %broadcast_in_dim3A_14 = vector.shape_cast %dot_general3A_13 : vector<16x64xf32> to vector<1x16x64xf32>
    %add3A = vector.broadcast %broadcast_in_dim3A : vector<7x1x64xf32> to vector<7x16x64xf32>
    %add3A_15 = vector.broadcast %broadcast_in_dim3A_14 : vector<1x16x64xf32> to vector<7x16x64xf32>
    %add3A_16 = arith.addf %add3A, %add3A_15 : vector<7x16x64xf32>
    %get3A_17 = arith.constant 0 : index
    %get3A_18 = arith.constant 0 : index
    %get3A_19 = arith.constant 0 : index
    %get3A_20 = vector.load %arg4[%get3A_17, %get3A_18, %get3A_19] : memref<1x1x64xf32, #tpu.memory_space<vmem>>, vector<1x1x64xf32>
    %add3A_21 = vector.broadcast %get3A_20 : vector<1x1x64xf32> to vector<7x16x64xf32>
    %add3A_22 = arith.addf %add3A_16, %add3A_21 : vector<7x16x64xf32>
    %swap3A = arith.constant 0 : index
    %swap3A_23 = arith.constant 0 : index
    %swap3A_24 = arith.constant 0 : index
    %swap3A_25 = vector.load %arg5[%swap3A, %swap3A_23, %swap3A_24] : memref<7x16x64xf32, #tpu.memory_space<vmem>>, vector<7x16x64xf32>
    tpu.vector_store %arg5[%swap3A, %swap3A_23, %swap3A_24], %add3A_22 {strides = array<i32>} : memref<7x16x64xf32, #tpu.memory_space<vmem>>, vector<7x16x64xf32>,
    return
  }
}

</mosaic_0001>

<sc_bundles>
// kernel: kernel.4.cloned.1.call-start
scs
__scs_entry_jumppad:
0x0: {  	(pc) =	sbr.rel $0x88, $3  }
0x1: {  	(tag) =	ssettag $0x0;
	lr =	simm.s32 $0x1  }
0x2: {  	[smem:$0x3F9C] =	sst lr;
	_ =	strace $0xD0000000  }
0x3: {  	_ = 	snop  }
0x4: {  	_ = 	snop  }
0x5: {  	_ = 	snop  }
0x6: {  	_ = 	snop  }
0x7: {  	_ = 	snop  }
__scs_overlays_trampoline_lowered:
0x8: {  	[smem:$0x3FAB] =	sst s0  }
0x9: {  	[smem:$0x3FAC] =	sst s1  }
0xa: {  	[smem:$0x3FAD] =	sst s2  }
0xb: {  	[smem:$0x3FAE] =	sst s3  }
0xc: {  	[smem:$0x3FAF] =	sst s4  }
0xd: {  	[smem:$0x3FB0] =	sst s5  }
0xe: {  	[smem:$0x3FB1] =	sst s6  }
0xf: {  	[smem:$0x3FB2] =	sst s7  }
0x10: {  	[smem:$0x3FB3] =	sst s8  }
0x11: {  	[smem:$0x3FB4] =	sst s9;
	s0 =	simm.s32 @!p0 $0x0  }
0x12: {  	s1 =	sld [smem:$0x3F9A];
	s0 =	simm.s32 @p0 $0x1  }
0x13: {  	[smem:$0x3FB5] =	sst s0;
	s0 =	simm.s32 @!p1 $0x0  }
0x14: {  	s2 =	sld [smem:$0x3F99];
	s0 =	simm.s32 @p1 $0x1  }
0x15: {  	[smem:$0x3FB6] =	sst s0;
	s0 =	simm.s32 @!p2 $0x0  }
0x16: {  	s3 =	sld [smem:$0x3FDB];
	s0 =	simm.s32 @p2 $0x1  }
0x17: {  	s4 =	simm.s32 $0x1BF5;
	[smem:$0x3FB8] =	sst s0  }
0x18: {  	s0 =	sld [smem:$0x3F9B];
	_ =	swait.ge [sflag:s4], $0x0  }
0x19: {  	s7 =	sld [smem:$0x3F9C]  }
0x1a: {  	s8 =	sadd.s32 $0xFFFFE003, lr  }
0x1b: {  	s9 =	sadd.s32 $0xFFFFFEF7, lr;
	s5 =	simm.s32 $0xFFFFFFFF;
	p2 =	slt.u32 s8, $0xFFFFF086  }
0x1c: {  	p1 =	slt.u32 s9, $0xF7A;
	s5 =	simm.s32 @!p2 $0x0  }
0x1d: {  	s5 =	simm.s32 @p1 $0x1;
	p0 =	seq.s32 s7, s2  }
0x1e: {  	s7 =	smul.u32 @!p0 $0xF7A, s2;
	p2 =	seq.s32 @!p0 s5, $0x0  }
0x1f: {  	s9 =	smul.u32 $0xF7A, s1;
	s8 =	simm.s32 @!p0 $0x1BF5;
	p2 =	por !p2, p0  }
0x20: {  	[sflag:s8] =	ssyncset.s32 @!p0 $0xFFFFF086;
	s6 =	sadd.s32 @!p0 s3, s7;
	s7 =	simm.s32 @!p0 $0x108  }
0x21: {  	s3 =	sadd.s32 s3, s9;
	s6 =	sadd.s32 @!p0 $0x88, s6;
	s7 =	simm.s32 @p2 $0x1082  }
0x22: {  	[simem:s7], [sflag:s8] =	dma.local @!p0 [hbm:s6], $0xF7A  }
0x23: {  	s9 =	sor.u32 $0xD0000000, s2;
	s6 =	simm.s32 $0x108;
	_ =	swait.ge @!p0 [sflag:s8], $0x0  }
0x24: {  	s3 =	sadd.s32 $0x88, s3;
	s6 =	simm.s32 @!p1 $0x1082;
	[sflag:s4] =	ssyncset.s32 $0xFFFFF086  }
0x25: {  	[simem:s6], [sflag:s4] =	dma.local [hbm:s3], $0xF7A  }
0x26: {  	[smem:$0x3F9C] =	sst s1;
	(tag) =	ssettag s2;
	_ =	strace s9  }
0x27: {  	s1 =	sld [smem:$0x3FAC]  }
0x28: {  	s2 =	sld [smem:$0x3FAD]  }
0x29: {  	s4 =	sld [smem:$0x3FAF]  }
0x2a: {  	p0 =	seq.s32 s5, $0x0;
	s5 =	sld [smem:$0x3FB0]  }
0x2b: {  	s6 =	sld [smem:$0x3FB1]  }
0x2c: {  	s7 =	sld [smem:$0x3FB2]  }
0x2d: {  	s3 =	simm.s32 $0x108;
	s8 =	sld [smem:$0x3FB3]  }
0x2e: {  	s3 =	simm.s32 @!p0 $0x1082;
	s9 =	sld [smem:$0x3FB4]  }
0x2f: {  	lr =	sadd.s32 s0, s3;
	s0 =	sld [smem:$0x3FAB]  }
0x30: {  	s3 =	sld [smem:$0x3FAE]  }
0x31: {  	[smem:$0x3FB7] =	sst s10  }
0x32: {  	s10 =	sld [smem:$0x3FB5];
	_ =	sdelay $0x3  }
0x33: {  	p0 =	seq.s32 s10, $0x1;
	s10 =	sld [smem:$0x3FB7];
	_ =	sdelay $0x3  }
0x34: {  	[smem:$0x3FB7] =	sst s10  }
0x35: {  	s10 =	sld [smem:$0x3FB6];
	_ =	sdelay $0x3  }
0x36: {  	p1 =	seq.s32 s10, $0x1;
	s10 =	sld [smem:$0x3FB7];
	_ =	sdelay $0x3  }
0x37: {  	[smem:$0x3FB7] =	sst s10  }
0x38: {  	s10 =	sld [smem:$0x3FB8]  }
0x39: {  	_ = 	snop;
	(pc) =	sbr.ind lr, $3  }
0x3a: {  	_ = 	snop  }
0x3b: {  	_ = 	snop  }
0x3c: {  	p2 =	seq.s32 s10, $0x1;
	s10 =	sld [smem:$0x3FB7]  }
0x3d: {  	_ =	shalt  }
0x3e: {  	_ =	shalt  }
0x3f: {  	_ =	shalt  }
0x40: {  	_ =	shalt  }
0x41: {  	_ =	shalt  }
0x42: {  	_ =	shalt  }
0x43: {  	_ =	shalt  }
0x44: {  	_ =	shalt  }
0x45: {  	_ =	shalt  }
0x46: {  	_ =	shalt  }
0x47: {  	_ =	shalt  }
0x48: {  	_ =	shalt  }
0x49: {  	_ =	shalt  }
0x4a: {  	_ =	shalt  }
0x4b: {  	_ =	shalt  }
0x4c: {  	_ =	shalt  }
0x4d: {  	_ =	shalt  }
0x4e: {  	_ =	shalt  }
0x4f: {  	_ =	shalt  }
0x50: {  	_ =	shalt  }
0x51: {  	_ =	shalt  }
0x52: {  	_ =	shalt  }
0x53: {  	_ =	shalt  }
0x54: {  	_ =	shalt  }
0x55: {  	_ =	shalt  }
0x56: {  	_ =	shalt  }
0x57: {  	_ =	shalt  }
0x58: {  	_ =	shalt  }
0x59: {  	_ =	shalt  }
0x5a: {  	_ =	shalt  }
0x5b: {  	_ =	shalt  }
0x5c: {  	_ =	shalt  }
0x5d: {  	_ =	shalt  }
0x5e: {  	_ =	shalt  }
0x5f: {  	_ =	shalt  }
0x60: {  	_ =	shalt  }
0x61: {  	_ =	shalt  }
0x62: {  	_ =	shalt  }
0x63: {  	_ =	shalt  }
0x64: {  	_ =	shalt  }
0x65: {  	_ =	shalt  }
0x66: {  	_ =	shalt  }
0x67: {  	_ =	shalt  }
0x68: {  	_ =	shalt  }
0x69: {  	_ =	shalt  }
0x6a: {  	_ =	shalt  }
0x6b: {  	_ =	shalt  }
0x6c: {  	_ =	shalt  }
0x6d: {  	_ =	shalt  }
0x6e: {  	_ =	shalt  }
0x6f: {  	_ =	shalt  }
0x70: {  	_ =	shalt  }
0x71: {  	_ =	shalt  }
0x72: {  	_ =	shalt  }
0x73: {  	_ =	shalt  }
0x74: {  	_ =	shalt  }
0x75: {  	_ =	shalt  }
0x76: {  	_ =	shalt  }
0x77: {  	_ =	shalt  }
0x78: {  	_ =	shalt  }
0x79: {  	_ =	shalt  }
0x7a: {  	_ =	shalt  }
0x7b: {  	_ =	shalt  }
0x7c: {  	_ =	shalt  }
0x7d: {  	_ =	shalt  }
0x7e: {  	_ =	shalt  }
0x7f: {  	_ =	shalt  }
0x80: {  	_ =	shalt  }
0x81: {  	_ =	shalt  }
0x82: {  	_ =	shalt  }
0x83: {  	_ =	shalt  }
0x84: {  	_ =	shalt  }
0x85: {  	_ =	shalt  }
0x86: {  	_ =	shalt  }
0x87: {  	_ =	shalt  }
.Lfunc_end0:
.L_simem_size_0:
called_computation_lowered:
.L_overlay_start_0:
0x88: {  	s2 =	sld [smem:$0x3FD9]  }
0x89: {  	s3 =	sld [smem:$0x3FFE];
	_ =	sdelay $0x1  }
0x8a: {  	s1 =	srdreg.scid  }
0x8b: {  	s0 =	sand.u32 $0x1, s1  }
0x8c: {  	s17 =	sshll.u32 s0, $0xA;
	s2 =	sadd.s32 s3, s2  }
0x8d: {  	s2 =	sadd.s32 s2, s17  }
0x8e: {  	[smem:$0x3FC3] =	sst s2  }
0x8f: {  	_ = 	snop  }
0x90: {  	s2 =	sld [smem:$0x3FD0];
	(tm) =	ssettm $0x1  }
0x91: {  	s18 =	sld [smem:$0x3FFB];
	_ =	sdelay $0x3  }
0x92: {  	_ =	strace s18  }
0x93: {  	s3 =	sld [smem:$0x3FFC];
	_ =	sdelay $0x3  }
0x94: {  	_ =	strace s3  }
0x95: {  	s3 =	sld [smem:$0x3FFD];
	_ =	sdelay $0x3  }
0x96: {  	_ =	strace s3  }
0x97: {  	_ =	strace $0x8FFFFFFF  }
0x98: {  	s19 =	sld [smem:$0x3FDB];
	_ =	sdelay $0x1  }
0x99: {  	s4 =	simm.s32 $_scs_section_size  }
0x9a: {  	s5 =	simm.s32 $_size__tile_overlayer_lowered;
	s6 =	simm.s32 $_tile_overlayer_lowered  }
0x9b: {  	s22 =	simm.s32 $0x1BFF;
	s21 =	sshll.u32 s6, $0x1;
	s3 =	sadd.s32 s4, s19  }
0x9c: {  	s7 =	simm.s32 $0x0;
	s20 =	sshll.u32 s5, $0x1;
	s5 =	sadd.s32 s21, s3  }
0x9d: {  	[timem:s7], [sflag:s22] =	dma.local [hbm:s5], s20  }
0x9e: {  	_ =	swait.ge [sflag:s22], s20  }
0x9f: {  	s4 =	ssub.s32 $0x0, s20;
	[sflag:s22] =	ssyncset.done $0x0  }
0xa0: {  	[sflag:s22] =	ssyncadd.s32 s4;
	_ =	sdelay $0x1  }
0xa1: {  	s23 =	simm.s32 $0x1B8B  }
0xa2: {  	_ =	swait.ge [sflag:s23], $0x1  }
0xa3: {  	[sflag:s23] =	ssyncset.done $0x0  }
0xa4: {  	s25 =	simm.s32 $0x1B8E;
	s24 =	sld [smem:$0x3FFE];
	[sflag:s23] =	ssyncadd.s32 $0xFFFFFFFF  }
0xa5: {  	s26 =	simm.s32 $execute0_lowered;
	[smem:$0x3FD2] =	sst s25  }
0xa6: {  	s5 =	sshll.u32 s26, $0x1;
	_ =	strace $0x80000046;
	[dreg:$0x1] =	wrdreg $0xFFFFFFFF  }
0xa7: {  	s28 =	simm.s32 $_size_execute0_lowered;
	s3 =	sadd.s32 s3, s5;
	[dreg:$0x0] =	wrdreg $0x0  }
0xa8: {  	s5 =	sshll.u32 s28, $0x1;
	[dreg:$0x2] =	wrdreg s3  }
0xa9: {  	[dreg:$0x3] =	wrdreg s5  }
0xaa: {  	[dreg:$0x4] =	wrdreg $0xC0  }
0xab: {  	_ =	task [dreg:s7], $0x5FFFF  }
0xac: {  	[dreg:$0x1] =	wrdreg $0xFFFFFFFF  }
0xad: {  	[dreg:$0x0] =	wrdreg $0x60  }
0xae: {  	[dreg:$0x2] =	wrdreg s24  }
0xaf: {  	[dreg:$0x3] =	wrdreg s2  }
0xb0: {  	[dreg:$0x4] =	wrdreg $0x9  }
0xb1: {  	_ =	task.clear_ibuf [dreg:s7], $0x5FFFF;
	_ =	strace $0x90000046  }
0xb2: {  	s29 =	simm.s32 $0x9;
	_ =	strace $0x80000048  }
0xb3: {  	_ =	swait.ge [sflag:s29], $0x1  }
0xb4: {  	[sflag:s29] =	ssyncadd.s32 $0xFFFFFFFF  }
0xb5: {  	_ =	strace $0x90000048  }
0xb6: {  	_ =	sfence  }
0xb7: {  	s30 =	sld [smem:$0x0];
	_ =	sdelay $0x2  }
0xb8: {  	s31 =	sshll.u32 s1, $0xD;
	s1 =	sshrl.u32 s1, $0x2  }
0xb9: {  	s3 =	sand.u32 $0x4000, s31;
	s1 =	sadd.s32 s1, s30  }
0xba: {  	s0 =	sor.u32 s3, s0;
	s1 =	sshll.u32 s1, $0x11  }
0xbb: {  	s0 =	sor.u32 s1, s0  }
0xbc: {  	s0 =	sadd.s32 $0x8F2B, s0  }
0xbd: {  	[sflag:s0] =	ssyncadd.remote.s32 $0x1  }
0xbe: {  	_ =	sfence.sel $0xFFFF  }
0xbf: {  	[dreg:$0x0] =	wrdreg $0xFFFFFFFF;
	(pc) =	sbr.abs _section_cstart, $3  }
0xc0: {  	[dreg:$0x1] =	wrdreg $0xFFFFFFFF  }
0xc1: {  	_ =	task.clear_ibuf [dreg:s7], $0x2FFFF;
	_ =	strace $0x9FFFFFFF  }
0xc2: {  	(tm) =	ssettm $0x7FFFFFFF  }
0xc3: {  	_ =	shalt  }
tec
execute0_lowered:
.L_overlay_start_1:
0x0: {  	(tag) =	ssettag $0x1  }
0x1: {  	s0 =	rddreg [dreg:$0x0]  }
0x2: {  	s1 =	srdreg.scid;
	s2 =	stileid.u32;
	s3 =	simm.s32 $0x0  }
0x3: {  	s18 =	simm.s32 $0x1;
	s20 =	simm.s32 $0x2;
	s22 =	simm.s32 $0x3  }
0x4: {  	s1 =	sand.u32 $0x1, s1;
	s2 =	sshll.u32 s2, $0x1;
	[smem:$0x7FF] =	sst s3  }
0x5: {  	s6 =	sadd.s32 $0xC00, s0;
	s7 =	sadd.s32 $0x186AC00, s0;
	s4 =	sor.u32 s1, s2  }
0x6: {  	_ =	strace $0x80000047;
	s1 =	ssub.s32 $0x2, s1;
	s2 =	ssub.s32 $0x30F3, s4  }
0x7: {  	s25 =	sshrl.u32 s1, $0x1;
	s28 =	sshll.u32 s4, $0xB;
	s9 =	sshll.u32 s4, $0xE  }
.Ltmp0:
0x8: {  	s5 =	sshrl.u32 s2, $0x5;
	s29 =	sadd.s32 s6, s28;
	(pc) =	sbr.rel .LBB2_1-.Ltmp0, $4  }
0x9: {  	s8 =	smul.u32 $0x5556, s5;
	s31 =	sadd.s32 $0x10000, s29;
	[dreg:$0x3] =	wrdreg s29  }
0xa: {  	s26 =	ssub.s32 s1, s25;
	s2 =	sadd.s32 $0x20000, s29;
	[dreg:$0x4] =	wrdreg s31  }
0xb: {  	s0 =	smax.u32 s26, $0x1;
	[dreg:$0x5] =	wrdreg s2;
	s30 =	sadd.s32 $0xAAAC, s8  }
0xc: {  	vm0 =	vmmov $0x7f;
	[dreg:$0x6] =	wrdreg s0;
	s2 =	simm.s32 $0x0;
	s12 =	sshrl.u32 s30, $0x10  }
.LBB2_15:
0xd: {  	s0 =	simm.s32 $0x4  }
0xe: {  	_ =	swait.ge [sflag:s0], $0x4000  }
0xf: {  	[sflag:s0] =	ssyncset.done $0x0  }
0x10: {  	s30 =	simm.s32 $0x5;
	[sflag:s0] =	ssyncadd.s32 $0xFFFFC000  }
0x11: {  	_ =	swait.ge [sflag:s30], $0x4000  }
0x12: {  	[sflag:s30] =	ssyncset.done $0x0  }
0x13: {  	s1 =	simm.s32 $0x6;
	[sflag:s30] =	ssyncadd.s32 $0xFFFFC000  }
0x14: {  	_ =	swait.ge [sflag:s1], $0x4000  }
0x15: {  	s2 =	rddreg [dreg:$0x7]  }
0x16: {  	s31 =	rddreg [dreg:$0x6];
	s2 =	sadd.s32 $0x1, s2  }
0x17: {  	p0 =	sne.s32 s2, s31  }
.Ltmp1:
0x18: {  	_ = 	snop;
	(pc) =	sbr.rel @!p0 .LBB2_16-.Ltmp1, $3  }
0x19: {  	_ =	sdelay $0x1  }
0x1a: {  	[sflag:s1] =	ssyncset.done $0x0  }
0x1b: {  	[sflag:s1] =	ssyncadd.s32 $0xFFFFC000  }
.LBB2_1:
0x1c: {  	[dreg:$0x7] =	wrdreg s2  }
0x1d: {  	s0 =	rddreg [dreg:$0x1];
	s1 =	simm.s32 $0x18000;
	s24 =	simm.s32 $0x7  }
0x1e: {  	[tilespmem:s1], [sflag:$0x7] =	stream.linear.gather [hbm4b:s0+s3], $0x1C00, $0x38;
	[tilespmem:$0x19C00] =	vst v63  }
0x1f: {  	_ =	swait.ge [sflag:s24], $0x1C00  }
0x20: {  	[sflag:s24] =	ssyncset.done $0x0  }
0x21: {  	s25 =	rddreg [dreg:$0x3];
	[sflag:s24] =	ssyncadd.s32 $0xFFFFE400  }
0x22: {  	[tilespmem:s3], [sflag:$0x1] =	stream.linear.gather [hbm4b:s25+s3], $0x4000, $0x38;
	[tilespmem:$0x19C00] =	vst v63  }
.Ltmp2:
0x23: {  	_ = 	snop;
	(pc) =	sbr.rel .LBB2_2-.Ltmp2, $4  }
0x24: {  	s28 =	simm.s32 $0x4000;
	s26 =	rddreg [dreg:$0x4]  }
0x25: {  	[tilespmem:s28], [sflag:$0x2] =	stream.linear.gather [hbm4b:s26+s3], $0x4000, $0x38;
	[tilespmem:$0x19C00] =	vst v63  }
0x26: {  	s31 =	simm.s32 $0x8000;
	s29 =	simm.s32 $0x0;
	s30 =	rddreg [dreg:$0x5]  }
0x27: {  	[tilespmem:s31], [sflag:$0x3] =	stream.linear.gather [hbm4b:s30+s3], $0x4000, $0x38;
	[tilespmem:$0x19C00] =	vst v63  }
.LBB2_14:
0x28: {  	s29 =	sadd.s32 $0x1, s29  }
0x29: {  	p0 =	sne.s32 s29, s12  }
.Ltmp3:
0x2a: {  	_ = 	snop;
	(pc) =	sbr.rel @!p0 .LBB2_15-.Ltmp3, $1  }
0x2b: {  	_ =	sdelay $0x3  }
.LBB2_2:
0x2c: {  	s30 =	smul.u32 $0x3, s29;
	_ =	sdelay $0x1  }
0x2d: {  	p0 =	sge.u32 s30, s5  }
.Ltmp4:
0x2e: {  	_ = 	snop;
	(pc) =	sbr.rel @p0 .LBB2_6-.Ltmp4, $1  }
0x2f: {  	_ =	sdelay $0x3  }
0x30: {  	_ =	swait.ge [sflag:s18], $0x4000  }
0x31: {  	p0 =	seq.s32 s29, $0x0;
	[sflag:s18] =	ssyncset.done $0x0  }
0x32: {  	s0 =	simm.s32 @!p0 $0x4;
	[sflag:s18] =	ssyncadd.s32 $0xFFFFC000  }
0x33: {  	_ =	swait.ge @!p0 [sflag:s0], $0x4000  }
0x34: {  	[sflag:s0] =	ssyncset.done @!p0 $0x0  }
0x35: {  	s17 =	simm.s32 $0x200;
	[sflag:s0] =	ssyncadd.s32 @!p0 $0xFFFFC000  }
0x36: {  	v0 =	vld [tilespmem:s17+$0x187]  }
0x37: {  	v1 =	vld [tilespmem:s17+$0x180];
	_ =	sdelay $0x4  }
0x38: {  	v1 =	vnsel vm0, $0xFF800000, v1;
	(xrf0) =	vmax.scan.msk.f32 $0xffff, v0  }
0x39: {  	(xrf0) =	vmax.scan.msk.f32 $0xffff, v1;
	_ =	sdelay $0x4  }
0x3a: {  	v3 =	vld [tilespmem:s17+$0xFFFFFE80];
	v2, _, _ =	vpop (xrf0)  }
0x3b: {  	v5 =	vld [tilespmem:s17+$0xFFFFFF00];
	v2 =	vbroadcast v2, $0xF;
	v4, _, _ =	vpop (xrf0)  }
0x3c: {  	v6 =	vld [tilespmem:s17+$0xFFFFFF80];
	v4 =	vbroadcast v4, $0xF  }
0x3d: {  	vm1 =	veq.f32 v0, v2;
	v0 =	vld [tilespmem:s17+$0x0]  }
0x3e: {  	v2 =	vld [tilespmem:s17+$0x80];
	vm2 =	veq.f32 v1, v4;
	v1 =	vmctz.xlane vm1  }
0x3f: {  	v7 =	vld [tilespmem:s17+$0x100];
	v3 =	vnsel vm0, $0xFF800000, v3;
	v4 =	vmctz.xlane vm2  }
0x40: {  	(xrf0) =	vmax.scan.msk.f32 $0xffff, v3;
	(v2sf) =	vpush v1, $0x0;
	v1 =	vnsel vm0, $0xFF800000, v5  }
0x41: {  	(v2sf) =	vpush v4, $0x0;
	v4 =	vnsel vm0, $0xFF800000, v6;
	(xrf0) =	vmax.scan.msk.f32 $0xffff, v1  }
0x42: {  	v5 =	vld [tilespmem:s17+$0xFFFFFE00];
	v0 =	vnsel vm0, $0xFF800000, v0;
	(xrf0) =	vmax.scan.msk.f32 $0xffff, v4  }
0x43: {  	v2 =	vnsel vm0, $0xFF800000, v2;
	(xrf0) =	vmax.scan.msk.f32 $0xffff, v0  }
0x44: {  	v7 =	vnsel vm0, $0xFF800000, v7;
	(xrf0) =	vmax.scan.msk.f32 $0xffff, v2  }
0x45: {  	v6 =	vld [tilespmem:s17+$0xFFFFFE07];
	(xrf0) =	vmax.scan.msk.f32 $0xffff, v7  }
0x46: {  	v8 =	vld [tilespmem:s17+$0xFFFFFE87];
	v10, _, _ =	vpop (xrf0)  }
0x47: {  	v9 =	vld [tilespmem:s17+$0xFFFFFF07];
	v10 =	vbroadcast v10, $0xF;
	v5 =	vnsel vm0, $0xFF800000, v5;
	v12, _, _ =	vpop (xrf0)  }
0x48: {  	(xrf0) =	vmax.scan.msk.f32 $0xffff, v5;
	v12 =	vbroadcast v12, $0xF;
	v14, _, _ =	vpop (xrf0)  }
0x49: {  	v11 =	vld [tilespmem:s17+$0xFFFFFF87];
	vm1 =	veq.f32 v3, v10;
	v3 =	vbroadcast v14, $0xF;
	v47, _, _ =	vpop (xrf0)  }
0x4a: {  	v13 =	vld [tilespmem:s17+$0x7];
	v15 =	vmctz.xlane vm1;
	(xrf0) =	vmax.scan.msk.f32 $0xffff, v6;
	vm1 =	veq.f32 v1, v12;
	v1 =	vbroadcast v47, $0xF;
	v49, _, _ =	vpop (xrf0)  }
0x4b: {  	(xrf0) =	vmax.scan.msk.f32 $0xffff, v8;
	v16 =	vmctz.xlane vm1;
	vm1 =	veq.f32 v4, v3;
	v4, _, _ =	vpop (xrf0)  }
0x4c: {  	v48 =	vld [tilespmem:s17+$0x87];
	(xrf0) =	vmax.scan.msk.f32 $0xffff, v9;
	v51 =	vmctz.xlane vm1;
	vm1 =	veq.f32 v0, v1;
	v0 =	vbroadcast v4, $0xF  }
0x4d: {  	v50 =	vld [tilespmem:s17+$0x107];
	v3 =	vbroadcast v49, $0xF  }
0x4e: {  	(xrf0) =	vmax.scan.msk.f32 $0xffff, v11;
	v1, _, _ =	vpop (xrf0)  }
0x4f: {  	v4 =	vmctz.xlane vm1;
	vm1 =	veq.f32 v2, v3;
	(xrf0) =	vmax.scan.msk.f32 $0xffff, v13;
	v1 =	vbroadcast v1, $0xF  }
0x50: {  	(v2sf) =	vpush v15, $0x0;
	v2 =	vmctz.xlane vm1;
	vm1 =	veq.f32 v7, v0;
	s19 =	spop (v2sf);
	v0, _, _ =	vpop (xrf0)  }
0x51: {  	v3 =	vmctz.xlane vm1;
	(xrf0) =	vmax.scan.msk.f32 $0xffff, v48;
	s1 =	spop (v2sf);
	v0 =	vbroadcast v0, $0xF;
	v7, _, _ =	vpop (xrf0);
	vm1 =	veq.f32 v5, v1  }
0x52: {  	(v2sf) =	vpush v16, $0x0;
	s0 =	sshll.u32 s19, $0x6;
	(xrf0) =	vmax.scan.msk.f32 $0xffff, v50;
	s1 =	sshll.u32 s1, $0xA;
	v1 =	vbroadcast v7, $0xF;
	v5, _, _ =	vpop (xrf0);
	v7 =	vmctz.xlane vm1  }
0x53: {  	(v2sf) =	vpush v51, $0x0;
	s1 =	sadd.s32 s1, s0;
	vm1 =	veq.f32 v6, v0;
	v0 =	vbroadcast v5, $0xF  }
0x54: {  	s0 =	sand.u32 $0x40, s0;
	v5, _, _ =	vpop (xrf0);
	s1 =	sand.u32 $0xFFFFFF80, s1;
	v6 =	vmctz.xlane vm1;
	vm1 =	veq.f32 v8, v1;
	(v2sf) =	vpush v7, $0x0  }
0x55: {  	v1 =	vbroadcast v5, $0xF;
	v5, _, _ =	vpop (xrf0);
	s0 =	sor.u32 s0, s1;
	v7 =	vmctz.xlane vm1;
	(v2sf) =	vpush v4, $0x0  }
0x56: {  	vm1 =	veq.f32 v9, v0;
	v0 =	vbroadcast v5, $0xF;
	(v2sf) =	vpush v2, $0x0;
	v2 =	vld [tilespmem:s0+$0x18000]  }
0x57: {  	v4, _, _ =	vpop (xrf0);
	v5 =	vmctz.xlane vm1;
	vm1 =	veq.f32 v11, v1;
	(v2sf) =	vpush v3, $0x0  }
0x58: {  	v1 =	vbroadcast v4, $0xF;
	v3, _, _ =	vpop (xrf0);
	v4 =	vmctz.xlane vm1;
	(v2sf) =	vpush v6, $0x0  }
0x59: {  	vm1 =	veq.f32 v13, v0;
	v0 =	vbroadcast v3, $0xF;
	(v2sf) =	vpush v7, $0x0  }
0x5a: {  	s31 =	simm.s32 $0xC200;
	v3 =	vmctz.xlane vm1;
	vm1 =	veq.f32 v48, v1;
	(v2sf) =	vpush v5, $0x0  }
0x5b: {  	s1 =	sadd.s32 $0x18000, s0;
	v1 =	vmctz.xlane vm1;
	vm1 =	veq.f32 v50, v0;
	(v2sf) =	vpush v4, $0x0;
	[tilespmem:s31+$0x180] =	vst v2  }
0x5c: {  	s21 =	simm.s32 $0x600;
	v2 =	vmctz.xlane vm1;
	(v2sf) =	vpush v3, $0x0;
	v0 =	vld [tilespmem:s1+$0x10]  }
0x5d: {  	(v2sf) =	vpush v1, $0x0;
	v1 =	vld [tilespmem:s21+$0x187]  }
0x5e: {  	(v2sf) =	vpush v2, $0x0;
	v2 =	vld [tilespmem:s21+$0x180];
	_ =	sdelay $0x4  }
0x5f: {  	s2 =	spop (v2sf);
	v3 =	vld [tilespmem:s21+$0xFFFFFE80];
	[tilespmem:s31+$0x190] =	vst v0;
	(xrf0) =	vmax.scan.msk.f32 $0xffff, v1;
	v2 =	vnsel vm0, $0xFF800000, v2  }
0x60: {  	s8 =	spop (v2sf);
	v0 =	vld [tilespmem:s1+$0x20];
	(xrf0) =	vmax.scan.msk.f32 $0xffff, v2  }
0x61: {  	v4 =	vld [tilespmem:s21+$0xFFFFFF00];
	s10 =	spop (v2sf)  }
0x62: {  	v7 =	vld [tilespmem:s21+$0xFFFFFF80];
	s11 =	spop (v2sf)  }
0x63: {  	v52 =	vld [tilespmem:s21+$0x0];
	s13 =	spop (v2sf)  }
0x64: {  	v53 =	vld [tilespmem:s21+$0x80];
	s2 =	sshll.u32 s2, $0xA;
	s14 =	spop (v2sf)  }
0x65: {  	v54 =	vld [tilespmem:s21+$0x100];
	s8 =	sshll.u32 s8, $0xA;
	s10 =	sshll.u32 s10, $0xA;
	v57 =	vnsel vm0, $0xFF800000, v3;
	s15 =	spop (v2sf);
	[tilespmem:s31+$0x1A0] =	vst v0;
	v0, _, _ =	vpop (xrf0)  }
0x66: {  	v56 =	vld [tilespmem:s21+$0xFFFFFE00];
	v58 =	vnsel vm0, $0xFF800000, v4;
	s11 =	sshll.u32 s11, $0xA;
	s13 =	sshll.u32 s13, $0xA;
	(xrf0) =	vmax.scan.msk.f32 $0xffff, v57;
	s16 =	spop (v2sf);
	v59 =	vbroadcast v0, $0xF;
	v0, _, _ =	vpop (xrf0)  }
0x67: {  	v7 =	vnsel vm0, $0xFF800000, v7;
	s14 =	sshll.u32 s14, $0xA;
	(xrf0) =	vmax.scan.msk.f32 $0xffff, v58;
	s16 =	sshll.u32 s16, $0x6;
	s17 =	spop (v2sf);
	v60 =	vbroadcast v0, $0xF  }
0x68: {  	v8 =	vnsel vm0, $0xFF800000, v52;
	v6 =	vld [tilespmem:s21+$0xFFFFFE07];
	s23 =	sshll.u32 s15, $0xA;
	(xrf0) =	vmax.scan.msk.f32 $0xffff, v7;
	s11 =	sadd.s32 s11, s16;
	s28 =	spop (v2sf);
	vm1 =	veq.f32 v1, v59  }
0x69: {  	v9 =	vnsel vm0, $0xFF800000, v53;
	v5 =	vld [tilespmem:s21+$0xFFFFFE87];
	(xrf0) =	vmax.scan.msk.f32 $0xffff, v8;
	s17 =	sshll.u32 s17, $0x6;
	s16 =	sand.u32 $0x40, s16;
	s15 =	sshll.u32 s28, $0x6;
	v15 =	vmctz.xlane vm1;
	vm2 =	veq.f32 v2, v60  }
0x6a: {  	v10 =	vnsel vm0, $0xFF800000, v54;
	v4 =	vld [tilespmem:s21+$0xFFFFFF87];
	(xrf0) =	vmax.scan.msk.f32 $0xffff, v9;
	s24 =	spop (v2sf);
	s2 =	sadd.s32 s2, s17;
	s11 =	sand.u32 $0xFFFFFF80, s11;
	v16 =	vmctz.xlane vm2  }
0x6b: {  	v12 =	vnsel vm0, $0xFF800000, v56;
	v3 =	vld [tilespmem:s21+$0xFFFFFF07];
	s17 =	sand.u32 $0x40, s17;
	(xrf0) =	vmax.scan.msk.f32 $0xffff, v10;
	s8 =	sadd.s32 s8, s15;
	s25 =	spop (v2sf);
	(v2sf) =	vpush v15, $0x0  }
0x6c: {  	v55 =	vld [tilespmem:s1+$0x30];
	s24 =	sshll.u32 s24, $0x6;
	s2 =	sand.u32 $0xFFFFFF80, s2;
	s11 =	sor.u32 s16, s11;
	v17, _, _ =	vpop (xrf0);
	(xrf0) =	vmax.scan.msk.f32 $0xffff, v12;
	(v2sf) =	vpush v16, $0x0  }
0x6d: {  	v0 =	vld [tilespmem:s21+$0x7];
	s15 =	sand.u32 $0x40, s15;
	s25 =	sshll.u32 s25, $0x6;
	s26 =	spop (v2sf);
	v18, _, _ =	vpop (xrf0)  }
0x6e: {  	v1 =	vld [tilespmem:s21+$0x87];
	s2 =	sor.u32 s17, s2;
	s13 =	sadd.s32 s13, s25;
	s26 =	sshll.u32 s26, $0x6;
	v20, _, _ =	vpop (xrf0)  }
0x6f: {  	v61 =	vld [tilespmem:s11+$0x18000];
	v17 =	vbroadcast v17, $0xF;
	s28 =	spop (v2sf);
	s19 =	sand.u32 $0x40, s25;
	s14 =	sadd.s32 s14, s26;
	v22, _, _ =	vpop (xrf0)  }
0x70: {  	v2 =	vld [tilespmem:s21+$0x107];
	s28 =	sshll.u32 s28, $0x6;
	s17 =	sand.u32 $0xFFFFFF80, s13;
	s21 =	sand.u32 $0x40, s26;
	v28, _, _ =	vpop (xrf0)  }
0x71: {  	v62 =	vld [tilespmem:s2+$0x18000];
	v63 =	vbroadcast v18, $0xF;
	vm1 =	veq.f32 v57, v17;
	v20 =	vbroadcast v20, $0xF;
	s0 =	sadd.s32 s23, s28;
	s14 =	sand.u32 $0xFFFFFF80, s14;
	s23 =	sor.u32 s19, s17;
	v24, _, _ =	vpop (xrf0)  }
0x72: {  	s10 =	sadd.s32 s10, s24;
	s8 =	sand.u32 $0xFFFFFF80, s8;
	(xrf0) =	vmax.scan.msk.f32 $0xffff, v6;
	v30 =	vmctz.xlane vm1;
	s14 =	sor.u32 s21, s14;
	v23 =	vld [tilespmem:s23+$0x18000];
	v32, _, _ =	vpop (xrf0)  }
0x73: {  	s16 =	sand.u32 $0x40, s24;
	s10 =	sand.u32 $0xFFFFFF80, s10;
	s1 =	sor.u32 s15, s8;
	(xrf0) =	vmax.scan.msk.f32 $0xffff, v5;
	vm1 =	veq.f32 v58, v63;
	vm2 =	veq.f32 v7, v20;
	v29 =	vld [tilespmem:s14+$0x18000];
	v7 =	vbroadcast v32, $0xF  }
0x74: {  	[tilespmem:s31+$0x1B0] =	vst v55;
	s10 =	sor.u32 s16, s10;
	v19 =	vld [tilespmem:s1+$0x18000];
	(xrf0) =	vmax.scan.msk.f32 $0xffff, v3;
	s24 =	sand.u32 $0x40, s28;
	s0 =	sand.u32 $0xFFFFFF80, s0;
	v36 =	vmctz.xlane vm1  }
0x75: {  	v21 =	vld [tilespmem:s10+$0x18000];
	s25 =	sor.u32 s24, s0;
	[tilespmem:s31+$0xFFFFFE00] =	vst v61;
	(v2sf) =	vpush v30, $0x0;
	vm1 =	veq.f32 v12, v7;
	v7 =	vmctz.xlane vm2  }
0x76: {  	s26 =	sadd.s32 $0x18000, s11;
	(xrf0) =	vmax.scan.msk.f32 $0xffff, v4;
	v31 =	vld [tilespmem:s25+$0x18000];
	[tilespmem:s31+$0xFFFFFE80] =	vst v62;
	(v2sf) =	vpush v36, $0x0;
	v38 =	vmctz.xlane vm1  }
0x77: {  	s11 =	sadd.s32 $0x18000, s23;
	(xrf0) =	vmax.scan.msk.f32 $0xffff, v0;
	v33 =	vld [tilespmem:s26+$0x10];
	[tilespmem:s31+$0x0] =	vst v23;
	(v2sf) =	vpush v7, $0x0  }
0x78: {  	v35 =	vbroadcast v22, $0xF;
	s16 =	sadd.s32 $0x18000, s14;
	v43, _, _ =	vpop (xrf0);
	(xrf0) =	vmax.scan.msk.f32 $0xffff, v1;
	v39 =	vld [tilespmem:s11+$0x10];
	[tilespmem:s31+$0x80] =	vst v29;
	(v2sf) =	vpush v38, $0x0  }
0x79: {  	s28 =	sadd.s32 $0x18000, s2;
	v13 =	vbroadcast v28, $0xF;
	v42 =	vbroadcast v24, $0xF;
	[tilespmem:s31+$0xFFFFFF00] =	vst v19;
	v46, _, _ =	vpop (xrf0);
	(xrf0) =	vmax.scan.msk.f32 $0xffff, v2;
	v7 =	vld [tilespmem:s16+$0x10]  }
0x7a: {  	s2 =	sadd.s32 $0x18000, s1;
	v34 =	vld [tilespmem:s28+$0x10];
	v45 =	vbroadcast v43, $0xF;
	[tilespmem:s31+$0xFFFFFF80] =	vst v21;
	vm2 =	veq.f32 v8, v35;
	v48 =	vbroadcast v46, $0xF;
	s19 =	spop (v2sf)  }
0x7b: {  	s10 =	sadd.s32 $0x18000, s10;
	v19 =	vld [tilespmem:s2+$0x10];
	v52, _, _ =	vpop (xrf0);
	v40 =	vmctz.xlane vm2;
	vm1 =	veq.f32 v9, v13;
	vm2 =	veq.f32 v10, v42;
	[tilespmem:s31+$0x100] =	vst v31;
	s21 =	spop (v2sf)  }
0x7c: {  	s17 =	sadd.s32 $0x18000, s25;
	v37 =	vld [tilespmem:s10+$0x10];
	v53, _, _ =	vpop (xrf0);
	v50 =	vmctz.xlane vm1;
	v51 =	vmctz.xlane vm2;
	vm1 =	veq.f32 v6, v45;
	[tilespmem:s31+$0xFFFFFE10] =	vst v33;
	s14 =	sshll.u32 s19, $0x6;
	s15 =	sshll.u32 s21, $0xA  }
0x7d: {  	v55 =	vbroadcast v53, $0xF;
	v54 =	vmctz.xlane vm1;
	v56, _, _ =	vpop (xrf0);
	v41 =	vld [tilespmem:s17+$0x10];
	(v2sf) =	vpush v40, $0x0;
	[tilespmem:s31+$0x10] =	vst v39;
	s15 =	sadd.s32 s15, s14  }
0x7e: {  	vm1 =	veq.f32 v5, v48;
	v58, _, _ =	vpop (xrf0);
	(v2sf) =	vpush v50, $0x0;
	v6 =	vld [tilespmem:s11+$0x20];
	[tilespmem:s31+$0x90] =	vst v7;
	v7 =	vbroadcast v52, $0xF;
	s14 =	sand.u32 $0x40, s14;
	s15 =	sand.u32 $0xFFFFFF80, s15  }
0x7f: {  	v14 =	vld [tilespmem:s26+$0x20];
	[tilespmem:s31+$0xFFFFFE90] =	vst v34;
	v10 =	vmctz.xlane vm1;
	v60 =	vbroadcast v58, $0xF;
	v61, _, _ =	vpop (xrf0);
	(v2sf) =	vpush v51, $0x0;
	s14 =	sor.u32 s14, s15  }
0x80: {  	[tilespmem:s31+$0xFFFFFF10] =	vst v19;
	v9 =	vbroadcast v61, $0xF;
	vm1 =	veq.f32 v3, v7;
	v3 =	vbroadcast v56, $0xF;
	v7 =	vld [tilespmem:s14+$0x18000]  }
0x81: {  	v44 =	vld [tilespmem:s28+$0x20];
	[tilespmem:s31+$0xFFFFFF90] =	vst v37;
	(v2sf) =	vpush v54, $0x0;
	v59 =	vmctz.xlane vm1;
	vm1 =	veq.f32 v4, v55  }
0x82: {  	v47 =	vld [tilespmem:s2+$0x20];
	[tilespmem:s31+$0x110] =	vst v41;
	(v2sf) =	vpush v10, $0x0;
	v62 =	vmctz.xlane vm1;
	vm1 =	veq.f32 v0, v3  }
0x83: {  	v49 =	vld [tilespmem:s10+$0x20];
	[tilespmem:s31+$0x20] =	vst v6;
	v6 =	vmctz.xlane vm1;
	vm1 =	veq.f32 v1, v60;
	(v2sf) =	vpush v59, $0x0  }
0x84: {  	s1 =	simm.s32 $0xC600;
	v5 =	vld [tilespmem:s16+$0x20];
	[tilespmem:s31+$0xFFFFFE20] =	vst v14;
	s24 =	spop (v2sf);
	v8 =	vmctz.xlane vm1;
	vm1 =	veq.f32 v2, v9;
	(v2sf) =	vpush v62, $0x0  }
0x85: {  	v57 =	vld [tilespmem:s17+$0x20];
	s25 =	spop (v2sf);
	(v2sf) =	vpush v6, $0x0;
	[tilespmem:s1+$0x180] =	vst v7;
	v7 =	vmctz.xlane vm1  }
0x86: {  	[tilespmem:s31+$0xFFFFFEA0] =	vst v44;
	v4 =	vld [tilespmem:s26+$0x30];
	s26 =	spop (v2sf);
	(v2sf) =	vpush v8, $0x0  }
0x87: {  	[tilespmem:s31+$0xFFFFFF20] =	vst v47;
	v63 =	vld [tilespmem:s28+$0x30];
	s28 =	spop (v2sf);
	(v2sf) =	vpush v7, $0x0  }
0x88: {  	[tilespmem:s31+$0xFFFFFFA0] =	vst v49;
	v3 =	vld [tilespmem:s2+$0x30]  }
0x89: {  	s23 =	smul.u32 $0x60, s29;
	v0 =	vld [tilespmem:s10+$0x30]  }
0x8a: {  	[tilespmem:s31+$0xA0] =	vst v5;
	v1 =	vld [tilespmem:s11+$0x30];
	s8 =	sadd.s32 $0x18000, s14  }
0x8b: {  	s0 =	sor.u32 s4, s23;
	s2 =	simm.s32 $0x8;
	[tilespmem:s31+$0x120] =	vst v57;
	v5 =	vld [tilespmem:s8+$0x10]  }
0x8c: {  	s24 =	sshll.u32 s24, $0xA;
	s25 =	sshll.u32 s25, $0xA;
	v2 =	vld [tilespmem:s16+$0x30];
	[tilespmem:s31+$0xFFFFFE30] =	vst v4;
	s14 =	simm.s32 $0xA00  }
0x8d: {  	[tilespmem:s31+$0xFFFFFEB0] =	vst v63;
	v4 =	vld [tilespmem:s17+$0x30];
	s15 =	sshll.u32 s26, $0xA;
	s10 =	sshll.u32 s28, $0xA;
	s13 =	spop (v2sf)  }
.LBB2_4:
0x8e: {  	v6 =	vld [tilespmem:s14+$0x187];
	s11 =	sshll.u32 s13, $0xA;
	s13 =	spop (v2sf);
	[tilespmem:s31+$0xFFFFFF30] =	vst v3  }
0x8f: {  	s2 =	sadd.s32 $0x8, s2;
	v3 =	vld [tilespmem:s14+$0x180];
	s13 =	sshll.u32 s13, $0xA;
	s16 =	spop (v2sf);
	[tilespmem:s31+$0xFFFFFFB0] =	vst v0  }
0x90: {  	p0 =	slt.u32 s2, $0x78;
	v0 =	vld [tilespmem:s14+$0xFFFFFE80];
	s16 =	sshll.u32 s16, $0xA;
	[tilespmem:s1+$0x190] =	vst v5;
	s17 =	spop (v2sf)  }
0x91: {  	s17 =	sshll.u32 s17, $0x6;
	v5 =	vld [tilespmem:s8+$0x20];
	s26 =	spop (v2sf);
	[tilespmem:s31+$0x30] =	vst v1  }
0x92: {  	v1 =	vld [tilespmem:s14+$0xFFFFFF00];
	s10 =	sadd.s32 s10, s17;
	s26 =	sshll.u32 s26, $0x6;
	s28 =	spop (v2sf);
	[tilespmem:s31+$0xB0] =	vst v2  }
0x93: {  	v2 =	vld [tilespmem:s14+$0xFFFFFF80];
	s24 =	sadd.s32 s24, s26;
	s28 =	sshll.u32 s28, $0x6;
	s19 =	spop (v2sf);
	[tilespmem:s31+$0x130] =	vst v4  }
0x94: {  	v4 =	vld [tilespmem:s14+$0x0];
	v3 =	vnsel vm0, $0xFF800000, v3;
	(xrf0) =	vmax.scan.msk.f32 $0xffff, v6;
	s25 =	sadd.s32 s25, s28;
	s19 =	sshll.u32 s19, $0x6;
	s31 =	spop (v2sf)  }
0x95: {  	v0 =	vnsel vm0, $0xFF800000, v0;
	v7 =	vld [tilespmem:s14+$0x80];
	(xrf0) =	vmax.scan.msk.f32 $0xffff, v3;
	s15 =	sadd.s32 s15, s19;
	s31 =	sshll.u32 s31, $0x6;
	s21 =	spop (v2sf)  }
0x96: {  	v8 =	vld [tilespmem:s14+$0x100];
	(xrf0) =	vmax.scan.msk.f32 $0xffff, v0;
	s11 =	sadd.s32 s11, s31;
	s21 =	sshll.u32 s21, $0x6;
	[tilespmem:s1+$0x1A0] =	vst v5;
	s23 =	spop (v2sf)  }
0x97: {  	s10 =	sand.u32 $0xFFFFFF80, s10;
	v1 =	vnsel vm0, $0xFF800000, v1;
	s13 =	sadd.s32 s13, s21;
	s23 =	sshll.u32 s23, $0x6;
	v5 =	vld [tilespmem:s8+$0x30]  }
0x98: {  	s8 =	sand.u32 $0xFFFFFF80, s24;
	s24 =	sand.u32 $0xFFFFFF80, s25;
	v9 =	vld [tilespmem:s14+$0xFFFFFE00];
	v2 =	vnsel vm0, $0xFF800000, v2;
	(xrf0) =	vmax.scan.msk.f32 $0xffff, v1;
	s16 =	sadd.s32 s16, s23  }
0x99: {  	s15 =	sand.u32 $0xFFFFFF80, s15;
	s11 =	sand.u32 $0xFFFFFF80, s11;
	s13 =	sand.u32 $0xFFFFFF80, s13;
	v10 =	vld [tilespmem:s14+$0xFFFFFE07];
	v4 =	vnsel vm0, $0xFF800000, v4;
	(xrf0) =	vmax.scan.msk.f32 $0xffff, v2  }
0x9a: {  	s17 =	sand.u32 $0x40, s17;
	s25 =	sand.u32 $0x40, s26;
	s16 =	sand.u32 $0xFFFFFF80, s16;
	v11 =	vld [tilespmem:s14+$0xFFFFFE87];
	v7 =	vnsel vm0, $0xFF800000, v7;
	(xrf0) =	vmax.scan.msk.f32 $0xffff, v4;
	v12, _, _ =	vpop (xrf0)  }
0x9b: {  	s19 =	sand.u32 $0x40, s19;
	s26 =	sand.u32 $0x40, s28;
	s28 =	sand.u32 $0x40, s31;
	v13 =	vld [tilespmem:s14+$0xFFFFFF07];
	v8 =	vnsel vm0, $0xFF800000, v8;
	v17 =	vbroadcast v12, $0xF;
	(xrf0) =	vmax.scan.msk.f32 $0xffff, v7;
	v14, _, _ =	vpop (xrf0)  }
0x9c: {  	s17 =	sor.u32 s17, s10;
	s10 =	sand.u32 $0x40, s21;
	s21 =	sand.u32 $0x40, s23;
	v15 =	vld [tilespmem:s14+$0xFFFFFF87];
	v18 =	vbroadcast v14, $0xF;
	v16, _, _ =	vpop (xrf0);
	(xrf0) =	vmax.scan.msk.f32 $0xffff, v8;
	[tilespmem:s1+$0x1B0] =	vst v5  }
0x9d: {  	s19 =	sor.u32 s19, s15;
	s23 =	sor.u32 s25, s8;
	s25 =	sor.u32 s26, s24;
	v5 =	vnsel vm0, $0xFF800000, v9;
	v9 =	vbroadcast v16, $0xF;
	v16 =	vld [tilespmem:s14+$0x7];
	vm1 =	veq.f32 v6, v17  }
0x9e: {  	s26 =	sor.u32 s28, s11;
	s28 =	sor.u32 s10, s13;
	s24 =	sor.u32 s21, s16;
	v6 =	vld [tilespmem:s14+$0x87];
	vm2 =	veq.f32 v3, v18;
	v3 =	vmctz.xlane vm1;
	(xrf0) =	vmax.scan.msk.f32 $0xffff, v5;
	v12, _, _ =	vpop (xrf0)  }
0x9f: {  	s15 =	sadd.s32 $0x18000, s17;
	s13 =	sadd.s32 $0x18000, s23;
	s10 =	sadd.s32 $0x18000, s25;
	vm1 =	veq.f32 v0, v9;
	v0 =	vbroadcast v12, $0xF;
	v9 =	vld [tilespmem:s14+$0x107];
	v12 =	vmctz.xlane vm2;
	(xrf0) =	vmax.scan.msk.f32 $0xffff, v10;
	v14, _, _ =	vpop (xrf0)  }
0xa0: {  	s8 =	sadd.s32 $0x18000, s19;
	s11 =	sadd.s32 $0x18000, s26;
	s16 =	sadd.s32 $0x18000, s28;
	v17 =	vmctz.xlane vm1;
	v14 =	vbroadcast v14, $0xF;
	(xrf0) =	vmax.scan.msk.f32 $0xffff, v11;
	v18, _, _ =	vpop (xrf0);
	(v2sf) =	vpush v3, $0x0;
	v3 =	vld [tilespmem:s17+$0x18000]  }
0xa1: {  	s31 =	smov.u32 s1;
	s17 =	sadd.s32 $0x18000, s24;
	vm1 =	veq.f32 v1, v0;
	v0 =	vbroadcast v18, $0xF;
	(xrf0) =	vmax.scan.msk.f32 $0xffff, v13;
	v1, _, _ =	vpop (xrf0);
	(v2sf) =	vpush v12, $0x0;
	v12 =	vld [tilespmem:s23+$0x18000]  }
0xa2: {  	v18 =	vmctz.xlane vm1;
	vm1 =	veq.f32 v2, v14;
	v20 =	vbroadcast v1, $0xF;
	(xrf0) =	vmax.scan.msk.f32 $0xffff, v15;
	v2, _, _ =	vpop (xrf0);
	v14 =	vld [tilespmem:s25+$0x18000]  }
0xa3: {  	v19 =	vmctz.xlane vm1;
	vm1 =	veq.f32 v4, v0;
	v22 =	vbroadcast v2, $0xF;
	(xrf0) =	vmax.scan.msk.f32 $0xffff, v16;
	v2 =	vld [tilespmem:s19+$0x18000]  }
0xa4: {  	v4 =	vmctz.xlane vm1;
	vm1 =	veq.f32 v7, v20;
	v1, _, _ =	vpop (xrf0);
	(v2sf) =	vpush v17, $0x0;
	(xrf0) =	vmax.scan.msk.f32 $0xffff, v6;
	v7 =	vld [tilespmem:s26+$0x18000]  }
0xa5: {  	v1 =	vbroadcast v1, $0xF;
	v17 =	vmctz.xlane vm1;
	vm1 =	veq.f32 v8, v22;
	v0, _, _ =	vpop (xrf0);
	(xrf0) =	vmax.scan.msk.f32 $0xffff, v9;
	v8 =	vld [tilespmem:s28+$0x18000]  }
0xa6: {  	v0 =	vbroadcast v0, $0xF;
	v20 =	vmctz.xlane vm1;
	v21, _, _ =	vpop (xrf0);
	(v2sf) =	vpush v18, $0x0;
	[tilespmem:s1+$0xFFFFFE00] =	vst v3;
	v3 =	vld [tilespmem:s24+$0x18000]  }
0xa7: {  	vm1 =	veq.f32 v5, v1;
	v1 =	vbroadcast v21, $0xF;
	v5, _, _ =	vpop (xrf0);
	(v2sf) =	vpush v19, $0x0;
	v18 =	vld [tilespmem:s15+$0x10];
	[tilespmem:s1+$0xFFFFFE80] =	vst v12  }
0xa8: {  	v12 =	vmctz.xlane vm1;
	vm1 =	veq.f32 v10, v0;
	v0 =	vbroadcast v5, $0xF;
	v5, _, _ =	vpop (xrf0);
	v10 =	vld [tilespmem:s13+$0x10];
	[tilespmem:s1+$0xFFFFFF00] =	vst v14  }
0xa9: {  	v14 =	vmctz.xlane vm1;
	vm1 =	veq.f32 v11, v1;
	v1 =	vbroadcast v5, $0xF;
	v5, _, _ =	vpop (xrf0);
	v11 =	vld [tilespmem:s10+$0x10];
	[tilespmem:s1+$0xFFFFFF80] =	vst v2  }
0xaa: {  	v2 =	vmctz.xlane vm1;
	vm1 =	veq.f32 v13, v0;
	v0 =	vbroadcast v5, $0xF;
	v5, _, _ =	vpop (xrf0);
	v13 =	vld [tilespmem:s8+$0x10];
	[tilespmem:s1+$0x0] =	vst v7  }
0xab: {  	v7 =	vmctz.xlane vm1;
	vm1 =	veq.f32 v15, v1;
	v1 =	vbroadcast v5, $0xF;
	v5, _, _ =	vpop (xrf0);
	v15 =	vld [tilespmem:s11+$0x10];
	[tilespmem:s1+$0x80] =	vst v8  }
0xac: {  	v8 =	vmctz.xlane vm1;
	vm1 =	veq.f32 v16, v0;
	v0 =	vbroadcast v5, $0xF;
	v5 =	vld [tilespmem:s16+$0x10];
	[tilespmem:s1+$0x100] =	vst v3  }
0xad: {  	v3 =	vmctz.xlane vm1;
	vm1 =	veq.f32 v6, v1;
	(v2sf) =	vpush v12, $0x0;
	[tilespmem:s1+$0xFFFFFE10] =	vst v18;
	v1 =	vld [tilespmem:s17+$0x10]  }
0xae: {  	v6 =	vmctz.xlane vm1;
	vm1 =	veq.f32 v9, v0;
	(v2sf) =	vpush v4, $0x0;
	v0 =	vld [tilespmem:s15+$0x20];
	[tilespmem:s1+$0xFFFFFE90] =	vst v10  }
0xaf: {  	v4 =	vmctz.xlane vm1;
	(v2sf) =	vpush v17, $0x0;
	s19 =	spop (v2sf);
	v9 =	vld [tilespmem:s13+$0x20];
	[tilespmem:s1+$0xFFFFFF10] =	vst v11  }
0xb0: {  	(v2sf) =	vpush v20, $0x0;
	s21 =	spop (v2sf);
	v10 =	vld [tilespmem:s10+$0x20];
	[tilespmem:s1+$0xFFFFFF90] =	vst v13  }
0xb1: {  	s19 =	sshll.u32 s19, $0x6;
	s21 =	sshll.u32 s21, $0xA;
	(v2sf) =	vpush v14, $0x0;
	v11 =	vld [tilespmem:s8+$0x20];
	[tilespmem:s1+$0x10] =	vst v15  }
0xb2: {  	s21 =	sadd.s32 s21, s19;
	(v2sf) =	vpush v2, $0x0;
	v2 =	vld [tilespmem:s11+$0x20];
	[tilespmem:s1+$0x90] =	vst v5  }
0xb3: {  	s19 =	sand.u32 $0x40, s19;
	s21 =	sand.u32 $0xFFFFFF80, s21;
	s23 =	spop (v2sf);
	(v2sf) =	vpush v7, $0x0;
	v5 =	vld [tilespmem:s16+$0x20];
	[tilespmem:s1+$0x110] =	vst v1  }
0xb4: {  	s24 =	sshll.u32 s23, $0xA;
	s19 =	sor.u32 s19, s21;
	(v2sf) =	vpush v8, $0x0;
	[tilespmem:s1+$0xFFFFFE20] =	vst v0;
	v7 =	vld [tilespmem:s17+$0x20]  }
0xb5: {  	v1 =	vld [tilespmem:s19+$0x18000];
	s21 =	spop (v2sf);
	(v2sf) =	vpush v3, $0x0;
	[tilespmem:s1+$0xFFFFFEA0] =	vst v9  }
0xb6: {  	s25 =	sshll.u32 s21, $0xA;
	s21 =	spop (v2sf);
	(v2sf) =	vpush v6, $0x0;
	v6 =	vld [tilespmem:s15+$0x30];
	[tilespmem:s1+$0xFFFFFF20] =	vst v10  }
0xb7: {  	s15 =	sshll.u32 s21, $0xA;
	(v2sf) =	vpush v4, $0x0;
	v4 =	vld [tilespmem:s13+$0x30];
	[tilespmem:s1+$0xFFFFFFA0] =	vst v11  }
0xb8: {  	v3 =	vld [tilespmem:s10+$0x30];
	[tilespmem:s1+$0x20] =	vst v2  }
.Ltmp5:
0xb9: {  	s1 =	sadd.s32 $0x400, s1;
	v0 =	vld [tilespmem:s8+$0x30];
	[tilespmem:s31+$0xA0] =	vst v5;
	(pc) =	sbr.rel @p0 .LBB2_4-.Ltmp5, $4  }
0xba: {  	s8 =	sadd.s32 $0x18000, s19;
	[tilespmem:s1+$0x180] =	vst v1;
	v1 =	vld [tilespmem:s11+$0x30]  }
0xbb: {  	v5 =	vld [tilespmem:s8+$0x10];
	[tilespmem:s31+$0x120] =	vst v7  }
0xbc: {  	s10 =	spop (v2sf);
	[tilespmem:s31+$0xFFFFFE30] =	vst v6;
	v2 =	vld [tilespmem:s16+$0x30]  }
0xbd: {  	s14 =	sadd.s32 $0x400, s14;
	s10 =	sshll.u32 s10, $0xA;
	s13 =	spop (v2sf);
	[tilespmem:s31+$0xFFFFFEB0] =	vst v4;
	v4 =	vld [tilespmem:s17+$0x30]  }
0xbe: {  	s2 =	spop (v2sf)  }
0xbf: {  	s11 =	spop (v2sf)  }
0xc0: {  	s13 =	sshll.u32 s13, $0xA;
	s14 =	spop (v2sf)  }
0xc1: {  	s2 =	sshll.u32 s2, $0xA;
	s14 =	sshll.u32 s14, $0x6;
	s16 =	spop (v2sf)  }
0xc2: {  	s11 =	sshll.u32 s11, $0xA;
	s10 =	sadd.s32 s10, s14;
	s17 =	spop (v2sf)  }
0xc3: {  	s16 =	sshll.u32 s16, $0x6;
	s14 =	sand.u32 $0x40, s14;
	s17 =	sshll.u32 s17, $0x6  }
0xc4: {  	[tilespmem:s1+$0x190] =	vst v5;
	s19 =	spop (v2sf);
	s21 =	sadd.s32 s24, s16;
	s10 =	sand.u32 $0xFFFFFF80, s10  }
0xc5: {  	v5 =	vld [tilespmem:s8+$0x20];
	s16 =	sand.u32 $0x40, s16;
	s23 =	sadd.s32 s25, s17;
	s25 =	spop (v2sf)  }
0xc6: {  	s19 =	sshll.u32 s19, $0x6;
	s21 =	sand.u32 $0xFFFFFF80, s21;
	s10 =	sor.u32 s14, s10  }
0xc7: {  	s17 =	sand.u32 $0x40, s17;
	s24 =	sshll.u32 s25, $0x6;
	s26 =	spop (v2sf)  }
0xc8: {  	[tilespmem:s31+$0xFFFFFF30] =	vst v3;
	s15 =	sadd.s32 s15, s19;
	s28 =	sand.u32 $0xFFFFFF80, s23;
	s16 =	sor.u32 s16, s21  }
0xc9: {  	[tilespmem:s31+$0xFFFFFFB0] =	vst v0;
	v36 =	vld [tilespmem:s10+$0x18000];
	s23 =	sand.u32 $0x40, s19;
	s13 =	sadd.s32 s13, s24;
	s25 =	sshll.u32 s26, $0x6  }
0xca: {  	s26 =	spop (v2sf);
	[tilespmem:s1+$0x1A0] =	vst v5;
	s15 =	sand.u32 $0xFFFFFF80, s15;
	v37 =	vld [tilespmem:s16+$0x18000];
	s24 =	sand.u32 $0x40, s24  }
0xcb: {  	[tilespmem:s31+$0x30] =	vst v1;
	s2 =	sadd.s32 s2, s25;
	s26 =	sshll.u32 s26, $0x6;
	v5 =	vld [tilespmem:s8+$0x30];
	s8 =	sor.u32 s17, s28  }
0xcc: {  	[tilespmem:s31+$0xB0] =	vst v2;
	s13 =	sand.u32 $0xFFFFFF80, s13;
	s15 =	sor.u32 s23, s15;
	s25 =	sand.u32 $0x40, s25;
	v38 =	vld [tilespmem:s8+$0x18000]  }
0xcd: {  	[tilespmem:s31+$0x130] =	vst v4;
	s11 =	sadd.s32 s11, s26;
	s2 =	sand.u32 $0xFFFFFF80, s2;
	s13 =	sor.u32 s24, s13;
	v39 =	vld [tilespmem:s15+$0x18000]  }
0xce: {  	s26 =	sand.u32 $0x40, s26;
	s11 =	sand.u32 $0xFFFFFF80, s11;
	s2 =	sor.u32 s25, s2;
	v40 =	vld [tilespmem:s13+$0x18000];
	[tilespmem:s1+$0xFFFFFE00] =	vst v36  }
0xcf: {  	s11 =	sor.u32 s26, s11;
	v41 =	vld [tilespmem:s2+$0x18000];
	[tilespmem:s1+$0xFFFFFE80] =	vst v37  }
0xd0: {  	s10 =	sadd.s32 $0x18000, s10;
	v42 =	vld [tilespmem:s11+$0x18000];
	[tilespmem:s1+$0x1B0] =	vst v5  }
0xd1: {  	s28 =	sadd.s32 $0x18000, s16;
	v43 =	vld [tilespmem:s10+$0x10];
	[tilespmem:s1+$0xFFFFFF00] =	vst v38  }
0xd2: {  	s8 =	sadd.s32 $0x18000, s8;
	v44 =	vld [tilespmem:s28+$0x10];
	[tilespmem:s1+$0xFFFFFF80] =	vst v39  }
0xd3: {  	s15 =	sadd.s32 $0x18000, s15;
	v45 =	vld [tilespmem:s8+$0x10];
	[tilespmem:s1+$0x0] =	vst v40  }
0xd4: {  	s13 =	sadd.s32 $0x18000, s13;
	v46 =	vld [tilespmem:s15+$0x10];
	[tilespmem:s1+$0x80] =	vst v41  }
0xd5: {  	s2 =	sadd.s32 $0x18000, s2;
	v47 =	vld [tilespmem:s13+$0x10];
	[tilespmem:s1+$0x100] =	vst v42  }
0xd6: {  	s11 =	sadd.s32 $0x18000, s11;
	v48 =	vld [tilespmem:s2+$0x10];
	[tilespmem:s1+$0xFFFFFE10] =	vst v43  }
0xd7: {  	v49 =	vld [tilespmem:s11+$0x10];
	[tilespmem:s1+$0xFFFFFE90] =	vst v44  }
0xd8: {  	v50 =	vld [tilespmem:s10+$0x20];
	[tilespmem:s1+$0xFFFFFF10] =	vst v45  }
0xd9: {  	v51 =	vld [tilespmem:s28+$0x20];
	[tilespmem:s1+$0xFFFFFF90] =	vst v46  }
0xda: {  	v52 =	vld [tilespmem:s8+$0x20];
	[tilespmem:s1+$0x10] =	vst v47  }
0xdb: {  	v53 =	vld [tilespmem:s15+$0x20];
	[tilespmem:s1+$0x90] =	vst v48  }
0xdc: {  	v54 =	vld [tilespmem:s13+$0x20];
	[tilespmem:s1+$0x110] =	vst v49  }
0xdd: {  	v55 =	vld [tilespmem:s2+$0x20];
	[tilespmem:s1+$0xFFFFFE20] =	vst v50  }
0xde: {  	v56 =	vld [tilespmem:s11+$0x20];
	[tilespmem:s1+$0xFFFFFEA0] =	vst v51  }
0xdf: {  	v57 =	vld [tilespmem:s10+$0x30];
	[tilespmem:s1+$0xFFFFFF20] =	vst v52  }
0xe0: {  	v58 =	vld [tilespmem:s28+$0x30];
	[tilespmem:s1+$0xFFFFFFA0] =	vst v53  }
0xe1: {  	v59 =	vld [tilespmem:s8+$0x30];
	[tilespmem:s1+$0x20] =	vst v54  }
0xe2: {  	v60 =	vld [tilespmem:s15+$0x30];
	[tilespmem:s1+$0xA0] =	vst v55  }
0xe3: {  	v61 =	vld [tilespmem:s13+$0x30];
	[tilespmem:s1+$0x120] =	vst v56  }
0xe4: {  	[tilespmem:s1+$0xFFFFFE30] =	vst v57;
	v62 =	vld [tilespmem:s2+$0x30]  }
0xe5: {  	[tilespmem:s1+$0xFFFFFEB0] =	vst v58;
	v63 =	vld [tilespmem:s11+$0x30]  }
0xe6: {  	[tilespmem:s1+$0xFFFFFF30] =	vst v59  }
0xe7: {  	[tilespmem:s1+$0xFFFFFFB0] =	vst v60  }
0xe8: {  	s0 =	sshll.u32 s0, $0xB;
	[tilespmem:s1+$0x30] =	vst v61  }
0xe9: {  	s0 =	sand.u32 $0x1FFFF800, s0;
	[tilespmem:s1+$0xB0] =	vst v62  }
0xea: {  	s0 =	sadd.s32 s7, s0;
	s31 =	simm.s32 $0xC000;
	[tilespmem:s1+$0x130] =	vst v63  }
0xeb: {  	[hbm4b:s0+s3] =	stream.linear.scatter [tilespmem:s31], [sflag:$0x4], $0x4000, $0x38;
	[tilespmem:$0x19C00] =	vst v63  }
0xec: {  	s0 =	sadd.s32 $0x3, s30  }
0xed: {  	p0 =	sge.u32 s0, s5  }
0xee: {  	s0 =	sshll.u32 @!p0 s0, $0x13  }
0xef: {  	s0 =	sor.u32 @!p0 s9, s0  }
0xf0: {  	s0 =	sshrl.u32 @!p0 s0, $0x3  }
0xf1: {  	s1 =	simm.s32 @!p0 $0x0;
	s0 =	sadd.s32 @!p0 s6, s0  }
0xf2: {  	[tilespmem:s1], [sflag:$0x1] =	stream.linear.gather @!p0 [hbm4b:s0+s1], $0x4000, $0x38;
	[tilespmem:$0x19C00] =	vst v63  }
.LBB2_6:
0xf3: {  	s0 =	sadd.s32 $0x1, s30  }
0xf4: {  	p0 =	sge.u32 s0, s5  }
.Ltmp6:
0xf5: {  	_ = 	snop;
	(pc) =	sbr.rel @p0 .LBB2_10-.Ltmp6, $1  }
0xf6: {  	_ =	sdelay $0x3  }
0xf7: {  	_ =	swait.ge [sflag:s20], $0x4000  }
0xf8: {  	p0 =	seq.s32 s29, $0x0;
	[sflag:s20] =	ssyncset.done $0x0  }
0xf9: {  	s1 =	simm.s32 @!p0 $0x5;
	[sflag:s20] =	ssyncadd.s32 $0xFFFFC000  }
0xfa: {  	_ =	swait.ge @!p0 [sflag:s1], $0x4000  }
0xfb: {  	[sflag:s1] =	ssyncset.done @!p0 $0x0  }
0xfc: {  	s24 =	simm.s32 $0x4200;
	[sflag:s1] =	ssyncadd.s32 @!p0 $0xFFFFC000  }
0xfd: {  	v0 =	vld [tilespmem:s24+$0x187]  }
0xfe: {  	v1 =	vld [tilespmem:s24+$0x180];
	_ =	sdelay $0x4  }
0xff: {  	v1 =	vnsel vm0, $0xFF800000, v1;
	(xrf0) =	vmax.scan.msk.f32 $0xffff, v0  }
0x100: {  	(xrf0) =	vmax.scan.msk.f32 $0xffff, v1;
	_ =	sdelay $0x4  }
0x101: {  	v3 =	vld [tilespmem:s24+$0xFFFFFE80];
	v2, _, _ =	vpop (xrf0)  }
0x102: {  	v5 =	vld [tilespmem:s24+$0xFFFFFF00];
	v2 =	vbroadcast v2, $0xF;
	v4, _, _ =	vpop (xrf0)  }
0x103: {  	v6 =	vld [tilespmem:s24+$0xFFFFFF80];
	v4 =	vbroadcast v4, $0xF  }
0x104: {  	vm1 =	veq.f32 v0, v2;
	v0 =	vld [tilespmem:s24+$0x0]  }
0x105: {  	v2 =	vld [tilespmem:s24+$0x80];
	vm2 =	veq.f32 v1, v4;
	v1 =	vmctz.xlane vm1  }
0x106: {  	v7 =	vld [tilespmem:s24+$0x100];
	v3 =	vnsel vm0, $0xFF800000, v3;
	v4 =	vmctz.xlane vm2  }
0x107: {  	(xrf0) =	vmax.scan.msk.f32 $0xffff, v3;
	(v2sf) =	vpush v1, $0x0;
	v1 =	vnsel vm0, $0xFF800000, v5  }
0x108: {  	(v2sf) =	vpush v4, $0x0;
	v4 =	vnsel vm0, $0xFF800000, v6;
	(xrf0) =	vmax.scan.msk.f32 $0xffff, v1  }
0x109: {  	v5 =	vld [tilespmem:s24+$0xFFFFFE00];
	v0 =	vnsel vm0, $0xFF800000, v0;
	(xrf0) =	vmax.scan.msk.f32 $0xffff, v4  }
0x10a: {  	v2 =	vnsel vm0, $0xFF800000, v2;
	(xrf0) =	vmax.scan.msk.f32 $0xffff, v0  }
0x10b: {  	v7 =	vnsel vm0, $0xFF800000, v7;
	(xrf0) =	vmax.scan.msk.f32 $0xffff, v2  }
0x10c: {  	v6 =	vld [tilespmem:s24+$0xFFFFFE07];
	(xrf0) =	vmax.scan.msk.f32 $0xffff, v7  }
0x10d: {  	v8 =	vld [tilespmem:s24+$0xFFFFFE87];
	v10, _, _ =	vpop (xrf0)  }
0x10e: {  	v9 =	vld [tilespmem:s24+$0xFFFFFF07];
	v10 =	vbroadcast v10, $0xF;
	v5 =	vnsel vm0, $0xFF800000, v5;
	v12, _, _ =	vpop (xrf0)  }
0x10f: {  	(xrf0) =	vmax.scan.msk.f32 $0xffff, v5;
	v12 =	vbroadcast v12, $0xF;
	v14, _, _ =	vpop (xrf0)  }
0x110: {  	v11 =	vld [tilespmem:s24+$0xFFFFFF87];
	vm1 =	veq.f32 v3, v10;
	v3 =	vbroadcast v14, $0xF;
	v47, _, _ =	vpop (xrf0)  }
0x111: {  	v13 =	vld [tilespmem:s24+$0x7];
	v15 =	vmctz.xlane vm1;
	(xrf0) =	vmax.scan.msk.f32 $0xffff, v6;
	vm1 =	veq.f32 v1, v12;
	v1 =	vbroadcast v47, $0xF;
	v49, _, _ =	vpop (xrf0)  }
0x112: {  	(xrf0) =	vmax.scan.msk.f32 $0xffff, v8;
	v16 =	vmctz.xlane vm1;
	vm1 =	veq.f32 v4, v3;
	v4, _, _ =	vpop (xrf0)  }
0x113: {  	v48 =	vld [tilespmem:s24+$0x87];
	(xrf0) =	vmax.scan.msk.f32 $0xffff, v9;
	v51 =	vmctz.xlane vm1;
	vm1 =	veq.f32 v0, v1;
	v0 =	vbroadcast v4, $0xF  }
0x114: {  	v50 =	vld [tilespmem:s24+$0x107];
	v3 =	vbroadcast v49, $0xF  }
0x115: {  	(xrf0) =	vmax.scan.msk.f32 $0xffff, v11;
	v1, _, _ =	vpop (xrf0)  }
0x116: {  	v4 =	vmctz.xlane vm1;
	vm1 =	veq.f32 v2, v3;
	(xrf0) =	vmax.scan.msk.f32 $0xffff, v13;
	v1 =	vbroadcast v1, $0xF  }
0x117: {  	(v2sf) =	vpush v15, $0x0;
	v2 =	vmctz.xlane vm1;
	vm1 =	veq.f32 v7, v0;
	s25 =	spop (v2sf);
	v0, _, _ =	vpop (xrf0)  }
0x118: {  	v3 =	vmctz.xlane vm1;
	(xrf0) =	vmax.scan.msk.f32 $0xffff, v48;
	s2 =	spop (v2sf);
	v0 =	vbroadcast v0, $0xF;
	v7, _, _ =	vpop (xrf0);
	vm1 =	veq.f32 v5, v1  }
0x119: {  	(v2sf) =	vpush v16, $0x0;
	s1 =	sshll.u32 s25, $0x6;
	(xrf0) =	vmax.scan.msk.f32 $0xffff, v50;
	s2 =	sshll.u32 s2, $0xA;
	v1 =	vbroadcast v7, $0xF;
	v5, _, _ =	vpop (xrf0);
	v7 =	vmctz.xlane vm1  }
0x11a: {  	(v2sf) =	vpush v51, $0x0;
	s2 =	sadd.s32 s2, s1;
	vm1 =	veq.f32 v6, v0;
	v0 =	vbroadcast v5, $0xF  }
0x11b: {  	s1 =	sand.u32 $0x40, s1;
	v5, _, _ =	vpop (xrf0);
	s2 =	sand.u32 $0xFFFFFF80, s2;
	v6 =	vmctz.xlane vm1;
	vm1 =	veq.f32 v8, v1;
	(v2sf) =	vpush v7, $0x0  }
0x11c: {  	v1 =	vbroadcast v5, $0xF;
	v5, _, _ =	vpop (xrf0);
	s1 =	sor.u32 s1, s2;
	v7 =	vmctz.xlane vm1;
	(v2sf) =	vpush v4, $0x0  }
0x11d: {  	vm1 =	veq.f32 v9, v0;
	v0 =	vbroadcast v5, $0xF;
	(v2sf) =	vpush v2, $0x0;
	v2 =	vld [tilespmem:s1+$0x18000]  }
0x11e: {  	v4, _, _ =	vpop (xrf0);
	v5 =	vmctz.xlane vm1;
	vm1 =	veq.f32 v11, v1;
	(v2sf) =	vpush v3, $0x0  }
0x11f: {  	v1 =	vbroadcast v4, $0xF;
	v3, _, _ =	vpop (xrf0);
	v4 =	vmctz.xlane vm1;
	(v2sf) =	vpush v6, $0x0  }
0x120: {  	vm1 =	veq.f32 v13, v0;
	v0 =	vbroadcast v3, $0xF;
	(v2sf) =	vpush v7, $0x0  }
0x121: {  	s31 =	simm.s32 $0x10200;
	v3 =	vmctz.xlane vm1;
	vm1 =	veq.f32 v48, v1;
	(v2sf) =	vpush v5, $0x0  }
0x122: {  	s2 =	sadd.s32 $0x18000, s1;
	v1 =	vmctz.xlane vm1;
	vm1 =	veq.f32 v50, v0;
	(v2sf) =	vpush v4, $0x0;
	[tilespmem:s31+$0x180] =	vst v2  }
0x123: {  	s26 =	simm.s32 $0x4600;
	v2 =	vmctz.xlane vm1;
	(v2sf) =	vpush v3, $0x0;
	v0 =	vld [tilespmem:s2+$0x10]  }
0x124: {  	(v2sf) =	vpush v1, $0x0;
	v1 =	vld [tilespmem:s26+$0x187]  }
0x125: {  	(v2sf) =	vpush v2, $0x0;
	v2 =	vld [tilespmem:s26+$0x180];
	_ =	sdelay $0x3  }
0x126: {  	s8 =	spop (v2sf)  }
0x127: {  	v3 =	vld [tilespmem:s26+$0xFFFFFE80];
	s10 =	spop (v2sf);
	[tilespmem:s31+$0x190] =	vst v0;
	(xrf0) =	vmax.scan.msk.f32 $0xffff, v1;
	v2 =	vnsel vm0, $0xFF800000, v2  }
0x128: {  	s11 =	spop (v2sf);
	v0 =	vld [tilespmem:s2+$0x20];
	(xrf0) =	vmax.scan.msk.f32 $0xffff, v2  }
0x129: {  	v4 =	vld [tilespmem:s26+$0xFFFFFF00];
	s13 =	spop (v2sf)  }
0x12a: {  	v7 =	vld [tilespmem:s26+$0xFFFFFF80];
	s14 =	spop (v2sf)  }
0x12b: {  	v52 =	vld [tilespmem:s26+$0x0];
	s8 =	sshll.u32 s8, $0xA;
	s10 =	sshll.u32 s10, $0xA;
	s15 =	spop (v2sf)  }
0x12c: {  	v53 =	vld [tilespmem:s26+$0x80];
	s11 =	sshll.u32 s11, $0xA;
	s13 =	sshll.u32 s13, $0xA;
	s16 =	spop (v2sf)  }
0x12d: {  	v54 =	vld [tilespmem:s26+$0x100];
	v57 =	vnsel vm0, $0xFF800000, v3;
	s14 =	sshll.u32 s14, $0xA;
	s15 =	sshll.u32 s15, $0xA;
	s17 =	spop (v2sf);
	[tilespmem:s31+$0x1A0] =	vst v0;
	v0, _, _ =	vpop (xrf0)  }
0x12e: {  	v56 =	vld [tilespmem:s26+$0xFFFFFE00];
	v58 =	vnsel vm0, $0xFF800000, v4;
	(xrf0) =	vmax.scan.msk.f32 $0xffff, v57;
	s28 =	sshll.u32 s16, $0xA;
	s17 =	sshll.u32 s17, $0x6;
	s19 =	spop (v2sf);
	v59 =	vbroadcast v0, $0xF;
	v0, _, _ =	vpop (xrf0)  }
0x12f: {  	v6 =	vld [tilespmem:s26+$0xFFFFFE07];
	v7 =	vnsel vm0, $0xFF800000, v7;
	(xrf0) =	vmax.scan.msk.f32 $0xffff, v58;
	s13 =	sadd.s32 s13, s17;
	s25 =	spop (v2sf);
	s19 =	sshll.u32 s19, $0x6;
	v60 =	vbroadcast v0, $0xF  }
0x130: {  	v8 =	vnsel vm0, $0xFF800000, v52;
	v5 =	vld [tilespmem:s26+$0xFFFFFE87];
	(xrf0) =	vmax.scan.msk.f32 $0xffff, v7;
	s17 =	sand.u32 $0x40, s17;
	s16 =	sshll.u32 s25, $0x6;
	s21 =	spop (v2sf);
	vm1 =	veq.f32 v1, v59  }
0x131: {  	v9 =	vnsel vm0, $0xFF800000, v53;
	v4 =	vld [tilespmem:s26+$0xFFFFFF87];
	(xrf0) =	vmax.scan.msk.f32 $0xffff, v8;
	s8 =	sadd.s32 s8, s19;
	s13 =	sand.u32 $0xFFFFFF80, s13;
	s19 =	sand.u32 $0x40, s19;
	v15 =	vmctz.xlane vm1;
	vm2 =	veq.f32 v2, v60  }
0x132: {  	v10 =	vnsel vm0, $0xFF800000, v54;
	v3 =	vld [tilespmem:s26+$0xFFFFFF07];
	(xrf0) =	vmax.scan.msk.f32 $0xffff, v9;
	s10 =	sadd.s32 s10, s16;
	s23 =	spop (v2sf);
	s21 =	sshll.u32 s21, $0x6;
	v16 =	vmctz.xlane vm2  }
0x133: {  	v12 =	vnsel vm0, $0xFF800000, v56;
	v55 =	vld [tilespmem:s2+$0x30];
	(xrf0) =	vmax.scan.msk.f32 $0xffff, v10;
	s8 =	sand.u32 $0xFFFFFF80, s8;
	s13 =	sor.u32 s17, s13;
	s23 =	sshll.u32 s23, $0x6;
	(v2sf) =	vpush v15, $0x0  }
0x134: {  	v0 =	vld [tilespmem:s26+$0x7];
	v17, _, _ =	vpop (xrf0);
	(xrf0) =	vmax.scan.msk.f32 $0xffff, v12;
	s24 =	spop (v2sf);
	s11 =	sadd.s32 s11, s21;
	s10 =	sand.u32 $0xFFFFFF80, s10;
	(v2sf) =	vpush v16, $0x0  }
0x135: {  	v1 =	vld [tilespmem:s26+$0x87];
	s8 =	sor.u32 s19, s8;
	v18, _, _ =	vpop (xrf0);
	s14 =	sadd.s32 s14, s23;
	s24 =	sshll.u32 s24, $0x6  }
0x136: {  	s25 =	spop (v2sf);
	v2 =	vld [tilespmem:s26+$0x107];
	s26 =	sand.u32 $0x40, s16;
	s19 =	sand.u32 $0x40, s23;
	v20, _, _ =	vpop (xrf0)  }
0x137: {  	v61 =	vld [tilespmem:s13+$0x18000];
	v17 =	vbroadcast v17, $0xF;
	s15 =	sadd.s32 s15, s24;
	s25 =	sshll.u32 s25, $0x6;
	s2 =	sor.u32 s26, s10;
	v22, _, _ =	vpop (xrf0)  }
0x138: {  	v62 =	vld [tilespmem:s8+$0x18000];
	s17 =	sand.u32 $0xFFFFFF80, s14;
	s1 =	sadd.s32 s28, s25;
	s28 =	sand.u32 $0x40, s21;
	v28, _, _ =	vpop (xrf0)  }
0x139: {  	v63 =	vbroadcast v18, $0xF;
	vm1 =	veq.f32 v57, v17;
	v20 =	vbroadcast v20, $0xF;
	v19 =	vld [tilespmem:s2+$0x18000];
	s15 =	sand.u32 $0xFFFFFF80, s15;
	s21 =	sand.u32 $0x40, s24;
	s10 =	sor.u32 s19, s17;
	v24, _, _ =	vpop (xrf0)  }
0x13a: {  	(xrf0) =	vmax.scan.msk.f32 $0xffff, v6;
	s11 =	sand.u32 $0xFFFFFF80, s11;
	[tilespmem:s31+$0x1B0] =	vst v55;
	v30 =	vmctz.xlane vm1;
	s15 =	sor.u32 s21, s15;
	v23 =	vld [tilespmem:s10+$0x18000];
	v32, _, _ =	vpop (xrf0)  }
0x13b: {  	(xrf0) =	vmax.scan.msk.f32 $0xffff, v5;
	s23 =	sand.u32 $0x40, s25;
	vm1 =	veq.f32 v58, v63;
	s11 =	sor.u32 s28, s11;
	s1 =	sand.u32 $0xFFFFFF80, s1;
	vm2 =	veq.f32 v7, v20;
	v29 =	vld [tilespmem:s15+$0x18000];
	v7 =	vbroadcast v32, $0xF  }
0x13c: {  	(xrf0) =	vmax.scan.msk.f32 $0xffff, v3;
	v36 =	vmctz.xlane vm1;
	v21 =	vld [tilespmem:s11+$0x18000];
	s24 =	sor.u32 s23, s1;
	[tilespmem:s31+$0xFFFFFE00] =	vst v61  }
0x13d: {  	s25 =	sadd.s32 $0x18000, s13;
	(v2sf) =	vpush v30, $0x0;
	v31 =	vld [tilespmem:s24+$0x18000];
	[tilespmem:s31+$0xFFFFFE80] =	vst v62;
	vm1 =	veq.f32 v12, v7;
	v7 =	vmctz.xlane vm2  }
0x13e: {  	s26 =	sadd.s32 $0x18000, s8;
	(xrf0) =	vmax.scan.msk.f32 $0xffff, v4;
	v33 =	vld [tilespmem:s25+$0x10];
	(v2sf) =	vpush v36, $0x0;
	[tilespmem:s31+$0xFFFFFF00] =	vst v19;
	v38 =	vmctz.xlane vm1  }
0x13f: {  	v35 =	vbroadcast v22, $0xF;
	s28 =	sadd.s32 $0x18000, s2;
	s2 =	sadd.s32 $0x18000, s11;
	s11 =	sadd.s32 $0x18000, s10;
	(xrf0) =	vmax.scan.msk.f32 $0xffff, v0;
	v34 =	vld [tilespmem:s26+$0x10];
	[tilespmem:s31+$0x0] =	vst v23;
	(v2sf) =	vpush v7, $0x0  }
0x140: {  	v13 =	vbroadcast v28, $0xF;
	s17 =	sadd.s32 $0x18000, s15;
	v43, _, _ =	vpop (xrf0);
	(xrf0) =	vmax.scan.msk.f32 $0xffff, v1;
	v39 =	vld [tilespmem:s11+$0x10];
	[tilespmem:s31+$0x80] =	vst v29;
	(v2sf) =	vpush v38, $0x0  }
0x141: {  	v42 =	vbroadcast v24, $0xF;
	v45 =	vbroadcast v43, $0xF;
	v46, _, _ =	vpop (xrf0);
	[tilespmem:s31+$0xFFFFFF80] =	vst v21;
	v7 =	vld [tilespmem:s17+$0x10]  }
0x142: {  	(xrf0) =	vmax.scan.msk.f32 $0xffff, v2;
	vm2 =	veq.f32 v8, v35;
	v48 =	vbroadcast v46, $0xF;
	v19 =	vld [tilespmem:s28+$0x10];
	[tilespmem:s31+$0x100] =	vst v31;
	s21 =	spop (v2sf)  }
0x143: {  	s19 =	sadd.s32 $0x18000, s24;
	v52, _, _ =	vpop (xrf0);
	v40 =	vmctz.xlane vm2;
	vm1 =	veq.f32 v9, v13;
	vm2 =	veq.f32 v10, v42;
	v37 =	vld [tilespmem:s2+$0x10];
	[tilespmem:s31+$0xFFFFFE10] =	vst v33;
	s23 =	spop (v2sf)  }
0x144: {  	v53, _, _ =	vpop (xrf0);
	v50 =	vmctz.xlane vm1;
	v51 =	vmctz.xlane vm2;
	vm1 =	veq.f32 v6, v45;
	v41 =	vld [tilespmem:s19+$0x10];
	[tilespmem:s31+$0xFFFFFE90] =	vst v34;
	s15 =	sshll.u32 s21, $0x6;
	s16 =	sshll.u32 s23, $0xA  }
0x145: {  	v55 =	vbroadcast v53, $0xF;
	v54 =	vmctz.xlane vm1;
	v56, _, _ =	vpop (xrf0);
	(v2sf) =	vpush v40, $0x0;
	v14 =	vld [tilespmem:s25+$0x20];
	[tilespmem:s31+$0x10] =	vst v39;
	s16 =	sadd.s32 s16, s15  }
0x146: {  	vm1 =	veq.f32 v5, v48;
	v58, _, _ =	vpop (xrf0);
	(v2sf) =	vpush v50, $0x0;
	v6 =	vld [tilespmem:s11+$0x20];
	[tilespmem:s31+$0x90] =	vst v7;
	v7 =	vbroadcast v52, $0xF;
	s15 =	sand.u32 $0x40, s15;
	s16 =	sand.u32 $0xFFFFFF80, s16  }
0x147: {  	v10 =	vmctz.xlane vm1;
	v44 =	vld [tilespmem:s26+$0x20];
	v60 =	vbroadcast v58, $0xF;
	[tilespmem:s31+$0xFFFFFF10] =	vst v19;
	(v2sf) =	vpush v51, $0x0;
	s15 =	sor.u32 s15, s16  }
0x148: {  	(v2sf) =	vpush v54, $0x0;
	[tilespmem:s31+$0xFFFFFF90] =	vst v37;
	vm1 =	veq.f32 v3, v7;
	v3 =	vbroadcast v56, $0xF;
	v7 =	vld [tilespmem:s15+$0x18000]  }
0x149: {  	v61, _, _ =	vpop (xrf0);
	v47 =	vld [tilespmem:s28+$0x20];
	[tilespmem:s31+$0x110] =	vst v41;
	(v2sf) =	vpush v10, $0x0;
	v59 =	vmctz.xlane vm1;
	vm1 =	veq.f32 v4, v55  }
0x14a: {  	v49 =	vld [tilespmem:s2+$0x20];
	[tilespmem:s31+$0xFFFFFE20] =	vst v14;
	v62 =	vmctz.xlane vm1;
	vm1 =	veq.f32 v0, v3;
	v3 =	vbroadcast v61, $0xF  }
0x14b: {  	v5 =	vld [tilespmem:s17+$0x20];
	[tilespmem:s31+$0x20] =	vst v6;
	v6 =	vmctz.xlane vm1;
	vm1 =	veq.f32 v1, v60;
	(v2sf) =	vpush v59, $0x0  }
0x14c: {  	s1 =	simm.s32 $0x10600;
	v57 =	vld [tilespmem:s19+$0x20];
	[tilespmem:s31+$0xFFFFFEA0] =	vst v44;
	s24 =	spop (v2sf);
	v8 =	vmctz.xlane vm1;
	vm1 =	veq.f32 v2, v3;
	(v2sf) =	vpush v62, $0x0  }
0x14d: {  	v4 =	vld [tilespmem:s25+$0x30];
	s25 =	spop (v2sf);
	(v2sf) =	vpush v6, $0x0;
	[tilespmem:s1+$0x180] =	vst v7;
	v7 =	vmctz.xlane vm1  }
0x14e: {  	v63 =	vld [tilespmem:s26+$0x30];
	[tilespmem:s31+$0xFFFFFF20] =	vst v47;
	s26 =	spop (v2sf);
	(v2sf) =	vpush v8, $0x0  }
0x14f: {  	v0 =	vld [tilespmem:s28+$0x30];
	s28 =	spop (v2sf);
	(v2sf) =	vpush v7, $0x0;
	_ =	sdelay $0x1  }
0x150: {  	[tilespmem:s31+$0xFFFFFFA0] =	vst v49;
	v2 =	vld [tilespmem:s11+$0x30]  }
0x151: {  	s0 =	sshll.u32 s0, $0x13;
	[tilespmem:s31+$0xA0] =	vst v5;
	v1 =	vld [tilespmem:s2+$0x30];
	s8 =	sadd.s32 $0x18000, s15  }
0x152: {  	s0 =	sor.u32 s9, s0;
	s14 =	simm.s32 $0x4A00;
	[tilespmem:s31+$0x120] =	vst v57;
	v5 =	vld [tilespmem:s8+$0x10]  }
0x153: {  	s24 =	sshll.u32 s24, $0xA;
	s25 =	sshll.u32 s25, $0xA;
	s2 =	simm.s32 $0x8;
	v3 =	vld [tilespmem:s17+$0x30];
	[tilespmem:s31+$0xFFFFFE30] =	vst v4  }
0x154: {  	[tilespmem:s31+$0xFFFFFEB0] =	vst v63;
	v4 =	vld [tilespmem:s19+$0x30];
	s15 =	sshll.u32 s26, $0xA;
	s10 =	sshll.u32 s28, $0xA;
	s13 =	spop (v2sf)  }
.LBB2_8:
0x155: {  	v6 =	vld [tilespmem:s14+$0x187];
	s11 =	sshll.u32 s13, $0xA;
	s13 =	spop (v2sf);
	[tilespmem:s31+$0xFFFFFF30] =	vst v0  }
0x156: {  	s2 =	sadd.s32 $0x8, s2;
	v0 =	vld [tilespmem:s14+$0x180];
	s13 =	sshll.u32 s13, $0xA;
	s16 =	spop (v2sf);
	[tilespmem:s31+$0xFFFFFFB0] =	vst v1  }
0x157: {  	p0 =	slt.u32 s2, $0x78;
	v1 =	vld [tilespmem:s14+$0xFFFFFE80];
	s16 =	sshll.u32 s16, $0xA;
	[tilespmem:s1+$0x190] =	vst v5;
	s17 =	spop (v2sf)  }
0x158: {  	s17 =	sshll.u32 s17, $0x6;
	v5 =	vld [tilespmem:s8+$0x20];
	s19 =	spop (v2sf);
	[tilespmem:s31+$0x30] =	vst v2  }
0x159: {  	v2 =	vld [tilespmem:s14+$0xFFFFFF00];
	s10 =	sadd.s32 s10, s17;
	s19 =	sshll.u32 s19, $0x6;
	s21 =	spop (v2sf);
	[tilespmem:s31+$0xB0] =	vst v3  }
0x15a: {  	v3 =	vld [tilespmem:s14+$0xFFFFFF80];
	s23 =	sadd.s32 s24, s19;
	s21 =	sshll.u32 s21, $0x6;
	s24 =	spop (v2sf);
	[tilespmem:s31+$0x130] =	vst v4  }
0x15b: {  	v4 =	vld [tilespmem:s14+$0x0];
	v0 =	vnsel vm0, $0xFF800000, v0;
	(xrf0) =	vmax.scan.msk.f32 $0xffff, v6;
	s25 =	sadd.s32 s25, s21;
	s24 =	sshll.u32 s24, $0x6;
	s26 =	spop (v2sf)  }
0x15c: {  	v1 =	vnsel vm0, $0xFF800000, v1;
	v7 =	vld [tilespmem:s14+$0x80];
	(xrf0) =	vmax.scan.msk.f32 $0xffff, v0;
	s15 =	sadd.s32 s15, s24;
	s26 =	sshll.u32 s26, $0x6;
	s28 =	spop (v2sf)  }
0x15d: {  	v8 =	vld [tilespmem:s14+$0x100];
	(xrf0) =	vmax.scan.msk.f32 $0xffff, v1;
	s11 =	sadd.s32 s11, s26;
	s28 =	sshll.u32 s28, $0x6;
	[tilespmem:s1+$0x1A0] =	vst v5;
	s31 =	spop (v2sf)  }
0x15e: {  	s10 =	sand.u32 $0xFFFFFF80, s10;
	v2 =	vnsel vm0, $0xFF800000, v2;
	s13 =	sadd.s32 s13, s28;
	s31 =	sshll.u32 s31, $0x6;
	v5 =	vld [tilespmem:s8+$0x30]  }
0x15f: {  	s8 =	sand.u32 $0xFFFFFF80, s23;
	s23 =	sand.u32 $0xFFFFFF80, s25;
	v9 =	vld [tilespmem:s14+$0xFFFFFE00];
	v3 =	vnsel vm0, $0xFF800000, v3;
	(xrf0) =	vmax.scan.msk.f32 $0xffff, v2;
	s16 =	sadd.s32 s16, s31  }
0x160: {  	s15 =	sand.u32 $0xFFFFFF80, s15;
	s11 =	sand.u32 $0xFFFFFF80, s11;
	s13 =	sand.u32 $0xFFFFFF80, s13;
	v10 =	vld [tilespmem:s14+$0xFFFFFE07];
	v4 =	vnsel vm0, $0xFF800000, v4;
	(xrf0) =	vmax.scan.msk.f32 $0xffff, v3  }
0x161: {  	s17 =	sand.u32 $0x40, s17;
	s19 =	sand.u32 $0x40, s19;
	s16 =	sand.u32 $0xFFFFFF80, s16;
	v11 =	vld [tilespmem:s14+$0xFFFFFE87];
	v7 =	vnsel vm0, $0xFF800000, v7;
	(xrf0) =	vmax.scan.msk.f32 $0xffff, v4;
	v12, _, _ =	vpop (xrf0)  }
0x162: {  	s21 =	sand.u32 $0x40, s21;
	s24 =	sand.u32 $0x40, s24;
	s25 =	sand.u32 $0x40, s26;
	v13 =	vld [tilespmem:s14+$0xFFFFFF07];
	v8 =	vnsel vm0, $0xFF800000, v8;
	v17 =	vbroadcast v12, $0xF;
	(xrf0) =	vmax.scan.msk.f32 $0xffff, v7;
	v14, _, _ =	vpop (xrf0)  }
0x163: {  	s17 =	sor.u32 s17, s10;
	s10 =	sand.u32 $0x40, s28;
	s26 =	sand.u32 $0x40, s31;
	v15 =	vld [tilespmem:s14+$0xFFFFFF87];
	v18 =	vbroadcast v14, $0xF;
	v16, _, _ =	vpop (xrf0);
	(xrf0) =	vmax.scan.msk.f32 $0xffff, v8;
	[tilespmem:s1+$0x1B0] =	vst v5  }
0x164: {  	s19 =	sor.u32 s19, s8;
	s21 =	sor.u32 s21, s23;
	s23 =	sor.u32 s24, s15;
	v5 =	vnsel vm0, $0xFF800000, v9;
	v9 =	vbroadcast v16, $0xF;
	v16 =	vld [tilespmem:s14+$0x7];
	vm1 =	veq.f32 v6, v17  }
0x165: {  	s25 =	sor.u32 s25, s11;
	s28 =	sor.u32 s10, s13;
	s24 =	sor.u32 s26, s16;
	v6 =	vld [tilespmem:s14+$0x87];
	vm2 =	veq.f32 v0, v18;
	v0 =	vmctz.xlane vm1;
	(xrf0) =	vmax.scan.msk.f32 $0xffff, v5;
	v12, _, _ =	vpop (xrf0)  }
0x166: {  	s15 =	sadd.s32 $0x18000, s17;
	s13 =	sadd.s32 $0x18000, s19;
	s10 =	sadd.s32 $0x18000, s21;
	vm1 =	veq.f32 v1, v9;
	v1 =	vbroadcast v12, $0xF;
	v9 =	vld [tilespmem:s14+$0x107];
	v12 =	vmctz.xlane vm2;
	(xrf0) =	vmax.scan.msk.f32 $0xffff, v10;
	v14, _, _ =	vpop (xrf0)  }
0x167: {  	s8 =	sadd.s32 $0x18000, s23;
	s11 =	sadd.s32 $0x18000, s25;
	s16 =	sadd.s32 $0x18000, s28;
	v17 =	vmctz.xlane vm1;
	v14 =	vbroadcast v14, $0xF;
	(xrf0) =	vmax.scan.msk.f32 $0xffff, v11;
	v18, _, _ =	vpop (xrf0);
	(v2sf) =	vpush v0, $0x0;
	v0 =	vld [tilespmem:s17+$0x18000]  }
0x168: {  	s31 =	smov.u32 s1;
	s17 =	sadd.s32 $0x18000, s24;
	vm1 =	veq.f32 v2, v1;
	v1 =	vbroadcast v18, $0xF;
	(xrf0) =	vmax.scan.msk.f32 $0xffff, v13;
	v2, _, _ =	vpop (xrf0);
	(v2sf) =	vpush v12, $0x0;
	v12 =	vld [tilespmem:s19+$0x18000]  }
0x169: {  	v18 =	vmctz.xlane vm1;
	vm1 =	veq.f32 v3, v14;
	v20 =	vbroadcast v2, $0xF;
	(xrf0) =	vmax.scan.msk.f32 $0xffff, v15;
	v3, _, _ =	vpop (xrf0);
	v14 =	vld [tilespmem:s21+$0x18000]  }
0x16a: {  	v19 =	vmctz.xlane vm1;
	vm1 =	veq.f32 v4, v1;
	v22 =	vbroadcast v3, $0xF;
	(xrf0) =	vmax.scan.msk.f32 $0xffff, v16;
	v3 =	vld [tilespmem:s23+$0x18000]  }
0x16b: {  	v4 =	vmctz.xlane vm1;
	vm1 =	veq.f32 v7, v20;
	v2, _, _ =	vpop (xrf0);
	(v2sf) =	vpush v17, $0x0;
	(xrf0) =	vmax.scan.msk.f32 $0xffff, v6;
	v7 =	vld [tilespmem:s25+$0x18000]  }
0x16c: {  	v2 =	vbroadcast v2, $0xF;
	v17 =	vmctz.xlane vm1;
	vm1 =	veq.f32 v8, v22;
	v1, _, _ =	vpop (xrf0);
	(xrf0) =	vmax.scan.msk.f32 $0xffff, v9;
	v8 =	vld [tilespmem:s28+$0x18000]  }
0x16d: {  	v1 =	vbroadcast v1, $0xF;
	v20 =	vmctz.xlane vm1;
	v21, _, _ =	vpop (xrf0);
	(v2sf) =	vpush v18, $0x0;
	[tilespmem:s1+$0xFFFFFE00] =	vst v0;
	v0 =	vld [tilespmem:s24+$0x18000]  }
0x16e: {  	vm1 =	veq.f32 v5, v2;
	v2 =	vbroadcast v21, $0xF;
	v5, _, _ =	vpop (xrf0);
	(v2sf) =	vpush v19, $0x0;
	v18 =	vld [tilespmem:s15+$0x10];
	[tilespmem:s1+$0xFFFFFE80] =	vst v12  }
0x16f: {  	v12 =	vmctz.xlane vm1;
	vm1 =	veq.f32 v10, v1;
	v1 =	vbroadcast v5, $0xF;
	v5, _, _ =	vpop (xrf0);
	v10 =	vld [tilespmem:s13+$0x10];
	[tilespmem:s1+$0xFFFFFF00] =	vst v14  }
0x170: {  	v14 =	vmctz.xlane vm1;
	vm1 =	veq.f32 v11, v2;
	v2 =	vbroadcast v5, $0xF;
	v5, _, _ =	vpop (xrf0);
	v11 =	vld [tilespmem:s10+$0x10];
	[tilespmem:s1+$0xFFFFFF80] =	vst v3  }
0x171: {  	v3 =	vmctz.xlane vm1;
	vm1 =	veq.f32 v13, v1;
	v1 =	vbroadcast v5, $0xF;
	v5, _, _ =	vpop (xrf0);
	v13 =	vld [tilespmem:s8+$0x10];
	[tilespmem:s1+$0x0] =	vst v7  }
0x172: {  	v7 =	vmctz.xlane vm1;
	vm1 =	veq.f32 v15, v2;
	v2 =	vbroadcast v5, $0xF;
	v5, _, _ =	vpop (xrf0);
	v15 =	vld [tilespmem:s11+$0x10];
	[tilespmem:s1+$0x80] =	vst v8  }
0x173: {  	v8 =	vmctz.xlane vm1;
	vm1 =	veq.f32 v16, v1;
	v1 =	vbroadcast v5, $0xF;
	v5 =	vld [tilespmem:s16+$0x10];
	[tilespmem:s1+$0x100] =	vst v0  }
0x174: {  	v0 =	vmctz.xlane vm1;
	vm1 =	veq.f32 v6, v2;
	(v2sf) =	vpush v12, $0x0;
	[tilespmem:s1+$0xFFFFFE10] =	vst v18;
	v2 =	vld [tilespmem:s17+$0x10]  }
0x175: {  	v6 =	vmctz.xlane vm1;
	vm1 =	veq.f32 v9, v1;
	(v2sf) =	vpush v4, $0x0;
	v1 =	vld [tilespmem:s15+$0x20];
	[tilespmem:s1+$0xFFFFFE90] =	vst v10  }
0x176: {  	v4 =	vmctz.xlane vm1;
	(v2sf) =	vpush v17, $0x0;
	s19 =	spop (v2sf);
	v9 =	vld [tilespmem:s13+$0x20];
	[tilespmem:s1+$0xFFFFFF10] =	vst v11  }
0x177: {  	(v2sf) =	vpush v20, $0x0;
	s21 =	spop (v2sf);
	v10 =	vld [tilespmem:s10+$0x20];
	[tilespmem:s1+$0xFFFFFF90] =	vst v13  }
0x178: {  	s19 =	sshll.u32 s19, $0x6;
	s21 =	sshll.u32 s21, $0xA;
	(v2sf) =	vpush v14, $0x0;
	v11 =	vld [tilespmem:s8+$0x20];
	[tilespmem:s1+$0x10] =	vst v15  }
0x179: {  	s21 =	sadd.s32 s21, s19;
	(v2sf) =	vpush v3, $0x0;
	v3 =	vld [tilespmem:s11+$0x20];
	[tilespmem:s1+$0x90] =	vst v5  }
0x17a: {  	s19 =	sand.u32 $0x40, s19;
	s21 =	sand.u32 $0xFFFFFF80, s21;
	s23 =	spop (v2sf);
	(v2sf) =	vpush v7, $0x0;
	v5 =	vld [tilespmem:s16+$0x20];
	[tilespmem:s1+$0x110] =	vst v2  }
0x17b: {  	s24 =	sshll.u32 s23, $0xA;
	s19 =	sor.u32 s19, s21;
	(v2sf) =	vpush v8, $0x0;
	[tilespmem:s1+$0xFFFFFE20] =	vst v1;
	v7 =	vld [tilespmem:s17+$0x20]  }
0x17c: {  	v2 =	vld [tilespmem:s19+$0x18000];
	s21 =	spop (v2sf);
	(v2sf) =	vpush v0, $0x0;
	[tilespmem:s1+$0xFFFFFEA0] =	vst v9  }
0x17d: {  	s25 =	sshll.u32 s21, $0xA;
	s21 =	spop (v2sf);
	(v2sf) =	vpush v6, $0x0;
	v6 =	vld [tilespmem:s15+$0x30];
	[tilespmem:s1+$0xFFFFFF20] =	vst v10  }
0x17e: {  	s15 =	sshll.u32 s21, $0xA;
	(v2sf) =	vpush v4, $0x0;
	v4 =	vld [tilespmem:s13+$0x30];
	[tilespmem:s1+$0xFFFFFFA0] =	vst v11  }
0x17f: {  	v0 =	vld [tilespmem:s10+$0x30];
	[tilespmem:s1+$0x20] =	vst v3  }
.Ltmp7:
0x180: {  	s1 =	sadd.s32 $0x400, s1;
	v1 =	vld [tilespmem:s8+$0x30];
	[tilespmem:s31+$0xA0] =	vst v5;
	(pc) =	sbr.rel @p0 .LBB2_8-.Ltmp7, $4  }
0x181: {  	s8 =	sadd.s32 $0x18000, s19;
	[tilespmem:s1+$0x180] =	vst v2;
	v2 =	vld [tilespmem:s11+$0x30]  }
0x182: {  	v5 =	vld [tilespmem:s8+$0x10];
	[tilespmem:s31+$0x120] =	vst v7  }
0x183: {  	s10 =	spop (v2sf);
	[tilespmem:s31+$0xFFFFFE30] =	vst v6;
	v3 =	vld [tilespmem:s16+$0x30]  }
0x184: {  	s14 =	sadd.s32 $0x400, s14;
	s10 =	sshll.u32 s10, $0xA;
	s13 =	spop (v2sf);
	[tilespmem:s31+$0xFFFFFEB0] =	vst v4;
	v4 =	vld [tilespmem:s17+$0x30]  }
0x185: {  	s2 =	spop (v2sf)  }
0x186: {  	s11 =	spop (v2sf)  }
0x187: {  	s13 =	sshll.u32 s13, $0xA;
	s14 =	spop (v2sf)  }
0x188: {  	s2 =	sshll.u32 s2, $0xA;
	s14 =	sshll.u32 s14, $0x6;
	s16 =	spop (v2sf)  }
0x189: {  	s11 =	sshll.u32 s11, $0xA;
	s10 =	sadd.s32 s10, s14;
	s17 =	spop (v2sf)  }
0x18a: {  	s16 =	sshll.u32 s16, $0x6;
	s14 =	sand.u32 $0x40, s14;
	s17 =	sshll.u32 s17, $0x6  }
0x18b: {  	[tilespmem:s1+$0x190] =	vst v5;
	s19 =	spop (v2sf);
	s21 =	sadd.s32 s24, s16;
	s10 =	sand.u32 $0xFFFFFF80, s10  }
0x18c: {  	v5 =	vld [tilespmem:s8+$0x20];
	s16 =	sand.u32 $0x40, s16;
	s23 =	sadd.s32 s25, s17;
	s25 =	spop (v2sf)  }
0x18d: {  	s19 =	sshll.u32 s19, $0x6;
	s21 =	sand.u32 $0xFFFFFF80, s21;
	s10 =	sor.u32 s14, s10  }
0x18e: {  	s17 =	sand.u32 $0x40, s17;
	s24 =	sshll.u32 s25, $0x6;
	s26 =	spop (v2sf)  }
0x18f: {  	[tilespmem:s31+$0xFFFFFF30] =	vst v0;
	s15 =	sadd.s32 s15, s19;
	s28 =	sand.u32 $0xFFFFFF80, s23;
	s16 =	sor.u32 s16, s21  }
0x190: {  	[tilespmem:s31+$0xFFFFFFB0] =	vst v1;
	v36 =	vld [tilespmem:s10+$0x18000];
	s23 =	sand.u32 $0x40, s19;
	s13 =	sadd.s32 s13, s24;
	s25 =	sshll.u32 s26, $0x6  }
0x191: {  	s26 =	spop (v2sf);
	[tilespmem:s1+$0x1A0] =	vst v5;
	s15 =	sand.u32 $0xFFFFFF80, s15;
	v37 =	vld [tilespmem:s16+$0x18000];
	s24 =	sand.u32 $0x40, s24  }
0x192: {  	[tilespmem:s31+$0x30] =	vst v2;
	s2 =	sadd.s32 s2, s25;
	s26 =	sshll.u32 s26, $0x6;
	v5 =	vld [tilespmem:s8+$0x30];
	s8 =	sor.u32 s17, s28  }
0x193: {  	[tilespmem:s31+$0xB0] =	vst v3;
	s13 =	sand.u32 $0xFFFFFF80, s13;
	s15 =	sor.u32 s23, s15;
	s25 =	sand.u32 $0x40, s25;
	v38 =	vld [tilespmem:s8+$0x18000]  }
0x194: {  	[tilespmem:s31+$0x130] =	vst v4;
	s11 =	sadd.s32 s11, s26;
	s2 =	sand.u32 $0xFFFFFF80, s2;
	s13 =	sor.u32 s24, s13;
	v39 =	vld [tilespmem:s15+$0x18000]  }
0x195: {  	s26 =	sand.u32 $0x40, s26;
	s11 =	sand.u32 $0xFFFFFF80, s11;
	s2 =	sor.u32 s25, s2;
	v40 =	vld [tilespmem:s13+$0x18000];
	[tilespmem:s1+$0xFFFFFE00] =	vst v36  }
0x196: {  	s11 =	sor.u32 s26, s11;
	v41 =	vld [tilespmem:s2+$0x18000];
	[tilespmem:s1+$0xFFFFFE80] =	vst v37  }
0x197: {  	s10 =	sadd.s32 $0x18000, s10;
	v42 =	vld [tilespmem:s11+$0x18000];
	[tilespmem:s1+$0x1B0] =	vst v5  }
0x198: {  	s28 =	sadd.s32 $0x18000, s16;
	v43 =	vld [tilespmem:s10+$0x10];
	[tilespmem:s1+$0xFFFFFF00] =	vst v38  }
0x199: {  	s8 =	sadd.s32 $0x18000, s8;
	v44 =	vld [tilespmem:s28+$0x10];
	[tilespmem:s1+$0xFFFFFF80] =	vst v39  }
0x19a: {  	s15 =	sadd.s32 $0x18000, s15;
	v45 =	vld [tilespmem:s8+$0x10];
	[tilespmem:s1+$0x0] =	vst v40  }
0x19b: {  	s13 =	sadd.s32 $0x18000, s13;
	v46 =	vld [tilespmem:s15+$0x10];
	[tilespmem:s1+$0x80] =	vst v41  }
0x19c: {  	s2 =	sadd.s32 $0x18000, s2;
	v47 =	vld [tilespmem:s13+$0x10];
	[tilespmem:s1+$0x100] =	vst v42  }
0x19d: {  	s11 =	sadd.s32 $0x18000, s11;
	v48 =	vld [tilespmem:s2+$0x10];
	[tilespmem:s1+$0xFFFFFE10] =	vst v43  }
0x19e: {  	v49 =	vld [tilespmem:s11+$0x10];
	[tilespmem:s1+$0xFFFFFE90] =	vst v44  }
0x19f: {  	v50 =	vld [tilespmem:s10+$0x20];
	[tilespmem:s1+$0xFFFFFF10] =	vst v45  }
0x1a0: {  	v51 =	vld [tilespmem:s28+$0x20];
	[tilespmem:s1+$0xFFFFFF90] =	vst v46  }
0x1a1: {  	v52 =	vld [tilespmem:s8+$0x20];
	[tilespmem:s1+$0x10] =	vst v47  }
0x1a2: {  	v53 =	vld [tilespmem:s15+$0x20];
	[tilespmem:s1+$0x90] =	vst v48  }
0x1a3: {  	v54 =	vld [tilespmem:s13+$0x20];
	[tilespmem:s1+$0x110] =	vst v49  }
0x1a4: {  	v55 =	vld [tilespmem:s2+$0x20];
	[tilespmem:s1+$0xFFFFFE20] =	vst v50  }
0x1a5: {  	v56 =	vld [tilespmem:s11+$0x20];
	[tilespmem:s1+$0xFFFFFEA0] =	vst v51  }
0x1a6: {  	v57 =	vld [tilespmem:s10+$0x30];
	[tilespmem:s1+$0xFFFFFF20] =	vst v52  }
0x1a7: {  	v58 =	vld [tilespmem:s28+$0x30];
	[tilespmem:s1+$0xFFFFFFA0] =	vst v53  }
0x1a8: {  	v59 =	vld [tilespmem:s8+$0x30];
	[tilespmem:s1+$0x20] =	vst v54  }
0x1a9: {  	v60 =	vld [tilespmem:s15+$0x30];
	[tilespmem:s1+$0xA0] =	vst v55  }
0x1aa: {  	v61 =	vld [tilespmem:s13+$0x30];
	[tilespmem:s1+$0x120] =	vst v56  }
0x1ab: {  	[tilespmem:s1+$0xFFFFFE30] =	vst v57;
	v62 =	vld [tilespmem:s2+$0x30]  }
0x1ac: {  	[tilespmem:s1+$0xFFFFFEB0] =	vst v58;
	v63 =	vld [tilespmem:s11+$0x30]  }
0x1ad: {  	[tilespmem:s1+$0xFFFFFF30] =	vst v59  }
0x1ae: {  	[tilespmem:s1+$0xFFFFFFB0] =	vst v60  }
0x1af: {  	[tilespmem:s1+$0x30] =	vst v61  }
0x1b0: {  	s0 =	sshrl.u32 s0, $0x3;
	[tilespmem:s1+$0xB0] =	vst v62  }
0x1b1: {  	s0 =	sadd.s32 s7, s0;
	s31 =	simm.s32 $0x10000;
	[tilespmem:s1+$0x130] =	vst v63  }
0x1b2: {  	[hbm4b:s0+s3] =	stream.linear.scatter [tilespmem:s31], [sflag:$0x5], $0x4000, $0x38;
	[tilespmem:$0x19C00] =	vst v63  }
0x1b3: {  	s0 =	sadd.s32 $0x4, s30  }
0x1b4: {  	p0 =	sge.u32 s0, s5  }
0x1b5: {  	s0 =	sshll.u32 @!p0 s0, $0x13  }
0x1b6: {  	s0 =	sor.u32 @!p0 s9, s0  }
0x1b7: {  	s0 =	sshrl.u32 @!p0 s0, $0x3  }
0x1b8: {  	s1 =	simm.s32 @!p0 $0x0;
	s2 =	simm.s32 @!p0 $0x4000;
	s0 =	sadd.s32 @!p0 s6, s0  }
0x1b9: {  	[tilespmem:s2], [sflag:$0x2] =	stream.linear.gather @!p0 [hbm4b:s0+s1], $0x4000, $0x38;
	[tilespmem:$0x19C00] =	vst v63  }
.LBB2_10:
0x1ba: {  	s0 =	sadd.s32 $0x2, s30  }
0x1bb: {  	p0 =	sge.u32 s0, s5  }
.Ltmp8:
0x1bc: {  	_ = 	snop;
	(pc) =	sbr.rel @p0 .LBB2_14-.Ltmp8, $1  }
0x1bd: {  	_ =	sdelay $0x3  }
0x1be: {  	_ =	swait.ge [sflag:s22], $0x4000  }
0x1bf: {  	p0 =	seq.s32 s29, $0x0;
	[sflag:s22] =	ssyncset.done $0x0  }
0x1c0: {  	s1 =	simm.s32 @!p0 $0x6;
	[sflag:s22] =	ssyncadd.s32 $0xFFFFC000  }
0x1c1: {  	_ =	swait.ge @!p0 [sflag:s1], $0x4000  }
0x1c2: {  	[sflag:s1] =	ssyncset.done @!p0 $0x0  }
0x1c3: {  	s24 =	simm.s32 $0x8200;
	[sflag:s1] =	ssyncadd.s32 @!p0 $0xFFFFC000  }
0x1c4: {  	v0 =	vld [tilespmem:s24+$0x187]  }
0x1c5: {  	v1 =	vld [tilespmem:s24+$0x180];
	_ =	sdelay $0x4  }
0x1c6: {  	v1 =	vnsel vm0, $0xFF800000, v1;
	(xrf0) =	vmax.scan.msk.f32 $0xffff, v0  }
0x1c7: {  	(xrf0) =	vmax.scan.msk.f32 $0xffff, v1;
	_ =	sdelay $0x4  }
0x1c8: {  	v3 =	vld [tilespmem:s24+$0xFFFFFE80];
	v2, _, _ =	vpop (xrf0)  }
0x1c9: {  	v5 =	vld [tilespmem:s24+$0xFFFFFF00];
	v2 =	vbroadcast v2, $0xF;
	v4, _, _ =	vpop (xrf0)  }
0x1ca: {  	v6 =	vld [tilespmem:s24+$0xFFFFFF80];
	v4 =	vbroadcast v4, $0xF  }
0x1cb: {  	vm1 =	veq.f32 v0, v2;
	v0 =	vld [tilespmem:s24+$0x0]  }
0x1cc: {  	v2 =	vld [tilespmem:s24+$0x80];
	vm2 =	veq.f32 v1, v4;
	v1 =	vmctz.xlane vm1  }
0x1cd: {  	v7 =	vld [tilespmem:s24+$0x100];
	v3 =	vnsel vm0, $0xFF800000, v3;
	v4 =	vmctz.xlane vm2  }
0x1ce: {  	(xrf0) =	vmax.scan.msk.f32 $0xffff, v3;
	(v2sf) =	vpush v1, $0x0;
	v1 =	vnsel vm0, $0xFF800000, v5  }
0x1cf: {  	(v2sf) =	vpush v4, $0x0;
	v4 =	vnsel vm0, $0xFF800000, v6;
	(xrf0) =	vmax.scan.msk.f32 $0xffff, v1  }
0x1d0: {  	v5 =	vld [tilespmem:s24+$0xFFFFFE00];
	v0 =	vnsel vm0, $0xFF800000, v0;
	(xrf0) =	vmax.scan.msk.f32 $0xffff, v4  }
0x1d1: {  	v2 =	vnsel vm0, $0xFF800000, v2;
	(xrf0) =	vmax.scan.msk.f32 $0xffff, v0  }
0x1d2: {  	v7 =	vnsel vm0, $0xFF800000, v7;
	(xrf0) =	vmax.scan.msk.f32 $0xffff, v2  }
0x1d3: {  	v6 =	vld [tilespmem:s24+$0xFFFFFE07];
	(xrf0) =	vmax.scan.msk.f32 $0xffff, v7  }
0x1d4: {  	v8 =	vld [tilespmem:s24+$0xFFFFFE87];
	v10, _, _ =	vpop (xrf0)  }
0x1d5: {  	v9 =	vld [tilespmem:s24+$0xFFFFFF07];
	v10 =	vbroadcast v10, $0xF;
	v5 =	vnsel vm0, $0xFF800000, v5;
	v12, _, _ =	vpop (xrf0)  }
0x1d6: {  	(xrf0) =	vmax.scan.msk.f32 $0xffff, v5;
	v12 =	vbroadcast v12, $0xF;
	v14, _, _ =	vpop (xrf0)  }
0x1d7: {  	v11 =	vld [tilespmem:s24+$0xFFFFFF87];
	vm1 =	veq.f32 v3, v10;
	v3 =	vbroadcast v14, $0xF;
	v47, _, _ =	vpop (xrf0)  }
0x1d8: {  	v13 =	vld [tilespmem:s24+$0x7];
	v15 =	vmctz.xlane vm1;
	(xrf0) =	vmax.scan.msk.f32 $0xffff, v6;
	vm1 =	veq.f32 v1, v12;
	v1 =	vbroadcast v47, $0xF;
	v49, _, _ =	vpop (xrf0)  }
0x1d9: {  	(xrf0) =	vmax.scan.msk.f32 $0xffff, v8;
	v16 =	vmctz.xlane vm1;
	vm1 =	veq.f32 v4, v3;
	v4, _, _ =	vpop (xrf0)  }
0x1da: {  	v48 =	vld [tilespmem:s24+$0x87];
	(xrf0) =	vmax.scan.msk.f32 $0xffff, v9;
	v51 =	vmctz.xlane vm1;
	vm1 =	veq.f32 v0, v1;
	v0 =	vbroadcast v4, $0xF  }
0x1db: {  	v50 =	vld [tilespmem:s24+$0x107];
	v3 =	vbroadcast v49, $0xF  }
0x1dc: {  	(xrf0) =	vmax.scan.msk.f32 $0xffff, v11;
	v1, _, _ =	vpop (xrf0)  }
0x1dd: {  	v4 =	vmctz.xlane vm1;
	vm1 =	veq.f32 v2, v3;
	(xrf0) =	vmax.scan.msk.f32 $0xffff, v13;
	v1 =	vbroadcast v1, $0xF  }
0x1de: {  	(v2sf) =	vpush v15, $0x0;
	v2 =	vmctz.xlane vm1;
	vm1 =	veq.f32 v7, v0;
	s25 =	spop (v2sf);
	v0, _, _ =	vpop (xrf0)  }
0x1df: {  	v3 =	vmctz.xlane vm1;
	(xrf0) =	vmax.scan.msk.f32 $0xffff, v48;
	s2 =	spop (v2sf);
	v0 =	vbroadcast v0, $0xF;
	v7, _, _ =	vpop (xrf0);
	vm1 =	veq.f32 v5, v1  }
0x1e0: {  	(v2sf) =	vpush v16, $0x0;
	s1 =	sshll.u32 s25, $0x6;
	(xrf0) =	vmax.scan.msk.f32 $0xffff, v50;
	s2 =	sshll.u32 s2, $0xA;
	v1 =	vbroadcast v7, $0xF;
	v5, _, _ =	vpop (xrf0);
	v7 =	vmctz.xlane vm1  }
0x1e1: {  	(v2sf) =	vpush v51, $0x0;
	s2 =	sadd.s32 s2, s1;
	vm1 =	veq.f32 v6, v0;
	v0 =	vbroadcast v5, $0xF  }
0x1e2: {  	s1 =	sand.u32 $0x40, s1;
	v5, _, _ =	vpop (xrf0);
	s2 =	sand.u32 $0xFFFFFF80, s2;
	v6 =	vmctz.xlane vm1;
	vm1 =	veq.f32 v8, v1;
	(v2sf) =	vpush v7, $0x0  }
0x1e3: {  	v1 =	vbroadcast v5, $0xF;
	v5, _, _ =	vpop (xrf0);
	s1 =	sor.u32 s1, s2;
	v7 =	vmctz.xlane vm1;
	(v2sf) =	vpush v4, $0x0  }
0x1e4: {  	vm1 =	veq.f32 v9, v0;
	v0 =	vbroadcast v5, $0xF;
	(v2sf) =	vpush v2, $0x0;
	v2 =	vld [tilespmem:s1+$0x18000]  }
0x1e5: {  	v4, _, _ =	vpop (xrf0);
	v5 =	vmctz.xlane vm1;
	vm1 =	veq.f32 v11, v1;
	(v2sf) =	vpush v3, $0x0  }
0x1e6: {  	v1 =	vbroadcast v4, $0xF;
	v3, _, _ =	vpop (xrf0);
	v4 =	vmctz.xlane vm1;
	(v2sf) =	vpush v6, $0x0  }
0x1e7: {  	vm1 =	veq.f32 v13, v0;
	v0 =	vbroadcast v3, $0xF;
	(v2sf) =	vpush v7, $0x0  }
0x1e8: {  	s31 =	simm.s32 $0x14200;
	v3 =	vmctz.xlane vm1;
	vm1 =	veq.f32 v48, v1;
	(v2sf) =	vpush v5, $0x0  }
0x1e9: {  	s2 =	sadd.s32 $0x18000, s1;
	v1 =	vmctz.xlane vm1;
	vm1 =	veq.f32 v50, v0;
	(v2sf) =	vpush v4, $0x0;
	[tilespmem:s31+$0x180] =	vst v2  }
0x1ea: {  	s26 =	simm.s32 $0x8600;
	v2 =	vmctz.xlane vm1;
	(v2sf) =	vpush v3, $0x0;
	v0 =	vld [tilespmem:s2+$0x10]  }
0x1eb: {  	(v2sf) =	vpush v1, $0x0;
	v1 =	vld [tilespmem:s26+$0x187]  }
0x1ec: {  	(v2sf) =	vpush v2, $0x0;
	v2 =	vld [tilespmem:s26+$0x180];
	_ =	sdelay $0x3  }
0x1ed: {  	s8 =	spop (v2sf)  }
0x1ee: {  	v3 =	vld [tilespmem:s26+$0xFFFFFE80];
	s10 =	spop (v2sf);
	[tilespmem:s31+$0x190] =	vst v0;
	(xrf0) =	vmax.scan.msk.f32 $0xffff, v1;
	v2 =	vnsel vm0, $0xFF800000, v2  }
0x1ef: {  	s11 =	spop (v2sf);
	v0 =	vld [tilespmem:s2+$0x20];
	(xrf0) =	vmax.scan.msk.f32 $0xffff, v2  }
0x1f0: {  	v4 =	vld [tilespmem:s26+$0xFFFFFF00];
	s13 =	spop (v2sf)  }
0x1f1: {  	v7 =	vld [tilespmem:s26+$0xFFFFFF80];
	s14 =	spop (v2sf)  }
0x1f2: {  	v52 =	vld [tilespmem:s26+$0x0];
	s8 =	sshll.u32 s8, $0xA;
	s10 =	sshll.u32 s10, $0xA;
	s15 =	spop (v2sf)  }
0x1f3: {  	v53 =	vld [tilespmem:s26+$0x80];
	s11 =	sshll.u32 s11, $0xA;
	s13 =	sshll.u32 s13, $0xA;
	s16 =	spop (v2sf)  }
0x1f4: {  	v54 =	vld [tilespmem:s26+$0x100];
	v57 =	vnsel vm0, $0xFF800000, v3;
	s14 =	sshll.u32 s14, $0xA;
	s15 =	sshll.u32 s15, $0xA;
	s17 =	spop (v2sf);
	[tilespmem:s31+$0x1A0] =	vst v0;
	v0, _, _ =	vpop (xrf0)  }
0x1f5: {  	v56 =	vld [tilespmem:s26+$0xFFFFFE00];
	v58 =	vnsel vm0, $0xFF800000, v4;
	(xrf0) =	vmax.scan.msk.f32 $0xffff, v57;
	s28 =	sshll.u32 s16, $0xA;
	s17 =	sshll.u32 s17, $0x6;
	s19 =	spop (v2sf);
	v59 =	vbroadcast v0, $0xF;
	v0, _, _ =	vpop (xrf0)  }
0x1f6: {  	v6 =	vld [tilespmem:s26+$0xFFFFFE07];
	v7 =	vnsel vm0, $0xFF800000, v7;
	(xrf0) =	vmax.scan.msk.f32 $0xffff, v58;
	s13 =	sadd.s32 s13, s17;
	s25 =	spop (v2sf);
	s19 =	sshll.u32 s19, $0x6;
	v60 =	vbroadcast v0, $0xF  }
0x1f7: {  	v8 =	vnsel vm0, $0xFF800000, v52;
	v5 =	vld [tilespmem:s26+$0xFFFFFE87];
	(xrf0) =	vmax.scan.msk.f32 $0xffff, v7;
	s17 =	sand.u32 $0x40, s17;
	s16 =	sshll.u32 s25, $0x6;
	s21 =	spop (v2sf);
	vm1 =	veq.f32 v1, v59  }
0x1f8: {  	v9 =	vnsel vm0, $0xFF800000, v53;
	v4 =	vld [tilespmem:s26+$0xFFFFFF87];
	(xrf0) =	vmax.scan.msk.f32 $0xffff, v8;
	s8 =	sadd.s32 s8, s19;
	s13 =	sand.u32 $0xFFFFFF80, s13;
	s19 =	sand.u32 $0x40, s19;
	v15 =	vmctz.xlane vm1;
	vm2 =	veq.f32 v2, v60  }
0x1f9: {  	v10 =	vnsel vm0, $0xFF800000, v54;
	v3 =	vld [tilespmem:s26+$0xFFFFFF07];
	(xrf0) =	vmax.scan.msk.f32 $0xffff, v9;
	s10 =	sadd.s32 s10, s16;
	s23 =	spop (v2sf);
	s21 =	sshll.u32 s21, $0x6;
	v16 =	vmctz.xlane vm2  }
0x1fa: {  	v12 =	vnsel vm0, $0xFF800000, v56;
	v55 =	vld [tilespmem:s2+$0x30];
	(xrf0) =	vmax.scan.msk.f32 $0xffff, v10;
	s8 =	sand.u32 $0xFFFFFF80, s8;
	s13 =	sor.u32 s17, s13;
	s23 =	sshll.u32 s23, $0x6;
	(v2sf) =	vpush v15, $0x0  }
0x1fb: {  	v0 =	vld [tilespmem:s26+$0x7];
	v17, _, _ =	vpop (xrf0);
	(xrf0) =	vmax.scan.msk.f32 $0xffff, v12;
	s24 =	spop (v2sf);
	s11 =	sadd.s32 s11, s21;
	s10 =	sand.u32 $0xFFFFFF80, s10;
	(v2sf) =	vpush v16, $0x0  }
0x1fc: {  	v1 =	vld [tilespmem:s26+$0x87];
	s8 =	sor.u32 s19, s8;
	v18, _, _ =	vpop (xrf0);
	s14 =	sadd.s32 s14, s23;
	s24 =	sshll.u32 s24, $0x6  }
0x1fd: {  	s25 =	spop (v2sf);
	v2 =	vld [tilespmem:s26+$0x107];
	s26 =	sand.u32 $0x40, s16;
	s19 =	sand.u32 $0x40, s23;
	v20, _, _ =	vpop (xrf0)  }
0x1fe: {  	v61 =	vld [tilespmem:s13+$0x18000];
	v17 =	vbroadcast v17, $0xF;
	s15 =	sadd.s32 s15, s24;
	s25 =	sshll.u32 s25, $0x6;
	s2 =	sor.u32 s26, s10;
	v22, _, _ =	vpop (xrf0)  }
0x1ff: {  	v62 =	vld [tilespmem:s8+$0x18000];
	s17 =	sand.u32 $0xFFFFFF80, s14;
	s1 =	sadd.s32 s28, s25;
	s28 =	sand.u32 $0x40, s21;
	v28, _, _ =	vpop (xrf0)  }
0x200: {  	v63 =	vbroadcast v18, $0xF;
	vm1 =	veq.f32 v57, v17;
	v20 =	vbroadcast v20, $0xF;
	v19 =	vld [tilespmem:s2+$0x18000];
	s15 =	sand.u32 $0xFFFFFF80, s15;
	s21 =	sand.u32 $0x40, s24;
	s10 =	sor.u32 s19, s17;
	v24, _, _ =	vpop (xrf0)  }
0x201: {  	(xrf0) =	vmax.scan.msk.f32 $0xffff, v6;
	s11 =	sand.u32 $0xFFFFFF80, s11;
	[tilespmem:s31+$0x1B0] =	vst v55;
	v30 =	vmctz.xlane vm1;
	s15 =	sor.u32 s21, s15;
	v23 =	vld [tilespmem:s10+$0x18000];
	v32, _, _ =	vpop (xrf0)  }
0x202: {  	(xrf0) =	vmax.scan.msk.f32 $0xffff, v5;
	s23 =	sand.u32 $0x40, s25;
	vm1 =	veq.f32 v58, v63;
	s11 =	sor.u32 s28, s11;
	s1 =	sand.u32 $0xFFFFFF80, s1;
	vm2 =	veq.f32 v7, v20;
	v29 =	vld [tilespmem:s15+$0x18000];
	v7 =	vbroadcast v32, $0xF  }
0x203: {  	(xrf0) =	vmax.scan.msk.f32 $0xffff, v3;
	v36 =	vmctz.xlane vm1;
	v21 =	vld [tilespmem:s11+$0x18000];
	s24 =	sor.u32 s23, s1;
	[tilespmem:s31+$0xFFFFFE00] =	vst v61  }
0x204: {  	s25 =	sadd.s32 $0x18000, s13;
	(v2sf) =	vpush v30, $0x0;
	v31 =	vld [tilespmem:s24+$0x18000];
	[tilespmem:s31+$0xFFFFFE80] =	vst v62;
	vm1 =	veq.f32 v12, v7;
	v7 =	vmctz.xlane vm2  }
0x205: {  	s26 =	sadd.s32 $0x18000, s8;
	(xrf0) =	vmax.scan.msk.f32 $0xffff, v4;
	v33 =	vld [tilespmem:s25+$0x10];
	(v2sf) =	vpush v36, $0x0;
	[tilespmem:s31+$0xFFFFFF00] =	vst v19;
	v38 =	vmctz.xlane vm1  }
0x206: {  	v35 =	vbroadcast v22, $0xF;
	s28 =	sadd.s32 $0x18000, s2;
	s2 =	sadd.s32 $0x18000, s11;
	s11 =	sadd.s32 $0x18000, s10;
	(xrf0) =	vmax.scan.msk.f32 $0xffff, v0;
	v34 =	vld [tilespmem:s26+$0x10];
	[tilespmem:s31+$0x0] =	vst v23;
	(v2sf) =	vpush v7, $0x0  }
0x207: {  	v13 =	vbroadcast v28, $0xF;
	s17 =	sadd.s32 $0x18000, s15;
	v43, _, _ =	vpop (xrf0);
	(xrf0) =	vmax.scan.msk.f32 $0xffff, v1;
	v39 =	vld [tilespmem:s11+$0x10];
	[tilespmem:s31+$0x80] =	vst v29;
	(v2sf) =	vpush v38, $0x0  }
0x208: {  	v42 =	vbroadcast v24, $0xF;
	v45 =	vbroadcast v43, $0xF;
	v46, _, _ =	vpop (xrf0);
	[tilespmem:s31+$0xFFFFFF80] =	vst v21;
	v7 =	vld [tilespmem:s17+$0x10]  }
0x209: {  	(xrf0) =	vmax.scan.msk.f32 $0xffff, v2;
	vm2 =	veq.f32 v8, v35;
	v48 =	vbroadcast v46, $0xF;
	v19 =	vld [tilespmem:s28+$0x10];
	[tilespmem:s31+$0x100] =	vst v31;
	s21 =	spop (v2sf)  }
0x20a: {  	s19 =	sadd.s32 $0x18000, s24;
	v52, _, _ =	vpop (xrf0);
	v40 =	vmctz.xlane vm2;
	vm1 =	veq.f32 v9, v13;
	vm2 =	veq.f32 v10, v42;
	v37 =	vld [tilespmem:s2+$0x10];
	[tilespmem:s31+$0xFFFFFE10] =	vst v33;
	s23 =	spop (v2sf)  }
0x20b: {  	v53, _, _ =	vpop (xrf0);
	v50 =	vmctz.xlane vm1;
	v51 =	vmctz.xlane vm2;
	vm1 =	veq.f32 v6, v45;
	v41 =	vld [tilespmem:s19+$0x10];
	[tilespmem:s31+$0xFFFFFE90] =	vst v34;
	s15 =	sshll.u32 s21, $0x6;
	s16 =	sshll.u32 s23, $0xA  }
0x20c: {  	v55 =	vbroadcast v53, $0xF;
	v54 =	vmctz.xlane vm1;
	v56, _, _ =	vpop (xrf0);
	(v2sf) =	vpush v40, $0x0;
	v14 =	vld [tilespmem:s25+$0x20];
	[tilespmem:s31+$0x10] =	vst v39;
	s16 =	sadd.s32 s16, s15  }
0x20d: {  	vm1 =	veq.f32 v5, v48;
	v58, _, _ =	vpop (xrf0);
	(v2sf) =	vpush v50, $0x0;
	v6 =	vld [tilespmem:s11+$0x20];
	[tilespmem:s31+$0x90] =	vst v7;
	v7 =	vbroadcast v52, $0xF;
	s15 =	sand.u32 $0x40, s15;
	s16 =	sand.u32 $0xFFFFFF80, s16  }
0x20e: {  	v10 =	vmctz.xlane vm1;
	v44 =	vld [tilespmem:s26+$0x20];
	v60 =	vbroadcast v58, $0xF;
	[tilespmem:s31+$0xFFFFFF10] =	vst v19;
	(v2sf) =	vpush v51, $0x0;
	s15 =	sor.u32 s15, s16  }
0x20f: {  	(v2sf) =	vpush v54, $0x0;
	[tilespmem:s31+$0xFFFFFF90] =	vst v37;
	vm1 =	veq.f32 v3, v7;
	v3 =	vbroadcast v56, $0xF;
	v7 =	vld [tilespmem:s15+$0x18000]  }
0x210: {  	v61, _, _ =	vpop (xrf0);
	v47 =	vld [tilespmem:s28+$0x20];
	[tilespmem:s31+$0x110] =	vst v41;
	(v2sf) =	vpush v10, $0x0;
	v59 =	vmctz.xlane vm1;
	vm1 =	veq.f32 v4, v55  }
0x211: {  	v49 =	vld [tilespmem:s2+$0x20];
	[tilespmem:s31+$0xFFFFFE20] =	vst v14;
	v62 =	vmctz.xlane vm1;
	vm1 =	veq.f32 v0, v3;
	v3 =	vbroadcast v61, $0xF  }
0x212: {  	v5 =	vld [tilespmem:s17+$0x20];
	[tilespmem:s31+$0x20] =	vst v6;
	v6 =	vmctz.xlane vm1;
	vm1 =	veq.f32 v1, v60;
	(v2sf) =	vpush v59, $0x0  }
0x213: {  	s1 =	simm.s32 $0x14600;
	v57 =	vld [tilespmem:s19+$0x20];
	[tilespmem:s31+$0xFFFFFEA0] =	vst v44;
	s24 =	spop (v2sf);
	v8 =	vmctz.xlane vm1;
	vm1 =	veq.f32 v2, v3;
	(v2sf) =	vpush v62, $0x0  }
0x214: {  	v4 =	vld [tilespmem:s25+$0x30];
	s25 =	spop (v2sf);
	(v2sf) =	vpush v6, $0x0;
	[tilespmem:s1+$0x180] =	vst v7;
	v7 =	vmctz.xlane vm1  }
0x215: {  	v63 =	vld [tilespmem:s26+$0x30];
	[tilespmem:s31+$0xFFFFFF20] =	vst v47;
	s26 =	spop (v2sf);
	(v2sf) =	vpush v8, $0x0  }
0x216: {  	v0 =	vld [tilespmem:s28+$0x30];
	s28 =	spop (v2sf);
	(v2sf) =	vpush v7, $0x0;
	_ =	sdelay $0x1  }
0x217: {  	[tilespmem:s31+$0xFFFFFFA0] =	vst v49;
	v2 =	vld [tilespmem:s11+$0x30]  }
0x218: {  	s0 =	sshll.u32 s0, $0x13;
	[tilespmem:s31+$0xA0] =	vst v5;
	v1 =	vld [tilespmem:s2+$0x30];
	s8 =	sadd.s32 $0x18000, s15  }
0x219: {  	s0 =	sor.u32 s9, s0;
	s14 =	simm.s32 $0x8A00;
	[tilespmem:s31+$0x120] =	vst v57;
	v5 =	vld [tilespmem:s8+$0x10]  }
0x21a: {  	s24 =	sshll.u32 s24, $0xA;
	s25 =	sshll.u32 s25, $0xA;
	s2 =	simm.s32 $0x8;
	v3 =	vld [tilespmem:s17+$0x30];
	[tilespmem:s31+$0xFFFFFE30] =	vst v4  }
0x21b: {  	[tilespmem:s31+$0xFFFFFEB0] =	vst v63;
	v4 =	vld [tilespmem:s19+$0x30];
	s15 =	sshll.u32 s26, $0xA;
	s10 =	sshll.u32 s28, $0xA;
	s13 =	spop (v2sf)  }
.LBB2_12:
0x21c: {  	v6 =	vld [tilespmem:s14+$0x187];
	s11 =	sshll.u32 s13, $0xA;
	s13 =	spop (v2sf);
	[tilespmem:s31+$0xFFFFFF30] =	vst v0  }
0x21d: {  	s2 =	sadd.s32 $0x8, s2;
	v0 =	vld [tilespmem:s14+$0x180];
	s13 =	sshll.u32 s13, $0xA;
	s16 =	spop (v2sf);
	[tilespmem:s31+$0xFFFFFFB0] =	vst v1  }
0x21e: {  	p0 =	slt.u32 s2, $0x78;
	v1 =	vld [tilespmem:s14+$0xFFFFFE80];
	s16 =	sshll.u32 s16, $0xA;
	[tilespmem:s1+$0x190] =	vst v5;
	s17 =	spop (v2sf)  }
0x21f: {  	s17 =	sshll.u32 s17, $0x6;
	v5 =	vld [tilespmem:s8+$0x20];
	s19 =	spop (v2sf);
	[tilespmem:s31+$0x30] =	vst v2  }
0x220: {  	v2 =	vld [tilespmem:s14+$0xFFFFFF00];
	s10 =	sadd.s32 s10, s17;
	s19 =	sshll.u32 s19, $0x6;
	s21 =	spop (v2sf);
	[tilespmem:s31+$0xB0] =	vst v3  }
0x221: {  	v3 =	vld [tilespmem:s14+$0xFFFFFF80];
	s23 =	sadd.s32 s24, s19;
	s21 =	sshll.u32 s21, $0x6;
	s24 =	spop (v2sf);
	[tilespmem:s31+$0x130] =	vst v4  }
0x222: {  	v4 =	vld [tilespmem:s14+$0x0];
	v0 =	vnsel vm0, $0xFF800000, v0;
	(xrf0) =	vmax.scan.msk.f32 $0xffff, v6;
	s25 =	sadd.s32 s25, s21;
	s24 =	sshll.u32 s24, $0x6;
	s26 =	spop (v2sf)  }
0x223: {  	v1 =	vnsel vm0, $0xFF800000, v1;
	v7 =	vld [tilespmem:s14+$0x80];
	(xrf0) =	vmax.scan.msk.f32 $0xffff, v0;
	s15 =	sadd.s32 s15, s24;
	s26 =	sshll.u32 s26, $0x6;
	s28 =	spop (v2sf)  }
0x224: {  	v8 =	vld [tilespmem:s14+$0x100];
	(xrf0) =	vmax.scan.msk.f32 $0xffff, v1;
	s11 =	sadd.s32 s11, s26;
	s28 =	sshll.u32 s28, $0x6;
	[tilespmem:s1+$0x1A0] =	vst v5;
	s31 =	spop (v2sf)  }
0x225: {  	s10 =	sand.u32 $0xFFFFFF80, s10;
	v2 =	vnsel vm0, $0xFF800000, v2;
	s13 =	sadd.s32 s13, s28;
	s31 =	sshll.u32 s31, $0x6;
	v5 =	vld [tilespmem:s8+$0x30]  }
0x226: {  	s8 =	sand.u32 $0xFFFFFF80, s23;
	s23 =	sand.u32 $0xFFFFFF80, s25;
	v9 =	vld [tilespmem:s14+$0xFFFFFE00];
	v3 =	vnsel vm0, $0xFF800000, v3;
	(xrf0) =	vmax.scan.msk.f32 $0xffff, v2;
	s16 =	sadd.s32 s16, s31  }
0x227: {  	s15 =	sand.u32 $0xFFFFFF80, s15;
	s11 =	sand.u32 $0xFFFFFF80, s11;
	s13 =	sand.u32 $0xFFFFFF80, s13;
	v10 =	vld [tilespmem:s14+$0xFFFFFE07];
	v4 =	vnsel vm0, $0xFF800000, v4;
	(xrf0) =	vmax.scan.msk.f32 $0xffff, v3  }
0x228: {  	s17 =	sand.u32 $0x40, s17;
	s19 =	sand.u32 $0x40, s19;
	s16 =	sand.u32 $0xFFFFFF80, s16;
	v11 =	vld [tilespmem:s14+$0xFFFFFE87];
	v7 =	vnsel vm0, $0xFF800000, v7;
	(xrf0) =	vmax.scan.msk.f32 $0xffff, v4;
	v12, _, _ =	vpop (xrf0)  }
0x229: {  	s21 =	sand.u32 $0x40, s21;
	s24 =	sand.u32 $0x40, s24;
	s25 =	sand.u32 $0x40, s26;
	v13 =	vld [tilespmem:s14+$0xFFFFFF07];
	v8 =	vnsel vm0, $0xFF800000, v8;
	v17 =	vbroadcast v12, $0xF;
	(xrf0) =	vmax.scan.msk.f32 $0xffff, v7;
	v14, _, _ =	vpop (xrf0)  }
0x22a: {  	s17 =	sor.u32 s17, s10;
	s10 =	sand.u32 $0x40, s28;
	s26 =	sand.u32 $0x40, s31;
	v15 =	vld [tilespmem:s14+$0xFFFFFF87];
	v18 =	vbroadcast v14, $0xF;
	v16, _, _ =	vpop (xrf0);
	(xrf0) =	vmax.scan.msk.f32 $0xffff, v8;
	[tilespmem:s1+$0x1B0] =	vst v5  }
0x22b: {  	s19 =	sor.u32 s19, s8;
	s21 =	sor.u32 s21, s23;
	s23 =	sor.u32 s24, s15;
	v5 =	vnsel vm0, $0xFF800000, v9;
	v9 =	vbroadcast v16, $0xF;
	v16 =	vld [tilespmem:s14+$0x7];
	vm1 =	veq.f32 v6, v17  }
0x22c: {  	s25 =	sor.u32 s25, s11;
	s28 =	sor.u32 s10, s13;
	s24 =	sor.u32 s26, s16;
	v6 =	vld [tilespmem:s14+$0x87];
	vm2 =	veq.f32 v0, v18;
	v0 =	vmctz.xlane vm1;
	(xrf0) =	vmax.scan.msk.f32 $0xffff, v5;
	v12, _, _ =	vpop (xrf0)  }
0x22d: {  	s15 =	sadd.s32 $0x18000, s17;
	s13 =	sadd.s32 $0x18000, s19;
	s10 =	sadd.s32 $0x18000, s21;
	vm1 =	veq.f32 v1, v9;
	v1 =	vbroadcast v12, $0xF;
	v9 =	vld [tilespmem:s14+$0x107];
	v12 =	vmctz.xlane vm2;
	(xrf0) =	vmax.scan.msk.f32 $0xffff, v10;
	v14, _, _ =	vpop (xrf0)  }
0x22e: {  	s8 =	sadd.s32 $0x18000, s23;
	s11 =	sadd.s32 $0x18000, s25;
	s16 =	sadd.s32 $0x18000, s28;
	v17 =	vmctz.xlane vm1;
	v14 =	vbroadcast v14, $0xF;
	(xrf0) =	vmax.scan.msk.f32 $0xffff, v11;
	v18, _, _ =	vpop (xrf0);
	(v2sf) =	vpush v0, $0x0;
	v0 =	vld [tilespmem:s17+$0x18000]  }
0x22f: {  	s31 =	smov.u32 s1;
	s17 =	sadd.s32 $0x18000, s24;
	vm1 =	veq.f32 v2, v1;
	v1 =	vbroadcast v18, $0xF;
	(xrf0) =	vmax.scan.msk.f32 $0xffff, v13;
	v2, _, _ =	vpop (xrf0);
	(v2sf) =	vpush v12, $0x0;
	v12 =	vld [tilespmem:s19+$0x18000]  }
0x230: {  	v18 =	vmctz.xlane vm1;
	vm1 =	veq.f32 v3, v14;
	v20 =	vbroadcast v2, $0xF;
	(xrf0) =	vmax.scan.msk.f32 $0xffff, v15;
	v3, _, _ =	vpop (xrf0);
	v14 =	vld [tilespmem:s21+$0x18000]  }
0x231: {  	v19 =	vmctz.xlane vm1;
	vm1 =	veq.f32 v4, v1;
	v22 =	vbroadcast v3, $0xF;
	(xrf0) =	vmax.scan.msk.f32 $0xffff, v16;
	v3 =	vld [tilespmem:s23+$0x18000]  }
0x232: {  	v4 =	vmctz.xlane vm1;
	vm1 =	veq.f32 v7, v20;
	v2, _, _ =	vpop (xrf0);
	(v2sf) =	vpush v17, $0x0;
	(xrf0) =	vmax.scan.msk.f32 $0xffff, v6;
	v7 =	vld [tilespmem:s25+$0x18000]  }
0x233: {  	v2 =	vbroadcast v2, $0xF;
	v17 =	vmctz.xlane vm1;
	vm1 =	veq.f32 v8, v22;
	v1, _, _ =	vpop (xrf0);
	(xrf0) =	vmax.scan.msk.f32 $0xffff, v9;
	v8 =	vld [tilespmem:s28+$0x18000]  }
0x234: {  	v1 =	vbroadcast v1, $0xF;
	v20 =	vmctz.xlane vm1;
	v21, _, _ =	vpop (xrf0);
	(v2sf) =	vpush v18, $0x0;
	[tilespmem:s1+$0xFFFFFE00] =	vst v0;
	v0 =	vld [tilespmem:s24+$0x18000]  }
0x235: {  	vm1 =	veq.f32 v5, v2;
	v2 =	vbroadcast v21, $0xF;
	v5, _, _ =	vpop (xrf0);
	(v2sf) =	vpush v19, $0x0;
	v18 =	vld [tilespmem:s15+$0x10];
	[tilespmem:s1+$0xFFFFFE80] =	vst v12  }
0x236: {  	v12 =	vmctz.xlane vm1;
	vm1 =	veq.f32 v10, v1;
	v1 =	vbroadcast v5, $0xF;
	v5, _, _ =	vpop (xrf0);
	v10 =	vld [tilespmem:s13+$0x10];
	[tilespmem:s1+$0xFFFFFF00] =	vst v14  }
0x237: {  	v14 =	vmctz.xlane vm1;
	vm1 =	veq.f32 v11, v2;
	v2 =	vbroadcast v5, $0xF;
	v5, _, _ =	vpop (xrf0);
	v11 =	vld [tilespmem:s10+$0x10];
	[tilespmem:s1+$0xFFFFFF80] =	vst v3  }
0x238: {  	v3 =	vmctz.xlane vm1;
	vm1 =	veq.f32 v13, v1;
	v1 =	vbroadcast v5, $0xF;
	v5, _, _ =	vpop (xrf0);
	v13 =	vld [tilespmem:s8+$0x10];
	[tilespmem:s1+$0x0] =	vst v7  }
0x239: {  	v7 =	vmctz.xlane vm1;
	vm1 =	veq.f32 v15, v2;
	v2 =	vbroadcast v5, $0xF;
	v5, _, _ =	vpop (xrf0);
	v15 =	vld [tilespmem:s11+$0x10];
	[tilespmem:s1+$0x80] =	vst v8  }
0x23a: {  	v8 =	vmctz.xlane vm1;
	vm1 =	veq.f32 v16, v1;
	v1 =	vbroadcast v5, $0xF;
	v5 =	vld [tilespmem:s16+$0x10];
	[tilespmem:s1+$0x100] =	vst v0  }
0x23b: {  	v0 =	vmctz.xlane vm1;
	vm1 =	veq.f32 v6, v2;
	(v2sf) =	vpush v12, $0x0;
	[tilespmem:s1+$0xFFFFFE10] =	vst v18;
	v2 =	vld [tilespmem:s17+$0x10]  }
0x23c: {  	v6 =	vmctz.xlane vm1;
	vm1 =	veq.f32 v9, v1;
	(v2sf) =	vpush v4, $0x0;
	v1 =	vld [tilespmem:s15+$0x20];
	[tilespmem:s1+$0xFFFFFE90] =	vst v10  }
0x23d: {  	v4 =	vmctz.xlane vm1;
	(v2sf) =	vpush v17, $0x0;
	s19 =	spop (v2sf);
	v9 =	vld [tilespmem:s13+$0x20];
	[tilespmem:s1+$0xFFFFFF10] =	vst v11  }
0x23e: {  	(v2sf) =	vpush v20, $0x0;
	s21 =	spop (v2sf);
	v10 =	vld [tilespmem:s10+$0x20];
	[tilespmem:s1+$0xFFFFFF90] =	vst v13  }
0x23f: {  	s19 =	sshll.u32 s19, $0x6;
	s21 =	sshll.u32 s21, $0xA;
	(v2sf) =	vpush v14, $0x0;
	v11 =	vld [tilespmem:s8+$0x20];
	[tilespmem:s1+$0x10] =	vst v15  }
0x240: {  	s21 =	sadd.s32 s21, s19;
	(v2sf) =	vpush v3, $0x0;
	v3 =	vld [tilespmem:s11+$0x20];
	[tilespmem:s1+$0x90] =	vst v5  }
0x241: {  	s19 =	sand.u32 $0x40, s19;
	s21 =	sand.u32 $0xFFFFFF80, s21;
	s23 =	spop (v2sf);
	(v2sf) =	vpush v7, $0x0;
	v5 =	vld [tilespmem:s16+$0x20];
	[tilespmem:s1+$0x110] =	vst v2  }
0x242: {  	s24 =	sshll.u32 s23, $0xA;
	s19 =	sor.u32 s19, s21;
	(v2sf) =	vpush v8, $0x0;
	[tilespmem:s1+$0xFFFFFE20] =	vst v1;
	v7 =	vld [tilespmem:s17+$0x20]  }
0x243: {  	v2 =	vld [tilespmem:s19+$0x18000];
	s21 =	spop (v2sf);
	(v2sf) =	vpush v0, $0x0;
	[tilespmem:s1+$0xFFFFFEA0] =	vst v9  }
0x244: {  	s25 =	sshll.u32 s21, $0xA;
	s21 =	spop (v2sf);
	(v2sf) =	vpush v6, $0x0;
	v6 =	vld [tilespmem:s15+$0x30];
	[tilespmem:s1+$0xFFFFFF20] =	vst v10  }
0x245: {  	s15 =	sshll.u32 s21, $0xA;
	(v2sf) =	vpush v4, $0x0;
	v4 =	vld [tilespmem:s13+$0x30];
	[tilespmem:s1+$0xFFFFFFA0] =	vst v11  }
0x246: {  	v0 =	vld [tilespmem:s10+$0x30];
	[tilespmem:s1+$0x20] =	vst v3  }
.Ltmp9:
0x247: {  	s1 =	sadd.s32 $0x400, s1;
	v1 =	vld [tilespmem:s8+$0x30];
	[tilespmem:s31+$0xA0] =	vst v5;
	(pc) =	sbr.rel @p0 .LBB2_12-.Ltmp9, $4  }
0x248: {  	s8 =	sadd.s32 $0x18000, s19;
	[tilespmem:s1+$0x180] =	vst v2;
	v2 =	vld [tilespmem:s11+$0x30]  }
0x249: {  	v5 =	vld [tilespmem:s8+$0x10];
	[tilespmem:s31+$0x120] =	vst v7  }
0x24a: {  	s10 =	spop (v2sf);
	[tilespmem:s31+$0xFFFFFE30] =	vst v6;
	v3 =	vld [tilespmem:s16+$0x30]  }
0x24b: {  	s14 =	sadd.s32 $0x400, s14;
	s10 =	sshll.u32 s10, $0xA;
	s13 =	spop (v2sf);
	[tilespmem:s31+$0xFFFFFEB0] =	vst v4;
	v4 =	vld [tilespmem:s17+$0x30]  }
0x24c: {  	s2 =	spop (v2sf)  }
0x24d: {  	s11 =	spop (v2sf)  }
0x24e: {  	s13 =	sshll.u32 s13, $0xA;
	s14 =	spop (v2sf)  }
0x24f: {  	s2 =	sshll.u32 s2, $0xA;
	s14 =	sshll.u32 s14, $0x6;
	s16 =	spop (v2sf)  }
0x250: {  	s11 =	sshll.u32 s11, $0xA;
	s10 =	sadd.s32 s10, s14;
	s17 =	spop (v2sf)  }
0x251: {  	s16 =	sshll.u32 s16, $0x6;
	s14 =	sand.u32 $0x40, s14;
	s17 =	sshll.u32 s17, $0x6  }
0x252: {  	[tilespmem:s1+$0x190] =	vst v5;
	s19 =	spop (v2sf);
	s21 =	sadd.s32 s24, s16;
	s10 =	sand.u32 $0xFFFFFF80, s10  }
0x253: {  	v5 =	vld [tilespmem:s8+$0x20];
	s16 =	sand.u32 $0x40, s16;
	s23 =	sadd.s32 s25, s17;
	s25 =	spop (v2sf)  }
0x254: {  	s19 =	sshll.u32 s19, $0x6;
	s21 =	sand.u32 $0xFFFFFF80, s21;
	s10 =	sor.u32 s14, s10  }
0x255: {  	s17 =	sand.u32 $0x40, s17;
	s24 =	sshll.u32 s25, $0x6;
	s26 =	spop (v2sf)  }
0x256: {  	[tilespmem:s31+$0xFFFFFF30] =	vst v0;
	s15 =	sadd.s32 s15, s19;
	s28 =	sand.u32 $0xFFFFFF80, s23;
	s16 =	sor.u32 s16, s21  }
0x257: {  	[tilespmem:s31+$0xFFFFFFB0] =	vst v1;
	v36 =	vld [tilespmem:s10+$0x18000];
	s23 =	sand.u32 $0x40, s19;
	s13 =	sadd.s32 s13, s24;
	s25 =	sshll.u32 s26, $0x6  }
0x258: {  	s26 =	spop (v2sf);
	[tilespmem:s1+$0x1A0] =	vst v5;
	s15 =	sand.u32 $0xFFFFFF80, s15;
	v37 =	vld [tilespmem:s16+$0x18000];
	s24 =	sand.u32 $0x40, s24  }
0x259: {  	[tilespmem:s31+$0x30] =	vst v2;
	s2 =	sadd.s32 s2, s25;
	s26 =	sshll.u32 s26, $0x6;
	v5 =	vld [tilespmem:s8+$0x30];
	s8 =	sor.u32 s17, s28  }
0x25a: {  	[tilespmem:s31+$0xB0] =	vst v3;
	s13 =	sand.u32 $0xFFFFFF80, s13;
	s15 =	sor.u32 s23, s15;
	s25 =	sand.u32 $0x40, s25;
	v38 =	vld [tilespmem:s8+$0x18000]  }
0x25b: {  	[tilespmem:s31+$0x130] =	vst v4;
	s11 =	sadd.s32 s11, s26;
	s2 =	sand.u32 $0xFFFFFF80, s2;
	s13 =	sor.u32 s24, s13;
	v39 =	vld [tilespmem:s15+$0x18000]  }
0x25c: {  	s26 =	sand.u32 $0x40, s26;
	s11 =	sand.u32 $0xFFFFFF80, s11;
	s2 =	sor.u32 s25, s2;
	v40 =	vld [tilespmem:s13+$0x18000];
	[tilespmem:s1+$0xFFFFFE00] =	vst v36  }
0x25d: {  	s11 =	sor.u32 s26, s11;
	v41 =	vld [tilespmem:s2+$0x18000];
	[tilespmem:s1+$0xFFFFFE80] =	vst v37  }
0x25e: {  	s10 =	sadd.s32 $0x18000, s10;
	v42 =	vld [tilespmem:s11+$0x18000];
	[tilespmem:s1+$0x1B0] =	vst v5  }
0x25f: {  	s28 =	sadd.s32 $0x18000, s16;
	v43 =	vld [tilespmem:s10+$0x10];
	[tilespmem:s1+$0xFFFFFF00] =	vst v38  }
0x260: {  	s8 =	sadd.s32 $0x18000, s8;
	v44 =	vld [tilespmem:s28+$0x10];
	[tilespmem:s1+$0xFFFFFF80] =	vst v39  }
0x261: {  	s15 =	sadd.s32 $0x18000, s15;
	v45 =	vld [tilespmem:s8+$0x10];
	[tilespmem:s1+$0x0] =	vst v40  }
0x262: {  	s13 =	sadd.s32 $0x18000, s13;
	v46 =	vld [tilespmem:s15+$0x10];
	[tilespmem:s1+$0x80] =	vst v41  }
0x263: {  	s2 =	sadd.s32 $0x18000, s2;
	v47 =	vld [tilespmem:s13+$0x10];
	[tilespmem:s1+$0x100] =	vst v42  }
0x264: {  	s11 =	sadd.s32 $0x18000, s11;
	v48 =	vld [tilespmem:s2+$0x10];
	[tilespmem:s1+$0xFFFFFE10] =	vst v43  }
0x265: {  	v49 =	vld [tilespmem:s11+$0x10];
	[tilespmem:s1+$0xFFFFFE90] =	vst v44  }
0x266: {  	v50 =	vld [tilespmem:s10+$0x20];
	[tilespmem:s1+$0xFFFFFF10] =	vst v45  }
0x267: {  	v51 =	vld [tilespmem:s28+$0x20];
	[tilespmem:s1+$0xFFFFFF90] =	vst v46  }
0x268: {  	v52 =	vld [tilespmem:s8+$0x20];
	[tilespmem:s1+$0x10] =	vst v47  }
0x269: {  	v53 =	vld [tilespmem:s15+$0x20];
	[tilespmem:s1+$0x90] =	vst v48  }
0x26a: {  	v54 =	vld [tilespmem:s13+$0x20];
	[tilespmem:s1+$0x110] =	vst v49  }
0x26b: {  	v55 =	vld [tilespmem:s2+$0x20];
	[tilespmem:s1+$0xFFFFFE20] =	vst v50  }
0x26c: {  	v56 =	vld [tilespmem:s11+$0x20];
	[tilespmem:s1+$0xFFFFFEA0] =	vst v51  }
0x26d: {  	v57 =	vld [tilespmem:s10+$0x30];
	[tilespmem:s1+$0xFFFFFF20] =	vst v52  }
0x26e: {  	v58 =	vld [tilespmem:s28+$0x30];
	[tilespmem:s1+$0xFFFFFFA0] =	vst v53  }
0x26f: {  	v59 =	vld [tilespmem:s8+$0x30];
	[tilespmem:s1+$0x20] =	vst v54  }
0x270: {  	v60 =	vld [tilespmem:s15+$0x30];
	[tilespmem:s1+$0xA0] =	vst v55  }
0x271: {  	v61 =	vld [tilespmem:s13+$0x30];
	[tilespmem:s1+$0x120] =	vst v56  }
0x272: {  	[tilespmem:s1+$0xFFFFFE30] =	vst v57;
	v62 =	vld [tilespmem:s2+$0x30]  }
0x273: {  	[tilespmem:s1+$0xFFFFFEB0] =	vst v58;
	v63 =	vld [tilespmem:s11+$0x30]  }
0x274: {  	[tilespmem:s1+$0xFFFFFF30] =	vst v59  }
0x275: {  	[tilespmem:s1+$0xFFFFFFB0] =	vst v60  }
0x276: {  	[tilespmem:s1+$0x30] =	vst v61  }
0x277: {  	s0 =	sshrl.u32 s0, $0x3;
	[tilespmem:s1+$0xB0] =	vst v62  }
0x278: {  	s0 =	sadd.s32 s7, s0;
	s31 =	simm.s32 $0x14000;
	[tilespmem:s1+$0x130] =	vst v63  }
0x279: {  	[hbm4b:s0+s3] =	stream.linear.scatter [tilespmem:s31], [sflag:$0x6], $0x4000, $0x38;
	[tilespmem:$0x19C00] =	vst v63  }
0x27a: {  	s0 =	sadd.s32 $0x5, s30  }
0x27b: {  	p0 =	sge.u32 s0, s5  }
.Ltmp10:
0x27c: {  	s0 =	sshll.u32 @!p0 s0, $0x13;
	(pc) =	sbr.rel .LBB2_14-.Ltmp10, $4  }
0x27d: {  	s0 =	sor.u32 @!p0 s9, s0  }
0x27e: {  	s0 =	sshrl.u32 @!p0 s0, $0x3  }
0x27f: {  	s1 =	simm.s32 @!p0 $0x0;
	s2 =	simm.s32 @!p0 $0x8000;
	s0 =	sadd.s32 @!p0 s6, s0  }
0x280: {  	[tilespmem:s2], [sflag:$0x3] =	stream.linear.gather @!p0 [hbm4b:s0+s1], $0x4000, $0x38;
	[tilespmem:$0x19C00] =	vst v63  }
.LBB2_16:
0x281: {  	_ =	sfence.sel $0x180000  }
0x282: {  	[bflag:$0x0] =	sbarrier.arrive $0xFFFF  }
0x283: {  	_ =	strace $0x90000047  }
0x284: {  	s0 =	stileid.u32;
	[bflag:$0x2] =	sbarrier.arrive $0xFFFF  }
0x285: {  	p0 =	sne.s32 s0, $0x0;
	s0 =	rddreg [dreg:$0x2]  }
0x286: {  	s0 =	sadd.s32 @!p0 $0x100000, s0  }
0x287: {  	[sflag:s0] =	ssyncadd.tile.s32 @!p0 $0x1;
	_ =	shalt  }
.Lfunc_end2:
_tile_overlayer_lowered:
.L_overlay_start_2:
0x288: {  	(tag) =	ssettag $0x2  }
0x289: {  	s0 =	rddreg [dreg:$0x0];
	s2 =	stileid.u32  }
0x28a: {  	s1 =	rddreg [dreg:$0x1];
	p0 =	sne.s32 s2, $0x0  }
0x28b: {  	s3 =	rddreg [dreg:$0x2];
	[bflag:$0x3] =	sbarrier.arrive $0xFFFF;
	s2 =	simm.s32 @!p0 $0x1C07  }
0x28c: {  	[timem:s3], [sflag:s2] =	dma.local @!p0 [hbm:s0], s1  }
0x28d: {  	s0 =	simm.s32 @!p0 $0x7  }
0x28e: {  	_ =	swait.ge @!p0 [sflag:s0], s1  }
0x28f: {  	s1 =	ssub.s32 @!p0 $0x0, s1;
	[sflag:s0] =	ssyncset.done @!p0 $0x0  }
0x290: {  	[sflag:s0] =	ssyncadd.s32 @!p0 s1  }
0x291: {  	[bflag:$0x3] =	sbarrier.arrive $0xFFFF  }
0x292: {  	_ =	shalt  }

</sc_bundles>
